<compile_context>
chip_gen: v7x
topology: tpu7x:2x2x1
jax: 0.10.2.dev20260603
libtpu: 0.0.44.dev20260713+nightly
codegen_flags: <defaults>
</compile_context>

<pallas_src>
import functools

import jax
import jax.numpy as jnp
import numpy as np
from jax import lax
from jax.experimental import pallas as pl
from jax.experimental.pallas import tpu as pltpu
from jax.experimental.pallas import tpu_sc as plsc

N_ITEMS = 100000
N_USERS = 100000
B = 4096
HIST = 200
D_TEXT = 128
D_GCN = 64
D_HID = 256
D_TOW = 128

ITEM_BLOCK = 6400


def _item_tower_body(xt_ref, xgt_ref, w1a_ref, w1b_ref, b1_ref, w2_ref, b2_ref,
                     out_ref):
    xt = xt_ref[...].astype(jnp.bfloat16)
    xgt = xgt_ref[...].astype(jnp.bfloat16)
    h = jnp.dot(xt, w1a_ref[...], preferred_element_type=jnp.float32)
    h += lax.dot_general(xgt, w1b_ref[...], (((0,), (0,)), ((), ())),
                         preferred_element_type=jnp.float32)
    h = jnp.maximum(h + b1_ref[...], 0.0).astype(jnp.bfloat16)
    e = jnp.dot(h, w2_ref[...], preferred_element_type=jnp.float32) + b2_ref[...]
    eb = e.astype(jnp.bfloat16)
    n2 = jnp.dot(eb * eb, jnp.ones((D_TOW, 1), jnp.bfloat16),
                 preferred_element_type=jnp.float32)
    inv = lax.rsqrt(jnp.maximum(n2, 1e-24)).astype(jnp.bfloat16)
    enb = eb * inv
    lo = lax.bitcast_convert_type(
        enb[:, :D_TOW // 2].astype(jnp.float32), jnp.uint32)
    hi = lax.bitcast_convert_type(
        enb[:, D_TOW // 2:].astype(jnp.float32), jnp.uint32)
    out_ref[:, :D_TOW // 2] = lax.bitcast_convert_type(
        (lo >> 16) | hi, jnp.float32)


def _item_tower(item_text_emb, gcn_item_emb_t, w1a, w1b, b1, w2, b2):
    grid = (N_ITEMS + ITEM_BLOCK - 1) // ITEM_BLOCK
    return pl.pallas_call(
        _item_tower_body,
        grid=(grid,),
        in_specs=[
            pl.BlockSpec((ITEM_BLOCK, D_TEXT), lambda i: (i, 0)),
            pl.BlockSpec((D_GCN, ITEM_BLOCK), lambda i: (0, i)),
            pl.BlockSpec((D_TEXT, D_HID), lambda i: (0, 0)),
            pl.BlockSpec((D_GCN, D_HID), lambda i: (0, 0)),
            pl.BlockSpec((1, D_HID), lambda i: (0, 0)),
            pl.BlockSpec((D_HID, D_TOW), lambda i: (0, 0)),
            pl.BlockSpec((1, D_TOW), lambda i: (0, 0)),
        ],
        out_specs=pl.BlockSpec((ITEM_BLOCK, D_TOW), lambda i: (i, 0)),
        out_shape=jax.ShapeDtypeStruct((N_ITEMS, D_TOW), jnp.float32),
    )(item_text_emb, gcn_item_emb_t, w1a, w1b, b1, w2, b2)


def _user_pre_body(xgt_ref, w_ref, b_ref, out_ref):
    xgt = xgt_ref[...].astype(jnp.bfloat16)
    g = lax.dot_general(xgt, w_ref[...], (((0,), (0,)), ((), ())),
                        preferred_element_type=jnp.float32) + b_ref[...]
    gb = lax.bitcast_convert_type(g.astype(jnp.bfloat16), jnp.uint16)
    lo = gb[:, :D_HID // 2].astype(jnp.uint32)
    hi = gb[:, D_HID // 2:].astype(jnp.uint32)
    out_ref[...] = lax.bitcast_convert_type(lo | (hi << 16), jnp.float32)


def _user_pre(gcn_user_emb_t, w1a, b1):
    blk = 12800
    grid = (N_USERS + blk - 1) // blk
    return pl.pallas_call(
        _user_pre_body,
        grid=(grid,),
        in_specs=[
            pl.BlockSpec((D_GCN, blk), lambda i: (0, i)),
            pl.BlockSpec((D_GCN, D_HID), lambda i: (0, 0)),
            pl.BlockSpec((1, D_HID), lambda i: (0, 0)),
        ],
        out_specs=pl.BlockSpec((blk, D_HID // 2), lambda i: (i, 0)),
        out_shape=jax.ShapeDtypeStruct((N_USERS, D_HID // 2), jnp.float32),
    )(gcn_user_emb_t, w1a, b1)


def _sc_ufeat_call(g_tab, users):
    info = plsc.get_sparse_core_info()
    nc, ns, nl = info.num_cores, info.num_subcores, info.num_lanes
    nw = nc * ns
    upw = B // nw

    mesh = plsc.VectorSubcoreMesh(core_axis_name="c", subcore_axis_name="s")

    @functools.partial(
        pl.kernel,
        out_type=jax.ShapeDtypeStruct((B, D_HID // 2), jnp.float32),
        mesh=mesh,
        compiler_params=pltpu.CompilerParams(use_tc_tiling_on_sc=False),
        scratch_types=[
            pltpu.VMEM((upw,), jnp.int32),
            pltpu.VMEM((upw, D_HID // 2), jnp.float32),
            pltpu.SemaphoreType.DMA,
        ],
    )
    def sc_ufeat(g_h, users_h, g_out, uid_v, rows_v, sem):
        wid = lax.axis_index("s") * nc + lax.axis_index("c")
        base = wid * upw
        pltpu.sync_copy(users_h.at[pl.ds(base, upw)], uid_v)
        pltpu.async_copy(g_h.at[uid_v], rows_v, sem).wait()
        pltpu.sync_copy(rows_v, g_out.at[pl.ds(base, upw)])

    return sc_ufeat(g_tab, users)


def _sc_pool_call(item_tab, user_hist_flat):
    info = plsc.get_sparse_core_info()
    nc, ns, nl = info.num_cores, info.num_subcores, info.num_lanes
    nw = nc * ns
    upw = B // nw
    c0 = 128
    c1 = HIST - c0
    dpack = D_TOW // 2
    npair = dpack // nl
    nslots = 8

    mesh = plsc.VectorSubcoreMesh(core_axis_name="c", subcore_axis_name="s")

    @functools.partial(
        pl.kernel,
        out_type=jax.ShapeDtypeStruct((B, D_TOW), jnp.float32),
        mesh=mesh,
        compiler_params=pltpu.CompilerParams(use_tc_tiling_on_sc=False,
                                             needs_layout_passes=False),
        scratch_types=[
            pltpu.VMEM((upw * HIST,), jnp.int32),
            pltpu.VMEM((nslots, HIST, dpack), jnp.float32),
            pltpu.VMEM((D_TOW,), jnp.float32),
        ] + [pltpu.SemaphoreType.DMA] * 8,
    )
    def sc_pool(item_h, hist_h, hist_out,
                idx_all, rows_v, accrow_v, *sems):
        wid = lax.axis_index("s") * nc + lax.axis_index("c")
        base = wid * upw

        pltpu.sync_copy(hist_h.at[pl.ds(base * HIST, upw * HIST)], idx_all)

        def copies(slot, u):
            ra = rows_v.at[slot, pl.ds(0, c0)]
            rb = rows_v.at[slot, pl.ds(c0, c1)]
            sem = sems[slot]
            return (
                pltpu.make_async_copy(
                    item_h.at[idx_all.at[pl.ds(u * HIST, c0)]], ra, sem),
                pltpu.make_async_copy(
                    item_h.at[idx_all.at[pl.ds(u * HIST + c0, c1)]], rb, sem),
            )

        def issue(slot, u):
            for c in copies(slot, u):
                c.start()

        def wait_acc(slot, u):
            for c in copies(slot, u):
                c.wait()

            def acc_row(r, acc):
                new = list(acc)
                for k in range(npair):
                    x = rows_v[slot, r, pl.ds(k * nl, nl)]
                    lo, hi = plsc.unpack(plsc.bitcast(x, jnp.bfloat16),
                                         format=plsc.PackFormat.INTERLEAVED)
                    new[k] = acc[k] + lo
                    new[npair + k] = acc[npair + k] + hi
                return tuple(new)

            zero = tuple(jnp.zeros((nl,), jnp.float32)
                         for _ in range(2 * npair))
            acc = lax.fori_loop(0, HIST, acc_row, zero, unroll=2)
            for k in range(2 * npair):
                accrow_v[pl.ds(k * nl, nl)] = acc[k]
            pltpu.sync_copy(accrow_v, hist_out.at[base + u])

        for s in range(nslots):
            issue(s, s)

        def body(j, carry):
            u0 = nslots * j
            for s in range(nslots):
                wait_acc(s, u0 + s)

                @pl.when(u0 + s + nslots < upw)
                def _(s=s):
                    issue(s, u0 + s + nslots)

            return carry

        lax.fori_loop(0, upw // nslots, body, 0)

    return sc_pool(item_tab, user_hist_flat)


def _user_tower_body(g_ref, hs_ref, w1b_ref, w2_ref, b2_ref, out_ref):
    ug = lax.bitcast_convert_type(g_ref[...], jnp.uint32)
    g_lo = lax.bitcast_convert_type((ug & jnp.uint32(0xFFFF)) << 16,
                                    jnp.float32)
    g_hi = lax.bitcast_convert_type(ug & jnp.uint32(0xFFFF0000), jnp.float32)
    m = jnp.dot(hs_ref[...], w1b_ref[...], preferred_element_type=jnp.float32)
    h1 = jnp.maximum(g_lo + m[:, :D_HID // 2], 0.0).astype(jnp.bfloat16)
    h2 = jnp.maximum(g_hi + m[:, D_HID // 2:], 0.0).astype(jnp.bfloat16)
    e = jnp.dot(h1, w2_ref[:D_HID // 2], preferred_element_type=jnp.float32)
    e += jnp.dot(h2, w2_ref[D_HID // 2:], preferred_element_type=jnp.float32)
    e += b2_ref[...]
    n = jnp.sqrt(jnp.sum(e * e, axis=1, keepdims=True))
    out_ref[...] = e / jnp.maximum(n, 1e-12)


def _user_tower(g_rows, hist_sum, w1b, w2, b2):
    blk = 2048
    grid = B // blk
    return pl.pallas_call(
        _user_tower_body,
        grid=(grid,),
        in_specs=[
            pl.BlockSpec((blk, D_HID // 2), lambda i: (i, 0)),
            pl.BlockSpec((blk, D_TOW), lambda i: (i, 0)),
            pl.BlockSpec((D_TOW, D_HID), lambda i: (0, 0)),
            pl.BlockSpec((D_HID, D_TOW), lambda i: (0, 0)),
            pl.BlockSpec((1, D_TOW), lambda i: (0, 0)),
        ],
        out_specs=pl.BlockSpec((blk, D_TOW), lambda i: (i, 0)),
        out_shape=jax.ShapeDtypeStruct((B, D_TOW), jnp.float32),
    )(g_rows, hist_sum, w1b, w2, b2)


def kernel(item_text_emb, gcn_item_emb, gcn_user_emb, users, user_hist,
           Wi1, bi1, Wi2, bi2, Wu1, bu1, Wu2, bu2):
    wi1a = Wi1[:D_TEXT].astype(jnp.bfloat16)
    wi1b = Wi1[D_TEXT:].astype(jnp.bfloat16)
    item_emb = _item_tower(item_text_emb, gcn_item_emb.T, wi1a, wi1b,
                           bi1.reshape(1, -1), Wi2.astype(jnp.bfloat16),
                           bi2.reshape(1, -1))
    item_tab = item_emb.reshape(2 * N_ITEMS, D_TOW // 2)

    users_i = users.astype(jnp.int32)
    hist_i = (user_hist.astype(jnp.int32) * 2).reshape(-1)
    hist_sum = _sc_pool_call(item_tab, hist_i)

    g_tab = _user_pre(gcn_user_emb.T, Wu1[:D_GCN].astype(jnp.bfloat16),
                      bu1.reshape(1, -1))
    g_rows = _sc_ufeat_call(g_tab, users_i)

    wu1b = Wu1[D_GCN:] * (1.0 / HIST)
    return _user_tower(g_rows, hist_sum, wu1b, Wu2, bu2.reshape(1, -1))

# --- scband reference (transcript-rebuilt; emitter-appended) ---
"""Pipeline reference for scband-hybrid-two-tower-65506841198656 (READ-ONLY COPY).

The authoritative reference and input builder live on the scoring server;
editing this copy changes nothing except your own understanding.
"""

import jax, jax.numpy as jnp
import numpy as np

SVD_TARGET_DIM = 128
GCN_DIM = 64
HIDDEN_DIM = 256
TOWER_DIM = 128
N_ITEMS = 100000
N_USERS = 100000
B = 4096
HIST = 200


def setup_inputs(seed: int = 0) -> dict:
    key = jax.random.key(seed)
    ks = jax.random.split(key, 12)
    inp = {
        "item_text_emb": jax.random.normal(ks[0], (N_ITEMS, SVD_TARGET_DIM), dtype=jnp.float32),
        "gcn_item_emb": jax.random.normal(ks[1], (N_ITEMS, GCN_DIM), dtype=jnp.float32),
        "gcn_user_emb": jax.random.normal(ks[2], (N_USERS, GCN_DIM), dtype=jnp.float32),
        "users": jax.random.randint(ks[3], (B,), 0, N_USERS, dtype=jnp.int64 if jax.config.jax_enable_x64 else jnp.int32),
        "user_hist": jax.random.randint(ks[4], (B, HIST), 0, N_ITEMS, dtype=jnp.int64 if jax.config.jax_enable_x64 else jnp.int32),
        "Wi1": jax.random.normal(ks[5], (SVD_TARGET_DIM + GCN_DIM, HIDDEN_DIM), dtype=jnp.float32) * (1.0 / np.sqrt(SVD_TARGET_DIM + GCN_DIM)),
        "bi1": jnp.zeros((HIDDEN_DIM,), dtype=jnp.float32),
        "Wi2": jax.random.normal(ks[6], (HIDDEN_DIM, TOWER_DIM), dtype=jnp.float32) * (1.0 / np.sqrt(HIDDEN_DIM)),
        "bi2": jnp.zeros((TOWER_DIM,), dtype=jnp.float32),
        "Wu1": jax.random.normal(ks[7], (GCN_DIM + TOWER_DIM, HIDDEN_DIM), dtype=jnp.float32) * (1.0 / np.sqrt(GCN_DIM + TOWER_DIM)),
        "bu1": jnp.zeros((HIDDEN_DIM,), dtype=jnp.float32),
        "Wu2": jax.random.normal(ks[8], (HIDDEN_DIM, TOWER_DIM), dtype=jnp.float32) * (1.0 / np.sqrt(HIDDEN_DIM)),
        "bu2": jnp.zeros((TOWER_DIM,), dtype=jnp.float32),
    }
    return inp


def _l2_normalize(x, eps=1e-12):
    # faithful to torch F.normalize(x, dim=1): x / max(||x||_2, eps)
    n = jnp.sqrt(jnp.sum(x * x, axis=1, keepdims=True))
    return x / jnp.maximum(n, eps)


def reference(item_text_emb, gcn_item_emb, gcn_user_emb, users, user_hist,
              Wi1, bi1, Wi2, bi2, Wu1, bu1, Wu2, bu2):
    # encode_items: item tower over concatenated text (SVD) + GCN item features
    item_in = jnp.concatenate([item_text_emb, gcn_item_emb], axis=1)
    hi = jax.nn.relu(item_in @ Wi1 + bi1)
    item_emb = _l2_normalize(hi @ Wi2 + bi2)
    # encode_users: mean-pool of positive-history item embeddings (gather), concat with user GCN emb
    hist = jnp.take(item_emb, user_hist, axis=0).mean(axis=1)
    u_feat = jnp.take(gcn_user_emb, users, axis=0)
    u_in = jnp.concatenate([u_feat, hist], axis=1)
    hu = jax.nn.relu(u_in @ Wu1 + bu1)
    user_emb = _l2_normalize(hu @ Wu2 + bu2)
    return user_emb

if __name__ == "__main__":
    import jax
    _d = setup_inputs()
    print(jax.jit(kernel)(*tuple(_d.values())))

</pallas_src>

<mosaic_0001>
#map = affine_map<(d0, d1) -> (0, 0)>
#map1 = affine_map<(d0, d1) -> (0)>
module attributes {stable_mosaic.version = 14 : i64} {
  func.func @sc_ufeat(%arg0: i32, %arg1: i32, %arg2: memref<100000x128xf32, #tpu.memory_space<hbm>>, %arg3: memref<4096xi32, #tpu.memory_space<hbm>>, %arg4: memref<4096x128xf32, #tpu.memory_space<hbm>>, %arg5: memref<128xi32, #tpu.memory_space<vmem>>, %arg6: memref<128x128xf32, #tpu.memory_space<vmem>>, %arg7: memref<!tpu.dma_semaphore, #tpu.memory_space<semaphore_mem>>) attributes {dimension_semantics = [#tpu.dimension_semantics<core_parallel>, #tpu.dimension_semantics<subcore_parallel>], iteration_bounds = array<i64: 2, 16>, scalar_prefetch = 0 : i64, scratch_operands = 3 : i64, tpu.core_type = #tpu.core_type<sc_vector_subcore>, window_params = [{transform_indices = #map}, {transform_indices = #map1}, {transform_indices = #map}]} {
    %mul3A = arith.constant 2 : i32
    %mul3A_0 = arith.muli %arg1, %mul3A : i32
    %add3A = arith.addi %mul3A_0, %arg0 : i32
    %mul3A_1 = arith.constant 128 : i32
    %mul3A_2 = arith.muli %add3A, %mul3A_1 : i32
    "tpu.region"() ({
      %run_scoped3A = tpu.sem_alloc : memref<!tpu.dma_semaphore, #tpu.memory_space<semaphore_mem>>
      %dma_start3A_7 = tpu.memref_slice %arg3[%mul3A_2] : memref<4096xi32, #tpu.memory_space<hbm>> -> memref<128xi32, #tpu.memory_space<hbm>>
      %dma_start3A_8 = tpu.memref_slice %arg3[%mul3A_2] : memref<4096xi32, #tpu.memory_space<hbm>> -> memref<128xi32, #tpu.memory_space<hbm>>
      tpu.enqueue_dma source(%dma_start3A_8 : memref<128xi32, #tpu.memory_space<hbm>>) target(%arg5 : memref<128xi32, #tpu.memory_space<vmem>>) target_semaphore(%run_scoped3A : memref<!tpu.dma_semaphore, #tpu.memory_space<semaphore_mem>>)
      %dma_wait3A_9 = tpu.memref_slice %arg3[%mul3A_2] : memref<4096xi32, #tpu.memory_space<hbm>> -> memref<128xi32, #tpu.memory_space<hbm>>
      %dma_wait3A_10 = tpu.memref_slice %arg3[%mul3A_2] : memref<4096xi32, #tpu.memory_space<hbm>> -> memref<128xi32, #tpu.memory_space<hbm>>
      tpu.wait_dma2 semaphore(%run_scoped3A : memref<!tpu.dma_semaphore, #tpu.memory_space<semaphore_mem>>) src(%dma_wait3A_10 : memref<128xi32, #tpu.memory_space<hbm>>) dst(%arg5 : memref<128xi32, #tpu.memory_space<vmem>>)
      tpu.yield
    }) : () -> ()
    %dma_start3A = arith.constant 0 : i32
    %dma_start3A_3 = arith.constant 0 : i32
    %dma_start3A_4 = tpu.memref_slice %arg2[%dma_start3A, %dma_start3A_3] : memref<100000x128xf32, #tpu.memory_space<hbm>> -> memref<100000x128xf32, #tpu.memory_space<hbm>>
    tpu.enqueue_indirect_dma source(%dma_start3A_4 : memref<100000x128xf32, #tpu.memory_space<hbm>>) target(%arg6 : memref<128x128xf32, #tpu.memory_space<vmem>>) offsets(%arg5 : memref<128xi32, #tpu.memory_space<vmem>>) semaphore(%arg7 : memref<!tpu.dma_semaphore, #tpu.memory_space<semaphore_mem>>)
    %dma_wait3A = arith.constant 0 : i32
    %dma_wait3A_5 = arith.constant 0 : i32
    %dma_wait3A_6 = tpu.memref_slice %arg2[%dma_wait3A, %dma_wait3A_5] : memref<100000x128xf32, #tpu.memory_space<hbm>> -> memref<100000x128xf32, #tpu.memory_space<hbm>>
    tpu.wait_indirect_dma semaphore(%arg7 : memref<!tpu.dma_semaphore, #tpu.memory_space<semaphore_mem>>) src(%dma_wait3A_6 : memref<100000x128xf32, #tpu.memory_space<hbm>>) dst(%arg6 : memref<128x128xf32, #tpu.memory_space<vmem>>)
    "tpu.region"() ({
      %run_scoped3A = tpu.sem_alloc : memref<!tpu.dma_semaphore, #tpu.memory_space<semaphore_mem>>
      %dma_start3A_7 = arith.constant 0 : i32
      %dma_start3A_8 = tpu.memref_slice %arg4[%mul3A_2, %dma_start3A_7] : memref<4096x128xf32, #tpu.memory_space<hbm>> -> memref<128x128xf32, #tpu.memory_space<hbm>>
      %dma_start3A_9 = arith.constant 0 : i32
      %dma_start3A_10 = tpu.memref_slice %arg4[%mul3A_2, %dma_start3A_9] : memref<4096x128xf32, #tpu.memory_space<hbm>> -> memref<128x128xf32, #tpu.memory_space<hbm>>
      tpu.enqueue_dma source(%arg6 : memref<128x128xf32, #tpu.memory_space<vmem>>) target(%dma_start3A_10 : memref<128x128xf32, #tpu.memory_space<hbm>>) target_semaphore(%run_scoped3A : memref<!tpu.dma_semaphore, #tpu.memory_space<semaphore_mem>>)
      %dma_wait3A_11 = arith.constant 0 : i32
      %dma_wait3A_12 = tpu.memref_slice %arg4[%mul3A_2, %dma_wait3A_11] : memref<4096x128xf32, #tpu.memory_space<hbm>> -> memref<128x128xf32, #tpu.memory_space<hbm>>
      %dma_wait3A_13 = arith.constant 0 : i32
      %dma_wait3A_14 = tpu.memref_slice %arg4[%mul3A_2, %dma_wait3A_13] : memref<4096x128xf32, #tpu.memory_space<hbm>> -> memref<128x128xf32, #tpu.memory_space<hbm>>
      tpu.wait_dma2 semaphore(%run_scoped3A : memref<!tpu.dma_semaphore, #tpu.memory_space<semaphore_mem>>) src(%arg6 : memref<128x128xf32, #tpu.memory_space<vmem>>) dst(%dma_wait3A_14 : memref<128x128xf32, #tpu.memory_space<hbm>>)
      tpu.yield
    }) : () -> ()
    return
  }
}

#map = affine_map<(d0, d1) -> (0, 0)>
#map1 = affine_map<(d0, d1) -> (0)>
module attributes {stable_mosaic.version = 14 : i64} {
  func.func @sc_pool(%arg0: i32, %arg1: i32, %arg2: memref<200000x64xf32, #tpu.memory_space<hbm>>, %arg3: memref<819200xi32, #tpu.memory_space<hbm>>, %arg4: memref<4096x128xf32, #tpu.memory_space<hbm>>, %arg5: memref<25600xi32, #tpu.memory_space<vmem>>, %arg6: memref<8x200x64xf32, #tpu.memory_space<vmem>>, %arg7: memref<128xf32, #tpu.memory_space<vmem>>, %arg8: memref<!tpu.dma_semaphore, #tpu.memory_space<semaphore_mem>>, %arg9: memref<!tpu.dma_semaphore, #tpu.memory_space<semaphore_mem>>, %arg10: memref<!tpu.dma_semaphore, #tpu.memory_space<semaphore_mem>>, %arg11: memref<!tpu.dma_semaphore, #tpu.memory_space<semaphore_mem>>, %arg12: memref<!tpu.dma_semaphore, #tpu.memory_space<semaphore_mem>>, %arg13: memref<!tpu.dma_semaphore, #tpu.memory_space<semaphore_mem>>, %arg14: memref<!tpu.dma_semaphore, #tpu.memory_space<semaphore_mem>>, %arg15: memref<!tpu.dma_semaphore, #tpu.memory_space<semaphore_mem>>) attributes {dimension_semantics = [#tpu.dimension_semantics<core_parallel>, #tpu.dimension_semantics<subcore_parallel>], iteration_bounds = array<i64: 2, 16>, scalar_prefetch = 0 : i64, scratch_operands = 11 : i64, tpu.core_type = #tpu.core_type<sc_vector_subcore>, window_params = [{transform_indices = #map}, {transform_indices = #map1}, {transform_indices = #map}]} {
    %mul3A = arith.constant 2 : i32
    %mul3A_0 = arith.muli %arg1, %mul3A : i32
    %add3A = arith.addi %mul3A_0, %arg0 : i32
    %mul3A_1 = arith.constant 128 : i32
    %mul3A_2 = arith.muli %add3A, %mul3A_1 : i32
    %mul3A_3 = arith.constant 200 : i32
    %mul3A_4 = arith.muli %mul3A_2, %mul3A_3 : i32
    "tpu.region"() ({
      %run_scoped3A = tpu.sem_alloc : memref<!tpu.dma_semaphore, #tpu.memory_space<semaphore_mem>>
      %dma_start3A_169 = tpu.memref_slice %arg3[%mul3A_4] : memref<819200xi32, #tpu.memory_space<hbm>> -> memref<25600xi32, #tpu.memory_space<hbm>>
      %dma_start3A_170 = tpu.memref_slice %arg3[%mul3A_4] : memref<819200xi32, #tpu.memory_space<hbm>> -> memref<25600xi32, #tpu.memory_space<hbm>>
      tpu.enqueue_dma source(%dma_start3A_170 : memref<25600xi32, #tpu.memory_space<hbm>>) target(%arg5 : memref<25600xi32, #tpu.memory_space<vmem>>) target_semaphore(%run_scoped3A : memref<!tpu.dma_semaphore, #tpu.memory_space<semaphore_mem>>)
      %dma_wait3A = tpu.memref_slice %arg3[%mul3A_4] : memref<819200xi32, #tpu.memory_space<hbm>> -> memref<25600xi32, #tpu.memory_space<hbm>>
      %dma_wait3A_171 = tpu.memref_slice %arg3[%mul3A_4] : memref<819200xi32, #tpu.memory_space<hbm>> -> memref<25600xi32, #tpu.memory_space<hbm>>
      tpu.wait_dma2 semaphore(%run_scoped3A : memref<!tpu.dma_semaphore, #tpu.memory_space<semaphore_mem>>) src(%dma_wait3A_171 : memref<25600xi32, #tpu.memory_space<hbm>>) dst(%arg5 : memref<25600xi32, #tpu.memory_space<vmem>>)
      tpu.yield
    }) : () -> ()
    %dma_start3A = arith.constant 0 : i32
    %dma_start3A_5 = arith.constant 0 : i32
    %dma_start3A_6 = arith.constant 0 : i32
    %dma_start3A_7 = tpu.memref_slice %arg6[%dma_start3A, %dma_start3A_5, %dma_start3A_6] : memref<8x200x64xf32, #tpu.memory_space<vmem>> -> memref<1x128x64xf32, #tpu.memory_space<vmem>>
    %dma_start3A_8 = tpu.memref_squeeze %dma_start3A_7 : memref<1x128x64xf32, #tpu.memory_space<vmem>> -> memref<128x64xf32, #tpu.memory_space<vmem>>
    %dma_start3A_9 = arith.constant 0 : i32
    %dma_start3A_10 = tpu.memref_slice %arg5[%dma_start3A_9] : memref<25600xi32, #tpu.memory_space<vmem>> -> memref<128xi32, #tpu.memory_space<vmem>>
    %dma_start3A_11 = arith.constant 0 : i32
    %dma_start3A_12 = arith.constant 0 : i32
    %dma_start3A_13 = tpu.memref_slice %arg2[%dma_start3A_11, %dma_start3A_12] : memref<200000x64xf32, #tpu.memory_space<hbm>> -> memref<200000x64xf32, #tpu.memory_space<hbm>>
    tpu.enqueue_indirect_dma source(%dma_start3A_13 : memref<200000x64xf32, #tpu.memory_space<hbm>>) target(%dma_start3A_8 : memref<128x64xf32, #tpu.memory_space<vmem>>) offsets(%dma_start3A_10 : memref<128xi32, #tpu.memory_space<vmem>>) semaphore(%arg8 : memref<!tpu.dma_semaphore, #tpu.memory_space<semaphore_mem>>)
    %dma_start3A_14 = arith.constant 0 : i32
    %dma_start3A_15 = arith.constant 128 : i32
    %dma_start3A_16 = arith.constant 0 : i32
    %dma_start3A_17 = tpu.memref_slice %arg6[%dma_start3A_14, %dma_start3A_15, %dma_start3A_16] : memref<8x200x64xf32, #tpu.memory_space<vmem>> -> memref<1x72x64xf32, #tpu.memory_space<vmem>>
    %dma_start3A_18 = tpu.memref_squeeze %dma_start3A_17 : memref<1x72x64xf32, #tpu.memory_space<vmem>> -> memref<72x64xf32, #tpu.memory_space<vmem>>
    %dma_start3A_19 = arith.constant 128 : i32
    %dma_start3A_20 = tpu.memref_slice %arg5[%dma_start3A_19] : memref<25600xi32, #tpu.memory_space<vmem>> -> memref<72xi32, #tpu.memory_space<vmem>>
    %dma_start3A_21 = arith.constant 0 : i32
    %dma_start3A_22 = arith.constant 0 : i32
    %dma_start3A_23 = tpu.memref_slice %arg2[%dma_start3A_21, %dma_start3A_22] : memref<200000x64xf32, #tpu.memory_space<hbm>> -> memref<200000x64xf32, #tpu.memory_space<hbm>>
    tpu.enqueue_indirect_dma source(%dma_start3A_23 : memref<200000x64xf32, #tpu.memory_space<hbm>>) target(%dma_start3A_18 : memref<72x64xf32, #tpu.memory_space<vmem>>) offsets(%dma_start3A_20 : memref<72xi32, #tpu.memory_space<vmem>>) semaphore(%arg8 : memref<!tpu.dma_semaphore, #tpu.memory_space<semaphore_mem>>)
    %dma_start3A_24 = arith.constant 1 : i32
    %dma_start3A_25 = arith.constant 0 : i32
    %dma_start3A_26 = arith.constant 0 : i32
    %dma_start3A_27 = tpu.memref_slice %arg6[%dma_start3A_24, %dma_start3A_25, %dma_start3A_26] : memref<8x200x64xf32, #tpu.memory_space<vmem>> -> memref<1x128x64xf32, #tpu.memory_space<vmem>>
    %dma_start3A_28 = tpu.memref_squeeze %dma_start3A_27 : memref<1x128x64xf32, #tpu.memory_space<vmem>> -> memref<128x64xf32, #tpu.memory_space<vmem>>
    %dma_start3A_29 = arith.constant 200 : i32
    %dma_start3A_30 = tpu.memref_slice %arg5[%dma_start3A_29] : memref<25600xi32, #tpu.memory_space<vmem>> -> memref<128xi32, #tpu.memory_space<vmem>>
    %dma_start3A_31 = arith.constant 0 : i32
    %dma_start3A_32 = arith.constant 0 : i32
    %dma_start3A_33 = tpu.memref_slice %arg2[%dma_start3A_31, %dma_start3A_32] : memref<200000x64xf32, #tpu.memory_space<hbm>> -> memref<200000x64xf32, #tpu.memory_space<hbm>>
    tpu.enqueue_indirect_dma source(%dma_start3A_33 : memref<200000x64xf32, #tpu.memory_space<hbm>>) target(%dma_start3A_28 : memref<128x64xf32, #tpu.memory_space<vmem>>) offsets(%dma_start3A_30 : memref<128xi32, #tpu.memory_space<vmem>>) semaphore(%arg9 : memref<!tpu.dma_semaphore, #tpu.memory_space<semaphore_mem>>)
    %dma_start3A_34 = arith.constant 1 : i32
    %dma_start3A_35 = arith.constant 128 : i32
    %dma_start3A_36 = arith.constant 0 : i32
    %dma_start3A_37 = tpu.memref_slice %arg6[%dma_start3A_34, %dma_start3A_35, %dma_start3A_36] : memref<8x200x64xf32, #tpu.memory_space<vmem>> -> memref<1x72x64xf32, #tpu.memory_space<vmem>>
    %dma_start3A_38 = tpu.memref_squeeze %dma_start3A_37 : memref<1x72x64xf32, #tpu.memory_space<vmem>> -> memref<72x64xf32, #tpu.memory_space<vmem>>
    %dma_start3A_39 = arith.constant 328 : i32
    %dma_start3A_40 = tpu.memref_slice %arg5[%dma_start3A_39] : memref<25600xi32, #tpu.memory_space<vmem>> -> memref<72xi32, #tpu.memory_space<vmem>>
    %dma_start3A_41 = arith.constant 0 : i32
    %dma_start3A_42 = arith.constant 0 : i32
    %dma_start3A_43 = tpu.memref_slice %arg2[%dma_start3A_41, %dma_start3A_42] : memref<200000x64xf32, #tpu.memory_space<hbm>> -> memref<200000x64xf32, #tpu.memory_space<hbm>>
    tpu.enqueue_indirect_dma source(%dma_start3A_43 : memref<200000x64xf32, #tpu.memory_space<hbm>>) target(%dma_start3A_38 : memref<72x64xf32, #tpu.memory_space<vmem>>) offsets(%dma_start3A_40 : memref<72xi32, #tpu.memory_space<vmem>>) semaphore(%arg9 : memref<!tpu.dma_semaphore, #tpu.memory_space<semaphore_mem>>)
    %dma_start3A_44 = arith.constant 2 : i32
    %dma_start3A_45 = arith.constant 0 : i32
    %dma_start3A_46 = arith.constant 0 : i32
    %dma_start3A_47 = tpu.memref_slice %arg6[%dma_start3A_44, %dma_start3A_45, %dma_start3A_46] : memref<8x200x64xf32, #tpu.memory_space<vmem>> -> memref<1x128x64xf32, #tpu.memory_space<vmem>>
    %dma_start3A_48 = tpu.memref_squeeze %dma_start3A_47 : memref<1x128x64xf32, #tpu.memory_space<vmem>> -> memref<128x64xf32, #tpu.memory_space<vmem>>
    %dma_start3A_49 = arith.constant 400 : i32
    %dma_start3A_50 = tpu.memref_slice %arg5[%dma_start3A_49] : memref<25600xi32, #tpu.memory_space<vmem>> -> memref<128xi32, #tpu.memory_space<vmem>>
    %dma_start3A_51 = arith.constant 0 : i32
    %dma_start3A_52 = arith.constant 0 : i32
    %dma_start3A_53 = tpu.memref_slice %arg2[%dma_start3A_51, %dma_start3A_52] : memref<200000x64xf32, #tpu.memory_space<hbm>> -> memref<200000x64xf32, #tpu.memory_space<hbm>>
    tpu.enqueue_indirect_dma source(%dma_start3A_53 : memref<200000x64xf32, #tpu.memory_space<hbm>>) target(%dma_start3A_48 : memref<128x64xf32, #tpu.memory_space<vmem>>) offsets(%dma_start3A_50 : memref<128xi32, #tpu.memory_space<vmem>>) semaphore(%arg10 : memref<!tpu.dma_semaphore, #tpu.memory_space<semaphore_mem>>)
    %dma_start3A_54 = arith.constant 2 : i32
    %dma_start3A_55 = arith.constant 128 : i32
    %dma_start3A_56 = arith.constant 0 : i32
    %dma_start3A_57 = tpu.memref_slice %arg6[%dma_start3A_54, %dma_start3A_55, %dma_start3A_56] : memref<8x200x64xf32, #tpu.memory_space<vmem>> -> memref<1x72x64xf32, #tpu.memory_space<vmem>>
    %dma_start3A_58 = tpu.memref_squeeze %dma_start3A_57 : memref<1x72x64xf32, #tpu.memory_space<vmem>> -> memref<72x64xf32, #tpu.memory_space<vmem>>
    %dma_start3A_59 = arith.constant 528 : i32
    %dma_start3A_60 = tpu.memref_slice %arg5[%dma_start3A_59] : memref<25600xi32, #tpu.memory_space<vmem>> -> memref<72xi32, #tpu.memory_space<vmem>>
    %dma_start3A_61 = arith.constant 0 : i32
    %dma_start3A_62 = arith.constant 0 : i32
    %dma_start3A_63 = tpu.memref_slice %arg2[%dma_start3A_61, %dma_start3A_62] : memref<200000x64xf32, #tpu.memory_space<hbm>> -> memref<200000x64xf32, #tpu.memory_space<hbm>>
    tpu.enqueue_indirect_dma source(%dma_start3A_63 : memref<200000x64xf32, #tpu.memory_space<hbm>>) target(%dma_start3A_58 : memref<72x64xf32, #tpu.memory_space<vmem>>) offsets(%dma_start3A_60 : memref<72xi32, #tpu.memory_space<vmem>>) semaphore(%arg10 : memref<!tpu.dma_semaphore, #tpu.memory_space<semaphore_mem>>)
    %dma_start3A_64 = arith.constant 3 : i32
    %dma_start3A_65 = arith.constant 0 : i32
    %dma_start3A_66 = arith.constant 0 : i32
    %dma_start3A_67 = tpu.memref_slice %arg6[%dma_start3A_64, %dma_start3A_65, %dma_start3A_66] : memref<8x200x64xf32, #tpu.memory_space<vmem>> -> memref<1x128x64xf32, #tpu.memory_space<vmem>>
    %dma_start3A_68 = tpu.memref_squeeze %dma_start3A_67 : memref<1x128x64xf32, #tpu.memory_space<vmem>> -> memref<128x64xf32, #tpu.memory_space<vmem>>
    %dma_start3A_69 = arith.constant 600 : i32
    %dma_start3A_70 = tpu.memref_slice %arg5[%dma_start3A_69] : memref<25600xi32, #tpu.memory_space<vmem>> -> memref<128xi32, #tpu.memory_space<vmem>>
    %dma_start3A_71 = arith.constant 0 : i32
    %dma_start3A_72 = arith.constant 0 : i32
    %dma_start3A_73 = tpu.memref_slice %arg2[%dma_start3A_71, %dma_start3A_72] : memref<200000x64xf32, #tpu.memory_space<hbm>> -> memref<200000x64xf32, #tpu.memory_space<hbm>>
    tpu.enqueue_indirect_dma source(%dma_start3A_73 : memref<200000x64xf32, #tpu.memory_space<hbm>>) target(%dma_start3A_68 : memref<128x64xf32, #tpu.memory_space<vmem>>) offsets(%dma_start3A_70 : memref<128xi32, #tpu.memory_space<vmem>>) semaphore(%arg11 : memref<!tpu.dma_semaphore, #tpu.memory_space<semaphore_mem>>)
    %dma_start3A_74 = arith.constant 3 : i32
    %dma_start3A_75 = arith.constant 128 : i32
    %dma_start3A_76 = arith.constant 0 : i32
    %dma_start3A_77 = tpu.memref_slice %arg6[%dma_start3A_74, %dma_start3A_75, %dma_start3A_76] : memref<8x200x64xf32, #tpu.memory_space<vmem>> -> memref<1x72x64xf32, #tpu.memory_space<vmem>>
    %dma_start3A_78 = tpu.memref_squeeze %dma_start3A_77 : memref<1x72x64xf32, #tpu.memory_space<vmem>> -> memref<72x64xf32, #tpu.memory_space<vmem>>
    %dma_start3A_79 = arith.constant 728 : i32
    %dma_start3A_80 = tpu.memref_slice %arg5[%dma_start3A_79] : memref<25600xi32, #tpu.memory_space<vmem>> -> memref<72xi32, #tpu.memory_space<vmem>>
    %dma_start3A_81 = arith.constant 0 : i32
    %dma_start3A_82 = arith.constant 0 : i32
    %dma_start3A_83 = tpu.memref_slice %arg2[%dma_start3A_81, %dma_start3A_82] : memref<200000x64xf32, #tpu.memory_space<hbm>> -> memref<200000x64xf32, #tpu.memory_space<hbm>>
    tpu.enqueue_indirect_dma source(%dma_start3A_83 : memref<200000x64xf32, #tpu.memory_space<hbm>>) target(%dma_start3A_78 : memref<72x64xf32, #tpu.memory_space<vmem>>) offsets(%dma_start3A_80 : memref<72xi32, #tpu.memory_space<vmem>>) semaphore(%arg11 : memref<!tpu.dma_semaphore, #tpu.memory_space<semaphore_mem>>)
    %dma_start3A_84 = arith.constant 4 : i32
    %dma_start3A_85 = arith.constant 0 : i32
    %dma_start3A_86 = arith.constant 0 : i32
    %dma_start3A_87 = tpu.memref_slice %arg6[%dma_start3A_84, %dma_start3A_85, %dma_start3A_86] : memref<8x200x64xf32, #tpu.memory_space<vmem>> -> memref<1x128x64xf32, #tpu.memory_space<vmem>>
    %dma_start3A_88 = tpu.memref_squeeze %dma_start3A_87 : memref<1x128x64xf32, #tpu.memory_space<vmem>> -> memref<128x64xf32, #tpu.memory_space<vmem>>
    %dma_start3A_89 = arith.constant 800 : i32
    %dma_start3A_90 = tpu.memref_slice %arg5[%dma_start3A_89] : memref<25600xi32, #tpu.memory_space<vmem>> -> memref<128xi32, #tpu.memory_space<vmem>>
    %dma_start3A_91 = arith.constant 0 : i32
    %dma_start3A_92 = arith.constant 0 : i32
    %dma_start3A_93 = tpu.memref_slice %arg2[%dma_start3A_91, %dma_start3A_92] : memref<200000x64xf32, #tpu.memory_space<hbm>> -> memref<200000x64xf32, #tpu.memory_space<hbm>>
    tpu.enqueue_indirect_dma source(%dma_start3A_93 : memref<200000x64xf32, #tpu.memory_space<hbm>>) target(%dma_start3A_88 : memref<128x64xf32, #tpu.memory_space<vmem>>) offsets(%dma_start3A_90 : memref<128xi32, #tpu.memory_space<vmem>>) semaphore(%arg12 : memref<!tpu.dma_semaphore, #tpu.memory_space<semaphore_mem>>)
    %dma_start3A_94 = arith.constant 4 : i32
    %dma_start3A_95 = arith.constant 128 : i32
    %dma_start3A_96 = arith.constant 0 : i32
    %dma_start3A_97 = tpu.memref_slice %arg6[%dma_start3A_94, %dma_start3A_95, %dma_start3A_96] : memref<8x200x64xf32, #tpu.memory_space<vmem>> -> memref<1x72x64xf32, #tpu.memory_space<vmem>>
    %dma_start3A_98 = tpu.memref_squeeze %dma_start3A_97 : memref<1x72x64xf32, #tpu.memory_space<vmem>> -> memref<72x64xf32, #tpu.memory_space<vmem>>
    %dma_start3A_99 = arith.constant 928 : i32
    %dma_start3A_100 = tpu.memref_slice %arg5[%dma_start3A_99] : memref<25600xi32, #tpu.memory_space<vmem>> -> memref<72xi32, #tpu.memory_space<vmem>>
    %dma_start3A_101 = arith.constant 0 : i32
    %dma_start3A_102 = arith.constant 0 : i32
    %dma_start3A_103 = tpu.memref_slice %arg2[%dma_start3A_101, %dma_start3A_102] : memref<200000x64xf32, #tpu.memory_space<hbm>> -> memref<200000x64xf32, #tpu.memory_space<hbm>>
    tpu.enqueue_indirect_dma source(%dma_start3A_103 : memref<200000x64xf32, #tpu.memory_space<hbm>>) target(%dma_start3A_98 : memref<72x64xf32, #tpu.memory_space<vmem>>) offsets(%dma_start3A_100 : memref<72xi32, #tpu.memory_space<vmem>>) semaphore(%arg12 : memref<!tpu.dma_semaphore, #tpu.memory_space<semaphore_mem>>)
    %dma_start3A_104 = arith.constant 5 : i32
    %dma_start3A_105 = arith.constant 0 : i32
    %dma_start3A_106 = arith.constant 0 : i32
    %dma_start3A_107 = tpu.memref_slice %arg6[%dma_start3A_104, %dma_start3A_105, %dma_start3A_106] : memref<8x200x64xf32, #tpu.memory_space<vmem>> -> memref<1x128x64xf32, #tpu.memory_space<vmem>>
    %dma_start3A_108 = tpu.memref_squeeze %dma_start3A_107 : memref<1x128x64xf32, #tpu.memory_space<vmem>> -> memref<128x64xf32, #tpu.memory_space<vmem>>
    %dma_start3A_109 = arith.constant 1000 : i32
    %dma_start3A_110 = tpu.memref_slice %arg5[%dma_start3A_109] : memref<25600xi32, #tpu.memory_space<vmem>> -> memref<128xi32, #tpu.memory_space<vmem>>
    %dma_start3A_111 = arith.constant 0 : i32
    %dma_start3A_112 = arith.constant 0 : i32
    %dma_start3A_113 = tpu.memref_slice %arg2[%dma_start3A_111, %dma_start3A_112] : memref<200000x64xf32, #tpu.memory_space<hbm>> -> memref<200000x64xf32, #tpu.memory_space<hbm>>
    tpu.enqueue_indirect_dma source(%dma_start3A_113 : memref<200000x64xf32, #tpu.memory_space<hbm>>) target(%dma_start3A_108 : memref<128x64xf32, #tpu.memory_space<vmem>>) offsets(%dma_start3A_110 : memref<128xi32, #tpu.memory_space<vmem>>) semaphore(%arg13 : memref<!tpu.dma_semaphore, #tpu.memory_space<semaphore_mem>>)
    %dma_start3A_114 = arith.constant 5 : i32
    %dma_start3A_115 = arith.constant 128 : i32
    %dma_start3A_116 = arith.constant 0 : i32
    %dma_start3A_117 = tpu.memref_slice %arg6[%dma_start3A_114, %dma_start3A_115, %dma_start3A_116] : memref<8x200x64xf32, #tpu.memory_space<vmem>> -> memref<1x72x64xf32, #tpu.memory_space<vmem>>
    %dma_start3A_118 = tpu.memref_squeeze %dma_start3A_117 : memref<1x72x64xf32, #tpu.memory_space<vmem>> -> memref<72x64xf32, #tpu.memory_space<vmem>>
    %dma_start3A_119 = arith.constant 1128 : i32
    %dma_start3A_120 = tpu.memref_slice %arg5[%dma_start3A_119] : memref<25600xi32, #tpu.memory_space<vmem>> -> memref<72xi32, #tpu.memory_space<vmem>>
    %dma_start3A_121 = arith.constant 0 : i32
    %dma_start3A_122 = arith.constant 0 : i32
    %dma_start3A_123 = tpu.memref_slice %arg2[%dma_start3A_121, %dma_start3A_122] : memref<200000x64xf32, #tpu.memory_space<hbm>> -> memref<200000x64xf32, #tpu.memory_space<hbm>>
    tpu.enqueue_indirect_dma source(%dma_start3A_123 : memref<200000x64xf32, #tpu.memory_space<hbm>>) target(%dma_start3A_118 : memref<72x64xf32, #tpu.memory_space<vmem>>) offsets(%dma_start3A_120 : memref<72xi32, #tpu.memory_space<vmem>>) semaphore(%arg13 : memref<!tpu.dma_semaphore, #tpu.memory_space<semaphore_mem>>)
    %dma_start3A_124 = arith.constant 6 : i32
    %dma_start3A_125 = arith.constant 0 : i32
    %dma_start3A_126 = arith.constant 0 : i32
    %dma_start3A_127 = tpu.memref_slice %arg6[%dma_start3A_124, %dma_start3A_125, %dma_start3A_126] : memref<8x200x64xf32, #tpu.memory_space<vmem>> -> memref<1x128x64xf32, #tpu.memory_space<vmem>>
    %dma_start3A_128 = tpu.memref_squeeze %dma_start3A_127 : memref<1x128x64xf32, #tpu.memory_space<vmem>> -> memref<128x64xf32, #tpu.memory_space<vmem>>
    %dma_start3A_129 = arith.constant 1200 : i32
    %dma_start3A_130 = tpu.memref_slice %arg5[%dma_start3A_129] : memref<25600xi32, #tpu.memory_space<vmem>> -> memref<128xi32, #tpu.memory_space<vmem>>
    %dma_start3A_131 = arith.constant 0 : i32
    %dma_start3A_132 = arith.constant 0 : i32
    %dma_start3A_133 = tpu.memref_slice %arg2[%dma_start3A_131, %dma_start3A_132] : memref<200000x64xf32, #tpu.memory_space<hbm>> -> memref<200000x64xf32, #tpu.memory_space<hbm>>
    tpu.enqueue_indirect_dma source(%dma_start3A_133 : memref<200000x64xf32, #tpu.memory_space<hbm>>) target(%dma_start3A_128 : memref<128x64xf32, #tpu.memory_space<vmem>>) offsets(%dma_start3A_130 : memref<128xi32, #tpu.memory_space<vmem>>) semaphore(%arg14 : memref<!tpu.dma_semaphore, #tpu.memory_space<semaphore_mem>>)
    %dma_start3A_134 = arith.constant 6 : i32
    %dma_start3A_135 = arith.constant 128 : i32
    %dma_start3A_136 = arith.constant 0 : i32
    %dma_start3A_137 = tpu.memref_slice %arg6[%dma_start3A_134, %dma_start3A_135, %dma_start3A_136] : memref<8x200x64xf32, #tpu.memory_space<vmem>> -> memref<1x72x64xf32, #tpu.memory_space<vmem>>
    %dma_start3A_138 = tpu.memref_squeeze %dma_start3A_137 : memref<1x72x64xf32, #tpu.memory_space<vmem>> -> memref<72x64xf32, #tpu.memory_space<vmem>>
    %dma_start3A_139 = arith.constant 1328 : i32
    %dma_start3A_140 = tpu.memref_slice %arg5[%dma_start3A_139] : memref<25600xi32, #tpu.memory_space<vmem>> -> memref<72xi32, #tpu.memory_space<vmem>>
    %dma_start3A_141 = arith.constant 0 : i32
    %dma_start3A_142 = arith.constant 0 : i32
    %dma_start3A_143 = tpu.memref_slice %arg2[%dma_start3A_141, %dma_start3A_142] : memref<200000x64xf32, #tpu.memory_space<hbm>> -> memref<200000x64xf32, #tpu.memory_space<hbm>>
    tpu.enqueue_indirect_dma source(%dma_start3A_143 : memref<200000x64xf32, #tpu.memory_space<hbm>>) target(%dma_start3A_138 : memref<72x64xf32, #tpu.memory_space<vmem>>) offsets(%dma_start3A_140 : memref<72xi32, #tpu.memory_space<vmem>>) semaphore(%arg14 : memref<!tpu.dma_semaphore, #tpu.memory_space<semaphore_mem>>)
    %dma_start3A_144 = arith.constant 7 : i32
    %dma_start3A_145 = arith.constant 0 : i32
    %dma_start3A_146 = arith.constant 0 : i32
    %dma_start3A_147 = tpu.memref_slice %arg6[%dma_start3A_144, %dma_start3A_145, %dma_start3A_146] : memref<8x200x64xf32, #tpu.memory_space<vmem>> -> memref<1x128x64xf32, #tpu.memory_space<vmem>>
    %dma_start3A_148 = tpu.memref_squeeze %dma_start3A_147 : memref<1x128x64xf32, #tpu.memory_space<vmem>> -> memref<128x64xf32, #tpu.memory_space<vmem>>
    %dma_start3A_149 = arith.constant 1400 : i32
    %dma_start3A_150 = tpu.memref_slice %arg5[%dma_start3A_149] : memref<25600xi32, #tpu.memory_space<vmem>> -> memref<128xi32, #tpu.memory_space<vmem>>
    %dma_start3A_151 = arith.constant 0 : i32
    %dma_start3A_152 = arith.constant 0 : i32
    %dma_start3A_153 = tpu.memref_slice %arg2[%dma_start3A_151, %dma_start3A_152] : memref<200000x64xf32, #tpu.memory_space<hbm>> -> memref<200000x64xf32, #tpu.memory_space<hbm>>
    tpu.enqueue_indirect_dma source(%dma_start3A_153 : memref<200000x64xf32, #tpu.memory_space<hbm>>) target(%dma_start3A_148 : memref<128x64xf32, #tpu.memory_space<vmem>>) offsets(%dma_start3A_150 : memref<128xi32, #tpu.memory_space<vmem>>) semaphore(%arg15 : memref<!tpu.dma_semaphore, #tpu.memory_space<semaphore_mem>>)
    %dma_start3A_154 = arith.constant 7 : i32
    %dma_start3A_155 = arith.constant 128 : i32
    %dma_start3A_156 = arith.constant 0 : i32
    %dma_start3A_157 = tpu.memref_slice %arg6[%dma_start3A_154, %dma_start3A_155, %dma_start3A_156] : memref<8x200x64xf32, #tpu.memory_space<vmem>> -> memref<1x72x64xf32, #tpu.memory_space<vmem>>
    %dma_start3A_158 = tpu.memref_squeeze %dma_start3A_157 : memref<1x72x64xf32, #tpu.memory_space<vmem>> -> memref<72x64xf32, #tpu.memory_space<vmem>>
    %dma_start3A_159 = arith.constant 1528 : i32
    %dma_start3A_160 = tpu.memref_slice %arg5[%dma_start3A_159] : memref<25600xi32, #tpu.memory_space<vmem>> -> memref<72xi32, #tpu.memory_space<vmem>>
    %dma_start3A_161 = arith.constant 0 : i32
    %dma_start3A_162 = arith.constant 0 : i32
    %dma_start3A_163 = tpu.memref_slice %arg2[%dma_start3A_161, %dma_start3A_162] : memref<200000x64xf32, #tpu.memory_space<hbm>> -> memref<200000x64xf32, #tpu.memory_space<hbm>>
    tpu.enqueue_indirect_dma source(%dma_start3A_163 : memref<200000x64xf32, #tpu.memory_space<hbm>>) target(%dma_start3A_158 : memref<72x64xf32, #tpu.memory_space<vmem>>) offsets(%dma_start3A_160 : memref<72xi32, #tpu.memory_space<vmem>>) semaphore(%arg15 : memref<!tpu.dma_semaphore, #tpu.memory_space<semaphore_mem>>)
    %scan3A = arith.constant 0 : i32
    %scan3A_164 = arith.constant 0 : i32
    %scan3A_165 = arith.constant 16 : i32
    %scan3A_166 = arith.addi %scan3A_164, %scan3A_165 : i32
    %scan3A_167 = arith.constant 1 : i32
    scf.for %scan3A_169 = %scan3A_164 to %scan3A_166 step %scan3A_167  : i32 {
      %mul3A_170 = arith.constant 8 : i32
      %mul3A_171 = arith.muli %mul3A_170, %scan3A_169 : i32
      %add3A_172 = arith.constant 0 : i32
      %add3A_173 = arith.addi %mul3A_171, %add3A_172 : i32
      %mul3A_174 = arith.constant 200 : i32
      %mul3A_175 = arith.muli %add3A_173, %mul3A_174 : i32
      %mul3A_176 = arith.constant 200 : i32
      %mul3A_177 = arith.muli %add3A_173, %mul3A_176 : i32
      %add3A_178 = arith.constant 128 : i32
      %add3A_179 = arith.addi %mul3A_177, %add3A_178 : i32
      %dma_wait3A = arith.constant 0 : i32
      %dma_wait3A_180 = arith.constant 0 : i32
      %dma_wait3A_181 = arith.constant 0 : i32
      %dma_wait3A_182 = tpu.memref_slice %arg6[%dma_wait3A, %dma_wait3A_180, %dma_wait3A_181] : memref<8x200x64xf32, #tpu.memory_space<vmem>> -> memref<1x128x64xf32, #tpu.memory_space<vmem>>
      %dma_wait3A_183 = tpu.memref_squeeze %dma_wait3A_182 : memref<1x128x64xf32, #tpu.memory_space<vmem>> -> memref<128x64xf32, #tpu.memory_space<vmem>>
      %dma_wait3A_184 = tpu.memref_slice %arg5[%mul3A_175] : memref<25600xi32, #tpu.memory_space<vmem>> -> memref<128xi32, #tpu.memory_space<vmem>>
      %dma_wait3A_185 = arith.constant 0 : i32
      %dma_wait3A_186 = arith.constant 0 : i32
      %dma_wait3A_187 = tpu.memref_slice %arg2[%dma_wait3A_185, %dma_wait3A_186] : memref<200000x64xf32, #tpu.memory_space<hbm>> -> memref<200000x64xf32, #tpu.memory_space<hbm>>
      tpu.wait_indirect_dma semaphore(%arg8 : memref<!tpu.dma_semaphore, #tpu.memory_space<semaphore_mem>>) src(%dma_wait3A_187 : memref<200000x64xf32, #tpu.memory_space<hbm>>) dst(%dma_wait3A_183 : memref<128x64xf32, #tpu.memory_space<vmem>>)
      %dma_wait3A_188 = arith.constant 0 : i32
      %dma_wait3A_189 = arith.constant 128 : i32
      %dma_wait3A_190 = arith.constant 0 : i32
      %dma_wait3A_191 = tpu.memref_slice %arg6[%dma_wait3A_188, %dma_wait3A_189, %dma_wait3A_190] : memref<8x200x64xf32, #tpu.memory_space<vmem>> -> memref<1x72x64xf32, #tpu.memory_space<vmem>>
      %dma_wait3A_192 = tpu.memref_squeeze %dma_wait3A_191 : memref<1x72x64xf32, #tpu.memory_space<vmem>> -> memref<72x64xf32, #tpu.memory_space<vmem>>
      %dma_wait3A_193 = tpu.memref_slice %arg5[%add3A_179] : memref<25600xi32, #tpu.memory_space<vmem>> -> memref<72xi32, #tpu.memory_space<vmem>>
      %dma_wait3A_194 = arith.constant 0 : i32
      %dma_wait3A_195 = arith.constant 0 : i32
      %dma_wait3A_196 = tpu.memref_slice %arg2[%dma_wait3A_194, %dma_wait3A_195] : memref<200000x64xf32, #tpu.memory_space<hbm>> -> memref<200000x64xf32, #tpu.memory_space<hbm>>
      tpu.wait_indirect_dma semaphore(%arg8 : memref<!tpu.dma_semaphore, #tpu.memory_space<semaphore_mem>>) src(%dma_wait3A_196 : memref<200000x64xf32, #tpu.memory_space<hbm>>) dst(%dma_wait3A_192 : memref<72x64xf32, #tpu.memory_space<vmem>>)
      %broadcast_in_dim3A = arith.constant 0.000000e+00 : f32
      %broadcast_in_dim3A_197 = vector.broadcast %broadcast_in_dim3A : f32 to vector<16xf32>
      %broadcast_in_dim3A_198 = arith.constant 0.000000e+00 : f32
      %broadcast_in_dim3A_199 = vector.broadcast %broadcast_in_dim3A_198 : f32 to vector<16xf32>
      %broadcast_in_dim3A_200 = arith.constant 0.000000e+00 : f32
      %broadcast_in_dim3A_201 = vector.broadcast %broadcast_in_dim3A_200 : f32 to vector<16xf32>
      %broadcast_in_dim3A_202 = arith.constant 0.000000e+00 : f32
      %broadcast_in_dim3A_203 = vector.broadcast %broadcast_in_dim3A_202 : f32 to vector<16xf32>
      %broadcast_in_dim3A_204 = arith.constant 0.000000e+00 : f32
      %broadcast_in_dim3A_205 = vector.broadcast %broadcast_in_dim3A_204 : f32 to vector<16xf32>
      %broadcast_in_dim3A_206 = arith.constant 0.000000e+00 : f32
      %broadcast_in_dim3A_207 = vector.broadcast %broadcast_in_dim3A_206 : f32 to vector<16xf32>
      %broadcast_in_dim3A_208 = arith.constant 0.000000e+00 : f32
      %broadcast_in_dim3A_209 = vector.broadcast %broadcast_in_dim3A_208 : f32 to vector<16xf32>
      %broadcast_in_dim3A_210 = arith.constant 0.000000e+00 : f32
      %broadcast_in_dim3A_211 = vector.broadcast %broadcast_in_dim3A_210 : f32 to vector<16xf32>
      %scan3A_212 = arith.constant 0 : i32
      %scan3A_213 = arith.constant 200 : i32
      %scan3A_214 = arith.addi %scan3A_212, %scan3A_213 : i32
      %scan3A_215 = arith.constant 2 : i32
      %scan3A_216:8 = scf.for %scan3A_758 = %scan3A_212 to %scan3A_214 step %scan3A_215 iter_args(%scan3A_759 = %broadcast_in_dim3A_197, %scan3A_760 = %broadcast_in_dim3A_199, %scan3A_761 = %broadcast_in_dim3A_201, %scan3A_762 = %broadcast_in_dim3A_203, %scan3A_763 = %broadcast_in_dim3A_205, %scan3A_764 = %broadcast_in_dim3A_207, %scan3A_765 = %broadcast_in_dim3A_209, %scan3A_766 = %broadcast_in_dim3A_211) -> (vector<16xf32>, vector<16xf32>, vector<16xf32>, vector<16xf32>, vector<16xf32>, vector<16xf32>, vector<16xf32>, vector<16xf32>)  : i32 {
        %get3A = arith.constant 0 : i32
        %get3A_767 = arith.index_cast %get3A : i32 to index
        %get3A_768 = arith.index_cast %scan3A_758 : i32 to index
        %get3A_769 = arith.constant 0 : index
        %get3A_770 = tpu.vector_load %arg6[%get3A_767, %get3A_768, %get3A_769] {strides = array<i32>} : memref<8x200x64xf32, #tpu.memory_space<vmem>>, vector<16xf32>,
        %bitcast3A = vector.bitcast %get3A_770 : vector<16xf32> to vector<32xbf16>
        %unpack3A = tpu.unpack_subelements %bitcast3A, 0 {pack_format = #tpu.pack_format<interleaved>} : vector<32xbf16> -> vector<16xf32>
        %unpack3A_771 = tpu.unpack_subelements %bitcast3A, 1 {pack_format = #tpu.pack_format<interleaved>} : vector<32xbf16> -> vector<16xf32>
        %add3A_772 = arith.addf %scan3A_759, %unpack3A : vector<16xf32>
        %add3A_773 = arith.addf %scan3A_763, %unpack3A_771 : vector<16xf32>
        %get3A_774 = arith.constant 0 : i32
        %get3A_775 = arith.index_cast %get3A_774 : i32 to index
        %get3A_776 = arith.index_cast %scan3A_758 : i32 to index
        %get3A_777 = arith.constant 16 : index
        %get3A_778 = tpu.vector_load %arg6[%get3A_775, %get3A_776, %get3A_777] {strides = array<i32>} : memref<8x200x64xf32, #tpu.memory_space<vmem>>, vector<16xf32>,
        %bitcast3A_779 = vector.bitcast %get3A_778 : vector<16xf32> to vector<32xbf16>
        %unpack3A_780 = tpu.unpack_subelements %bitcast3A_779, 0 {pack_format = #tpu.pack_format<interleaved>} : vector<32xbf16> -> vector<16xf32>
        %unpack3A_781 = tpu.unpack_subelements %bitcast3A_779, 1 {pack_format = #tpu.pack_format<interleaved>} : vector<32xbf16> -> vector<16xf32>
        %add3A_782 = arith.addf %scan3A_760, %unpack3A_780 : vector<16xf32>
        %add3A_783 = arith.addf %scan3A_764, %unpack3A_781 : vector<16xf32>
        %get3A_784 = arith.constant 0 : i32
        %get3A_785 = arith.index_cast %get3A_784 : i32 to index
        %get3A_786 = arith.index_cast %scan3A_758 : i32 to index
        %get3A_787 = arith.constant 32 : index
        %get3A_788 = tpu.vector_load %arg6[%get3A_785, %get3A_786, %get3A_787] {strides = array<i32>} : memref<8x200x64xf32, #tpu.memory_space<vmem>>, vector<16xf32>,
        %bitcast3A_789 = vector.bitcast %get3A_788 : vector<16xf32> to vector<32xbf16>
        %unpack3A_790 = tpu.unpack_subelements %bitcast3A_789, 0 {pack_format = #tpu.pack_format<interleaved>} : vector<32xbf16> -> vector<16xf32>
        %unpack3A_791 = tpu.unpack_subelements %bitcast3A_789, 1 {pack_format = #tpu.pack_format<interleaved>} : vector<32xbf16> -> vector<16xf32>
        %add3A_792 = arith.addf %scan3A_761, %unpack3A_790 : vector<16xf32>
        %add3A_793 = arith.addf %scan3A_765, %unpack3A_791 : vector<16xf32>
        %get3A_794 = arith.constant 0 : i32
        %get3A_795 = arith.index_cast %get3A_794 : i32 to index
        %get3A_796 = arith.index_cast %scan3A_758 : i32 to index
        %get3A_797 = arith.constant 48 : index
        %get3A_798 = tpu.vector_load %arg6[%get3A_795, %get3A_796, %get3A_797] {strides = array<i32>} : memref<8x200x64xf32, #tpu.memory_space<vmem>>, vector<16xf32>,
        %bitcast3A_799 = vector.bitcast %get3A_798 : vector<16xf32> to vector<32xbf16>
        %unpack3A_800 = tpu.unpack_subelements %bitcast3A_799, 0 {pack_format = #tpu.pack_format<interleaved>} : vector<32xbf16> -> vector<16xf32>
        %unpack3A_801 = tpu.unpack_subelements %bitcast3A_799, 1 {pack_format = #tpu.pack_format<interleaved>} : vector<32xbf16> -> vector<16xf32>
        %add3A_802 = arith.addf %scan3A_762, %unpack3A_800 : vector<16xf32>
        %add3A_803 = arith.addf %scan3A_766, %unpack3A_801 : vector<16xf32>
        %scan3A_804 = arith.constant 1 : i32
        %scan3A_805 = arith.addi %scan3A_758, %scan3A_804 : i32
        %get3A_806 = arith.constant 0 : i32
        %get3A_807 = arith.index_cast %get3A_806 : i32 to index
        %get3A_808 = arith.index_cast %scan3A_805 : i32 to index
        %get3A_809 = arith.constant 0 : index
        %get3A_810 = tpu.vector_load %arg6[%get3A_807, %get3A_808, %get3A_809] {strides = array<i32>} : memref<8x200x64xf32, #tpu.memory_space<vmem>>, vector<16xf32>,
        %bitcast3A_811 = vector.bitcast %get3A_810 : vector<16xf32> to vector<32xbf16>
        %unpack3A_812 = tpu.unpack_subelements %bitcast3A_811, 0 {pack_format = #tpu.pack_format<interleaved>} : vector<32xbf16> -> vector<16xf32>
        %unpack3A_813 = tpu.unpack_subelements %bitcast3A_811, 1 {pack_format = #tpu.pack_format<interleaved>} : vector<32xbf16> -> vector<16xf32>
        %add3A_814 = arith.addf %add3A_772, %unpack3A_812 : vector<16xf32>
        %add3A_815 = arith.addf %add3A_773, %unpack3A_813 : vector<16xf32>
        %get3A_816 = arith.constant 0 : i32
        %get3A_817 = arith.index_cast %get3A_816 : i32 to index
        %get3A_818 = arith.index_cast %scan3A_805 : i32 to index
        %get3A_819 = arith.constant 16 : index
        %get3A_820 = tpu.vector_load %arg6[%get3A_817, %get3A_818, %get3A_819] {strides = array<i32>} : memref<8x200x64xf32, #tpu.memory_space<vmem>>, vector<16xf32>,
        %bitcast3A_821 = vector.bitcast %get3A_820 : vector<16xf32> to vector<32xbf16>
        %unpack3A_822 = tpu.unpack_subelements %bitcast3A_821, 0 {pack_format = #tpu.pack_format<interleaved>} : vector<32xbf16> -> vector<16xf32>
        %unpack3A_823 = tpu.unpack_subelements %bitcast3A_821, 1 {pack_format = #tpu.pack_format<interleaved>} : vector<32xbf16> -> vector<16xf32>
        %add3A_824 = arith.addf %add3A_782, %unpack3A_822 : vector<16xf32>
        %add3A_825 = arith.addf %add3A_783, %unpack3A_823 : vector<16xf32>
        %get3A_826 = arith.constant 0 : i32
        %get3A_827 = arith.index_cast %get3A_826 : i32 to index
        %get3A_828 = arith.index_cast %scan3A_805 : i32 to index
        %get3A_829 = arith.constant 32 : index
        %get3A_830 = tpu.vector_load %arg6[%get3A_827, %get3A_828, %get3A_829] {strides = array<i32>} : memref<8x200x64xf32, #tpu.memory_space<vmem>>, vector<16xf32>,
        %bitcast3A_831 = vector.bitcast %get3A_830 : vector<16xf32> to vector<32xbf16>
        %unpack3A_832 = tpu.unpack_subelements %bitcast3A_831, 0 {pack_format = #tpu.pack_format<interleaved>} : vector<32xbf16> -> vector<16xf32>
        %unpack3A_833 = tpu.unpack_subelements %bitcast3A_831, 1 {pack_format = #tpu.pack_format<interleaved>} : vector<32xbf16> -> vector<16xf32>
        %add3A_834 = arith.addf %add3A_792, %unpack3A_832 : vector<16xf32>
        %add3A_835 = arith.addf %add3A_793, %unpack3A_833 : vector<16xf32>
        %get3A_836 = arith.constant 0 : i32
        %get3A_837 = arith.index_cast %get3A_836 : i32 to index
        %get3A_838 = arith.index_cast %scan3A_805 : i32 to index
        %get3A_839 = arith.constant 48 : index
        %get3A_840 = tpu.vector_load %arg6[%get3A_837, %get3A_838, %get3A_839] {strides = array<i32>} : memref<8x200x64xf32, #tpu.memory_space<vmem>>, vector<16xf32>,
        %bitcast3A_841 = vector.bitcast %get3A_840 : vector<16xf32> to vector<32xbf16>
        %unpack3A_842 = tpu.unpack_subelements %bitcast3A_841, 0 {pack_format = #tpu.pack_format<interleaved>} : vector<32xbf16> -> vector<16xf32>
        %unpack3A_843 = tpu.unpack_subelements %bitcast3A_841, 1 {pack_format = #tpu.pack_format<interleaved>} : vector<32xbf16> -> vector<16xf32>
        %add3A_844 = arith.addf %add3A_802, %unpack3A_842 : vector<16xf32>
        %add3A_845 = arith.addf %add3A_803, %unpack3A_843 : vector<16xf32>
        scf.yield %add3A_814, %add3A_824, %add3A_834, %add3A_844, %add3A_815, %add3A_825, %add3A_835, %add3A_845 : vector<16xf32>, vector<16xf32>, vector<16xf32>, vector<16xf32>, vector<16xf32>, vector<16xf32>, vector<16xf32>, vector<16xf32>
      }
      %scan3A_217 = arith.constant 200 : i32
      %swap3A = arith.constant 0 : index
      %swap3A_218 = tpu.vector_load %arg7[%swap3A] {strides = array<i32>} : memref<128xf32, #tpu.memory_space<vmem>>, vector<16xf32>,
      tpu.vector_store %arg7[%swap3A], %scan3A_216#0 {strides = array<i32>} : memref<128xf32, #tpu.memory_space<vmem>>, vector<16xf32>,
      %swap3A_219 = arith.constant 16 : index
      %swap3A_220 = tpu.vector_load %arg7[%swap3A_219] {strides = array<i32>} : memref<128xf32, #tpu.memory_space<vmem>>, vector<16xf32>,
      tpu.vector_store %arg7[%swap3A_219], %scan3A_216#1 {strides = array<i32>} : memref<128xf32, #tpu.memory_space<vmem>>, vector<16xf32>,
      %swap3A_221 = arith.constant 32 : index
      %swap3A_222 = tpu.vector_load %arg7[%swap3A_221] {strides = array<i32>} : memref<128xf32, #tpu.memory_space<vmem>>, vector<16xf32>,
      tpu.vector_store %arg7[%swap3A_221], %scan3A_216#2 {strides = array<i32>} : memref<128xf32, #tpu.memory_space<vmem>>, vector<16xf32>,
      %swap3A_223 = arith.constant 48 : index
      %swap3A_224 = tpu.vector_load %arg7[%swap3A_223] {strides = array<i32>} : memref<128xf32, #tpu.memory_space<vmem>>, vector<16xf32>,
      tpu.vector_store %arg7[%swap3A_223], %scan3A_216#3 {strides = array<i32>} : memref<128xf32, #tpu.memory_space<vmem>>, vector<16xf32>,
      %swap3A_225 = arith.constant 64 : index
      %swap3A_226 = tpu.vector_load %arg7[%swap3A_225] {strides = array<i32>} : memref<128xf32, #tpu.memory_space<vmem>>, vector<16xf32>,
      tpu.vector_store %arg7[%swap3A_225], %scan3A_216#4 {strides = array<i32>} : memref<128xf32, #tpu.memory_space<vmem>>, vector<16xf32>,
      %swap3A_227 = arith.constant 80 : index
      %swap3A_228 = tpu.vector_load %arg7[%swap3A_227] {strides = array<i32>} : memref<128xf32, #tpu.memory_space<vmem>>, vector<16xf32>,
      tpu.vector_store %arg7[%swap3A_227], %scan3A_216#5 {strides = array<i32>} : memref<128xf32, #tpu.memory_space<vmem>>, vector<16xf32>,
      %swap3A_229 = arith.constant 96 : index
      %swap3A_230 = tpu.vector_load %arg7[%swap3A_229] {strides = array<i32>} : memref<128xf32, #tpu.memory_space<vmem>>, vector<16xf32>,
      tpu.vector_store %arg7[%swap3A_229], %scan3A_216#6 {strides = array<i32>} : memref<128xf32, #tpu.memory_space<vmem>>, vector<16xf32>,
      %swap3A_231 = arith.constant 112 : index
      %swap3A_232 = tpu.vector_load %arg7[%swap3A_231] {strides = array<i32>} : memref<128xf32, #tpu.memory_space<vmem>>, vector<16xf32>,
      tpu.vector_store %arg7[%swap3A_231], %scan3A_216#7 {strides = array<i32>} : memref<128xf32, #tpu.memory_space<vmem>>, vector<16xf32>,
      %add3A_233 = arith.addi %mul3A_2, %add3A_173 : i32
      "tpu.region"() ({
        %run_scoped3A = tpu.sem_alloc : memref<!tpu.dma_semaphore, #tpu.memory_space<semaphore_mem>>
        %dma_start3A_758 = arith.constant 0 : i32
        %dma_start3A_759 = tpu.memref_slice %arg4[%add3A_233, %dma_start3A_758] : memref<4096x128xf32, #tpu.memory_space<hbm>> -> memref<1x128xf32, #tpu.memory_space<hbm>>
        %dma_start3A_760 = tpu.memref_squeeze %dma_start3A_759 : memref<1x128xf32, #tpu.memory_space<hbm>> -> memref<128xf32, #tpu.memory_space<hbm>>
        %dma_start3A_761 = arith.constant 0 : i32
        %dma_start3A_762 = tpu.memref_slice %arg4[%add3A_233, %dma_start3A_761] : memref<4096x128xf32, #tpu.memory_space<hbm>> -> memref<1x128xf32, #tpu.memory_space<hbm>>
        %dma_start3A_763 = tpu.memref_squeeze %dma_start3A_762 : memref<1x128xf32, #tpu.memory_space<hbm>> -> memref<128xf32, #tpu.memory_space<hbm>>
        tpu.enqueue_dma source(%arg7 : memref<128xf32, #tpu.memory_space<vmem>>) target(%dma_start3A_763 : memref<128xf32, #tpu.memory_space<hbm>>) target_semaphore(%run_scoped3A : memref<!tpu.dma_semaphore, #tpu.memory_space<semaphore_mem>>)
        %dma_wait3A_764 = arith.constant 0 : i32
        %dma_wait3A_765 = tpu.memref_slice %arg4[%add3A_233, %dma_wait3A_764] : memref<4096x128xf32, #tpu.memory_space<hbm>> -> memref<1x128xf32, #tpu.memory_space<hbm>>
        %dma_wait3A_766 = tpu.memref_squeeze %dma_wait3A_765 : memref<1x128xf32, #tpu.memory_space<hbm>> -> memref<128xf32, #tpu.memory_space<hbm>>
        %dma_wait3A_767 = arith.constant 0 : i32
        %dma_wait3A_768 = tpu.memref_slice %arg4[%add3A_233, %dma_wait3A_767] : memref<4096x128xf32, #tpu.memory_space<hbm>> -> memref<1x128xf32, #tpu.memory_space<hbm>>
        %dma_wait3A_769 = tpu.memref_squeeze %dma_wait3A_768 : memref<1x128xf32, #tpu.memory_space<hbm>> -> memref<128xf32, #tpu.memory_space<hbm>>
        tpu.wait_dma2 semaphore(%run_scoped3A : memref<!tpu.dma_semaphore, #tpu.memory_space<semaphore_mem>>) src(%arg7 : memref<128xf32, #tpu.memory_space<vmem>>) dst(%dma_wait3A_769 : memref<128xf32, #tpu.memory_space<hbm>>)
        tpu.yield
      }) : () -> ()
      %add3A_234 = arith.constant 0 : i32
      %add3A_235 = arith.addi %mul3A_171, %add3A_234 : i32
      %add3A_236 = arith.constant 8 : i32
      %add3A_237 = arith.addi %add3A_235, %add3A_236 : i32
      %lt3A = arith.constant 128 : i32
      %lt3A_238 = arith.cmpi slt, %add3A_237, %lt3A : i32
      %convert_element_type3A = arith.extui %lt3A_238 : i1 to i32
      %cond3A = arith.constant 0 : i32
      %cond3A_239 = arith.cmpi ne, %convert_element_type3A, %cond3A : i32
      scf.if %cond3A_239 {
        %add3A_758 = arith.constant 0 : i32
        %add3A_759 = arith.addi %mul3A_171, %add3A_758 : i32
        %add3A_760 = arith.constant 8 : i32
        %add3A_761 = arith.addi %add3A_759, %add3A_760 : i32
        %mul3A_762 = arith.constant 200 : i32
        %mul3A_763 = arith.muli %add3A_761, %mul3A_762 : i32
        %mul3A_764 = arith.constant 200 : i32
        %mul3A_765 = arith.muli %add3A_761, %mul3A_764 : i32
        %add3A_766 = arith.constant 128 : i32
        %add3A_767 = arith.addi %mul3A_765, %add3A_766 : i32
        %dma_start3A_768 = arith.constant 0 : i32
        %dma_start3A_769 = arith.constant 0 : i32
        %dma_start3A_770 = arith.constant 0 : i32
        %dma_start3A_771 = tpu.memref_slice %arg6[%dma_start3A_768, %dma_start3A_769, %dma_start3A_770] : memref<8x200x64xf32, #tpu.memory_space<vmem>> -> memref<1x128x64xf32, #tpu.memory_space<vmem>>
        %dma_start3A_772 = tpu.memref_squeeze %dma_start3A_771 : memref<1x128x64xf32, #tpu.memory_space<vmem>> -> memref<128x64xf32, #tpu.memory_space<vmem>>
        %dma_start3A_773 = tpu.memref_slice %arg5[%mul3A_763] : memref<25600xi32, #tpu.memory_space<vmem>> -> memref<128xi32, #tpu.memory_space<vmem>>
        %dma_start3A_774 = arith.constant 0 : i32
        %dma_start3A_775 = arith.constant 0 : i32
        %dma_start3A_776 = tpu.memref_slice %arg2[%dma_start3A_774, %dma_start3A_775] : memref<200000x64xf32, #tpu.memory_space<hbm>> -> memref<200000x64xf32, #tpu.memory_space<hbm>>
        tpu.enqueue_indirect_dma source(%dma_start3A_776 : memref<200000x64xf32, #tpu.memory_space<hbm>>) target(%dma_start3A_772 : memref<128x64xf32, #tpu.memory_space<vmem>>) offsets(%dma_start3A_773 : memref<128xi32, #tpu.memory_space<vmem>>) semaphore(%arg8 : memref<!tpu.dma_semaphore, #tpu.memory_space<semaphore_mem>>)
        %dma_start3A_777 = arith.constant 0 : i32
        %dma_start3A_778 = arith.constant 128 : i32
        %dma_start3A_779 = arith.constant 0 : i32
        %dma_start3A_780 = tpu.memref_slice %arg6[%dma_start3A_777, %dma_start3A_778, %dma_start3A_779] : memref<8x200x64xf32, #tpu.memory_space<vmem>> -> memref<1x72x64xf32, #tpu.memory_space<vmem>>
        %dma_start3A_781 = tpu.memref_squeeze %dma_start3A_780 : memref<1x72x64xf32, #tpu.memory_space<vmem>> -> memref<72x64xf32, #tpu.memory_space<vmem>>
        %dma_start3A_782 = tpu.memref_slice %arg5[%add3A_767] : memref<25600xi32, #tpu.memory_space<vmem>> -> memref<72xi32, #tpu.memory_space<vmem>>
        %dma_start3A_783 = arith.constant 0 : i32
        %dma_start3A_784 = arith.constant 0 : i32
        %dma_start3A_785 = tpu.memref_slice %arg2[%dma_start3A_783, %dma_start3A_784] : memref<200000x64xf32, #tpu.memory_space<hbm>> -> memref<200000x64xf32, #tpu.memory_space<hbm>>
        tpu.enqueue_indirect_dma source(%dma_start3A_785 : memref<200000x64xf32, #tpu.memory_space<hbm>>) target(%dma_start3A_781 : memref<72x64xf32, #tpu.memory_space<vmem>>) offsets(%dma_start3A_782 : memref<72xi32, #tpu.memory_space<vmem>>) semaphore(%arg8 : memref<!tpu.dma_semaphore, #tpu.memory_space<semaphore_mem>>)
      } else {
      }
      %add3A_240 = arith.constant 1 : i32
      %add3A_241 = arith.addi %mul3A_171, %add3A_240 : i32
      %mul3A_242 = arith.constant 200 : i32
      %mul3A_243 = arith.muli %add3A_241, %mul3A_242 : i32
      %mul3A_244 = arith.constant 200 : i32
      %mul3A_245 = arith.muli %add3A_241, %mul3A_244 : i32
      %add3A_246 = arith.constant 128 : i32
      %add3A_247 = arith.addi %mul3A_245, %add3A_246 : i32
      %dma_wait3A_248 = arith.constant 1 : i32
      %dma_wait3A_249 = arith.constant 0 : i32
      %dma_wait3A_250 = arith.constant 0 : i32
      %dma_wait3A_251 = tpu.memref_slice %arg6[%dma_wait3A_248, %dma_wait3A_249, %dma_wait3A_250] : memref<8x200x64xf32, #tpu.memory_space<vmem>> -> memref<1x128x64xf32, #tpu.memory_space<vmem>>
      %dma_wait3A_252 = tpu.memref_squeeze %dma_wait3A_251 : memref<1x128x64xf32, #tpu.memory_space<vmem>> -> memref<128x64xf32, #tpu.memory_space<vmem>>
      %dma_wait3A_253 = tpu.memref_slice %arg5[%mul3A_243] : memref<25600xi32, #tpu.memory_space<vmem>> -> memref<128xi32, #tpu.memory_space<vmem>>
      %dma_wait3A_254 = arith.constant 0 : i32
      %dma_wait3A_255 = arith.constant 0 : i32
      %dma_wait3A_256 = tpu.memref_slice %arg2[%dma_wait3A_254, %dma_wait3A_255] : memref<200000x64xf32, #tpu.memory_space<hbm>> -> memref<200000x64xf32, #tpu.memory_space<hbm>>
      tpu.wait_indirect_dma semaphore(%arg9 : memref<!tpu.dma_semaphore, #tpu.memory_space<semaphore_mem>>) src(%dma_wait3A_256 : memref<200000x64xf32, #tpu.memory_space<hbm>>) dst(%dma_wait3A_252 : memref<128x64xf32, #tpu.memory_space<vmem>>)
      %dma_wait3A_257 = arith.constant 1 : i32
      %dma_wait3A_258 = arith.constant 128 : i32
      %dma_wait3A_259 = arith.constant 0 : i32
      %dma_wait3A_260 = tpu.memref_slice %arg6[%dma_wait3A_257, %dma_wait3A_258, %dma_wait3A_259] : memref<8x200x64xf32, #tpu.memory_space<vmem>> -> memref<1x72x64xf32, #tpu.memory_space<vmem>>
      %dma_wait3A_261 = tpu.memref_squeeze %dma_wait3A_260 : memref<1x72x64xf32, #tpu.memory_space<vmem>> -> memref<72x64xf32, #tpu.memory_space<vmem>>
      %dma_wait3A_262 = tpu.memref_slice %arg5[%add3A_247] : memref<25600xi32, #tpu.memory_space<vmem>> -> memref<72xi32, #tpu.memory_space<vmem>>
      %dma_wait3A_263 = arith.constant 0 : i32
      %dma_wait3A_264 = arith.constant 0 : i32
      %dma_wait3A_265 = tpu.memref_slice %arg2[%dma_wait3A_263, %dma_wait3A_264] : memref<200000x64xf32, #tpu.memory_space<hbm>> -> memref<200000x64xf32, #tpu.memory_space<hbm>>
      tpu.wait_indirect_dma semaphore(%arg9 : memref<!tpu.dma_semaphore, #tpu.memory_space<semaphore_mem>>) src(%dma_wait3A_265 : memref<200000x64xf32, #tpu.memory_space<hbm>>) dst(%dma_wait3A_261 : memref<72x64xf32, #tpu.memory_space<vmem>>)
      %broadcast_in_dim3A_266 = arith.constant 0.000000e+00 : f32
      %broadcast_in_dim3A_267 = vector.broadcast %broadcast_in_dim3A_266 : f32 to vector<16xf32>
      %broadcast_in_dim3A_268 = arith.constant 0.000000e+00 : f32
      %broadcast_in_dim3A_269 = vector.broadcast %broadcast_in_dim3A_268 : f32 to vector<16xf32>
      %broadcast_in_dim3A_270 = arith.constant 0.000000e+00 : f32
      %broadcast_in_dim3A_271 = vector.broadcast %broadcast_in_dim3A_270 : f32 to vector<16xf32>
      %broadcast_in_dim3A_272 = arith.constant 0.000000e+00 : f32
      %broadcast_in_dim3A_273 = vector.broadcast %broadcast_in_dim3A_272 : f32 to vector<16xf32>
      %broadcast_in_dim3A_274 = arith.constant 0.000000e+00 : f32
      %broadcast_in_dim3A_275 = vector.broadcast %broadcast_in_dim3A_274 : f32 to vector<16xf32>
      %broadcast_in_dim3A_276 = arith.constant 0.000000e+00 : f32
      %broadcast_in_dim3A_277 = vector.broadcast %broadcast_in_dim3A_276 : f32 to vector<16xf32>
      %broadcast_in_dim3A_278 = arith.constant 0.000000e+00 : f32
      %broadcast_in_dim3A_279 = vector.broadcast %broadcast_in_dim3A_278 : f32 to vector<16xf32>
      %broadcast_in_dim3A_280 = arith.constant 0.000000e+00 : f32
      %broadcast_in_dim3A_281 = vector.broadcast %broadcast_in_dim3A_280 : f32 to vector<16xf32>
      %scan3A_282 = arith.constant 0 : i32
      %scan3A_283 = arith.constant 200 : i32
      %scan3A_284 = arith.addi %scan3A_282, %scan3A_283 : i32
      %scan3A_285 = arith.constant 2 : i32
      %scan3A_286:8 = scf.for %scan3A_758 = %scan3A_282 to %scan3A_284 step %scan3A_285 iter_args(%scan3A_759 = %broadcast_in_dim3A_267, %scan3A_760 = %broadcast_in_dim3A_269, %scan3A_761 = %broadcast_in_dim3A_271, %scan3A_762 = %broadcast_in_dim3A_273, %scan3A_763 = %broadcast_in_dim3A_275, %scan3A_764 = %broadcast_in_dim3A_277, %scan3A_765 = %broadcast_in_dim3A_279, %scan3A_766 = %broadcast_in_dim3A_281) -> (vector<16xf32>, vector<16xf32>, vector<16xf32>, vector<16xf32>, vector<16xf32>, vector<16xf32>, vector<16xf32>, vector<16xf32>)  : i32 {
        %get3A = arith.constant 1 : i32
        %get3A_767 = arith.index_cast %get3A : i32 to index
        %get3A_768 = arith.index_cast %scan3A_758 : i32 to index
        %get3A_769 = arith.constant 0 : index
        %get3A_770 = tpu.vector_load %arg6[%get3A_767, %get3A_768, %get3A_769] {strides = array<i32>} : memref<8x200x64xf32, #tpu.memory_space<vmem>>, vector<16xf32>,
        %bitcast3A = vector.bitcast %get3A_770 : vector<16xf32> to vector<32xbf16>
        %unpack3A = tpu.unpack_subelements %bitcast3A, 0 {pack_format = #tpu.pack_format<interleaved>} : vector<32xbf16> -> vector<16xf32>
        %unpack3A_771 = tpu.unpack_subelements %bitcast3A, 1 {pack_format = #tpu.pack_format<interleaved>} : vector<32xbf16> -> vector<16xf32>
        %add3A_772 = arith.addf %scan3A_759, %unpack3A : vector<16xf32>
        %add3A_773 = arith.addf %scan3A_763, %unpack3A_771 : vector<16xf32>
        %get3A_774 = arith.constant 1 : i32
        %get3A_775 = arith.index_cast %get3A_774 : i32 to index
        %get3A_776 = arith.index_cast %scan3A_758 : i32 to index
        %get3A_777 = arith.constant 16 : index
        %get3A_778 = tpu.vector_load %arg6[%get3A_775, %get3A_776, %get3A_777] {strides = array<i32>} : memref<8x200x64xf32, #tpu.memory_space<vmem>>, vector<16xf32>,
        %bitcast3A_779 = vector.bitcast %get3A_778 : vector<16xf32> to vector<32xbf16>
        %unpack3A_780 = tpu.unpack_subelements %bitcast3A_779, 0 {pack_format = #tpu.pack_format<interleaved>} : vector<32xbf16> -> vector<16xf32>
        %unpack3A_781 = tpu.unpack_subelements %bitcast3A_779, 1 {pack_format = #tpu.pack_format<interleaved>} : vector<32xbf16> -> vector<16xf32>
        %add3A_782 = arith.addf %scan3A_760, %unpack3A_780 : vector<16xf32>
        %add3A_783 = arith.addf %scan3A_764, %unpack3A_781 : vector<16xf32>
        %get3A_784 = arith.constant 1 : i32
        %get3A_785 = arith.index_cast %get3A_784 : i32 to index
        %get3A_786 = arith.index_cast %scan3A_758 : i32 to index
        %get3A_787 = arith.constant 32 : index
        %get3A_788 = tpu.vector_load %arg6[%get3A_785, %get3A_786, %get3A_787] {strides = array<i32>} : memref<8x200x64xf32, #tpu.memory_space<vmem>>, vector<16xf32>,
        %bitcast3A_789 = vector.bitcast %get3A_788 : vector<16xf32> to vector<32xbf16>
        %unpack3A_790 = tpu.unpack_subelements %bitcast3A_789, 0 {pack_format = #tpu.pack_format<interleaved>} : vector<32xbf16> -> vector<16xf32>
        %unpack3A_791 = tpu.unpack_subelements %bitcast3A_789, 1 {pack_format = #tpu.pack_format<interleaved>} : vector<32xbf16> -> vector<16xf32>
        %add3A_792 = arith.addf %scan3A_761, %unpack3A_790 : vector<16xf32>
        %add3A_793 = arith.addf %scan3A_765, %unpack3A_791 : vector<16xf32>
        %get3A_794 = arith.constant 1 : i32
        %get3A_795 = arith.index_cast %get3A_794 : i32 to index
        %get3A_796 = arith.index_cast %scan3A_758 : i32 to index
        %get3A_797 = arith.constant 48 : index
        %get3A_798 = tpu.vector_load %arg6[%get3A_795, %get3A_796, %get3A_797] {strides = array<i32>} : memref<8x200x64xf32, #tpu.memory_space<vmem>>, vector<16xf32>,
        %bitcast3A_799 = vector.bitcast %get3A_798 : vector<16xf32> to vector<32xbf16>
        %unpack3A_800 = tpu.unpack_subelements %bitcast3A_799, 0 {pack_format = #tpu.pack_format<interleaved>} : vector<32xbf16> -> vector<16xf32>
        %unpack3A_801 = tpu.unpack_subelements %bitcast3A_799, 1 {pack_format = #tpu.pack_format<interleaved>} : vector<32xbf16> -> vector<16xf32>
        %add3A_802 = arith.addf %scan3A_762, %unpack3A_800 : vector<16xf32>
        %add3A_803 = arith.addf %scan3A_766, %unpack3A_801 : vector<16xf32>
        %scan3A_804 = arith.constant 1 : i32
        %scan3A_805 = arith.addi %scan3A_758, %scan3A_804 : i32
        %get3A_806 = arith.constant 1 : i32
        %get3A_807 = arith.index_cast %get3A_806 : i32 to index
        %get3A_808 = arith.index_cast %scan3A_805 : i32 to index
        %get3A_809 = arith.constant 0 : index
        %get3A_810 = tpu.vector_load %arg6[%get3A_807, %get3A_808, %get3A_809] {strides = array<i32>} : memref<8x200x64xf32, #tpu.memory_space<vmem>>, vector<16xf32>,
        %bitcast3A_811 = vector.bitcast %get3A_810 : vector<16xf32> to vector<32xbf16>
        %unpack3A_812 = tpu.unpack_subelements %bitcast3A_811, 0 {pack_format = #tpu.pack_format<interleaved>} : vector<32xbf16> -> vector<16xf32>
        %unpack3A_813 = tpu.unpack_subelements %bitcast3A_811, 1 {pack_format = #tpu.pack_format<interleaved>} : vector<32xbf16> -> vector<16xf32>
        %add3A_814 = arith.addf %add3A_772, %unpack3A_812 : vector<16xf32>
        %add3A_815 = arith.addf %add3A_773, %unpack3A_813 : vector<16xf32>
        %get3A_816 = arith.constant 1 : i32
        %get3A_817 = arith.index_cast %get3A_816 : i32 to index
        %get3A_818 = arith.index_cast %scan3A_805 : i32 to index
        %get3A_819 = arith.constant 16 : index
        %get3A_820 = tpu.vector_load %arg6[%get3A_817, %get3A_818, %get3A_819] {strides = array<i32>} : memref<8x200x64xf32, #tpu.memory_space<vmem>>, vector<16xf32>,
        %bitcast3A_821 = vector.bitcast %get3A_820 : vector<16xf32> to vector<32xbf16>
        %unpack3A_822 = tpu.unpack_subelements %bitcast3A_821, 0 {pack_format = #tpu.pack_format<interleaved>} : vector<32xbf16> -> vector<16xf32>
        %unpack3A_823 = tpu.unpack_subelements %bitcast3A_821, 1 {pack_format = #tpu.pack_format<interleaved>} : vector<32xbf16> -> vector<16xf32>
        %add3A_824 = arith.addf %add3A_782, %unpack3A_822 : vector<16xf32>
        %add3A_825 = arith.addf %add3A_783, %unpack3A_823 : vector<16xf32>
        %get3A_826 = arith.constant 1 : i32
        %get3A_827 = arith.index_cast %get3A_826 : i32 to index
        %get3A_828 = arith.index_cast %scan3A_805 : i32 to index
        %get3A_829 = arith.constant 32 : index
        %get3A_830 = tpu.vector_load %arg6[%get3A_827, %get3A_828, %get3A_829] {strides = array<i32>} : memref<8x200x64xf32, #tpu.memory_space<vmem>>, vector<16xf32>,
        %bitcast3A_831 = vector.bitcast %get3A_830 : vector<16xf32> to vector<32xbf16>
        %unpack3A_832 = tpu.unpack_subelements %bitcast3A_831, 0 {pack_format = #tpu.pack_format<interleaved>} : vector<32xbf16> -> vector<16xf32>
        %unpack3A_833 = tpu.unpack_subelements %bitcast3A_831, 1 {pack_format = #tpu.pack_format<interleaved>} : vector<32xbf16> -> vector<16xf32>
        %add3A_834 = arith.addf %add3A_792, %unpack3A_832 : vector<16xf32>
        %add3A_835 = arith.addf %add3A_793, %unpack3A_833 : vector<16xf32>
        %get3A_836 = arith.constant 1 : i32
        %get3A_837 = arith.index_cast %get3A_836 : i32 to index
        %get3A_838 = arith.index_cast %scan3A_805 : i32 to index
        %get3A_839 = arith.constant 48 : index
        %get3A_840 = tpu.vector_load %arg6[%get3A_837, %get3A_838, %get3A_839] {strides = array<i32>} : memref<8x200x64xf32, #tpu.memory_space<vmem>>, vector<16xf32>,
        %bitcast3A_841 = vector.bitcast %get3A_840 : vector<16xf32> to vector<32xbf16>
        %unpack3A_842 = tpu.unpack_subelements %bitcast3A_841, 0 {pack_format = #tpu.pack_format<interleaved>} : vector<32xbf16> -> vector<16xf32>
        %unpack3A_843 = tpu.unpack_subelements %bitcast3A_841, 1 {pack_format = #tpu.pack_format<interleaved>} : vector<32xbf16> -> vector<16xf32>
        %add3A_844 = arith.addf %add3A_802, %unpack3A_842 : vector<16xf32>
        %add3A_845 = arith.addf %add3A_803, %unpack3A_843 : vector<16xf32>
        scf.yield %add3A_814, %add3A_824, %add3A_834, %add3A_844, %add3A_815, %add3A_825, %add3A_835, %add3A_845 : vector<16xf32>, vector<16xf32>, vector<16xf32>, vector<16xf32>, vector<16xf32>, vector<16xf32>, vector<16xf32>, vector<16xf32>
      }
      %scan3A_287 = arith.constant 200 : i32
      %swap3A_288 = arith.constant 0 : index
      %swap3A_289 = tpu.vector_load %arg7[%swap3A_288] {strides = array<i32>} : memref<128xf32, #tpu.memory_space<vmem>>, vector<16xf32>,
      tpu.vector_store %arg7[%swap3A_288], %scan3A_286#0 {strides = array<i32>} : memref<128xf32, #tpu.memory_space<vmem>>, vector<16xf32>,
      %swap3A_290 = arith.constant 16 : index
      %swap3A_291 = tpu.vector_load %arg7[%swap3A_290] {strides = array<i32>} : memref<128xf32, #tpu.memory_space<vmem>>, vector<16xf32>,
      tpu.vector_store %arg7[%swap3A_290], %scan3A_286#1 {strides = array<i32>} : memref<128xf32, #tpu.memory_space<vmem>>, vector<16xf32>,
      %swap3A_292 = arith.constant 32 : index
      %swap3A_293 = tpu.vector_load %arg7[%swap3A_292] {strides = array<i32>} : memref<128xf32, #tpu.memory_space<vmem>>, vector<16xf32>,
      tpu.vector_store %arg7[%swap3A_292], %scan3A_286#2 {strides = array<i32>} : memref<128xf32, #tpu.memory_space<vmem>>, vector<16xf32>,
      %swap3A_294 = arith.constant 48 : index
      %swap3A_295 = tpu.vector_load %arg7[%swap3A_294] {strides = array<i32>} : memref<128xf32, #tpu.memory_space<vmem>>, vector<16xf32>,
      tpu.vector_store %arg7[%swap3A_294], %scan3A_286#3 {strides = array<i32>} : memref<128xf32, #tpu.memory_space<vmem>>, vector<16xf32>,
      %swap3A_296 = arith.constant 64 : index
      %swap3A_297 = tpu.vector_load %arg7[%swap3A_296] {strides = array<i32>} : memref<128xf32, #tpu.memory_space<vmem>>, vector<16xf32>,
      tpu.vector_store %arg7[%swap3A_296], %scan3A_286#4 {strides = array<i32>} : memref<128xf32, #tpu.memory_space<vmem>>, vector<16xf32>,
      %swap3A_298 = arith.constant 80 : index
      %swap3A_299 = tpu.vector_load %arg7[%swap3A_298] {strides = array<i32>} : memref<128xf32, #tpu.memory_space<vmem>>, vector<16xf32>,
      tpu.vector_store %arg7[%swap3A_298], %scan3A_286#5 {strides = array<i32>} : memref<128xf32, #tpu.memory_space<vmem>>, vector<16xf32>,
      %swap3A_300 = arith.constant 96 : index
      %swap3A_301 = tpu.vector_load %arg7[%swap3A_300] {strides = array<i32>} : memref<128xf32, #tpu.memory_space<vmem>>, vector<16xf32>,
      tpu.vector_store %arg7[%swap3A_300], %scan3A_286#6 {strides = array<i32>} : memref<128xf32, #tpu.memory_space<vmem>>, vector<16xf32>,
      %swap3A_302 = arith.constant 112 : index
      %swap3A_303 = tpu.vector_load %arg7[%swap3A_302] {strides = array<i32>} : memref<128xf32, #tpu.memory_space<vmem>>, vector<16xf32>,
      tpu.vector_store %arg7[%swap3A_302], %scan3A_286#7 {strides = array<i32>} : memref<128xf32, #tpu.memory_space<vmem>>, vector<16xf32>,
      %add3A_304 = arith.addi %mul3A_2, %add3A_241 : i32
      "tpu.region"() ({
        %run_scoped3A = tpu.sem_alloc : memref<!tpu.dma_semaphore, #tpu.memory_space<semaphore_mem>>
        %dma_start3A_758 = arith.constant 0 : i32
        %dma_start3A_759 = tpu.memref_slice %arg4[%add3A_304, %dma_start3A_758] : memref<4096x128xf32, #tpu.memory_space<hbm>> -> memref<1x128xf32, #tpu.memory_space<hbm>>
        %dma_start3A_760 = tpu.memref_squeeze %dma_start3A_759 : memref<1x128xf32, #tpu.memory_space<hbm>> -> memref<128xf32, #tpu.memory_space<hbm>>
        %dma_start3A_761 = arith.constant 0 : i32
        %dma_start3A_762 = tpu.memref_slice %arg4[%add3A_304, %dma_start3A_761] : memref<4096x128xf32, #tpu.memory_space<hbm>> -> memref<1x128xf32, #tpu.memory_space<hbm>>
        %dma_start3A_763 = tpu.memref_squeeze %dma_start3A_762 : memref<1x128xf32, #tpu.memory_space<hbm>> -> memref<128xf32, #tpu.memory_space<hbm>>
        tpu.enqueue_dma source(%arg7 : memref<128xf32, #tpu.memory_space<vmem>>) target(%dma_start3A_763 : memref<128xf32, #tpu.memory_space<hbm>>) target_semaphore(%run_scoped3A : memref<!tpu.dma_semaphore, #tpu.memory_space<semaphore_mem>>)
        %dma_wait3A_764 = arith.constant 0 : i32
        %dma_wait3A_765 = tpu.memref_slice %arg4[%add3A_304, %dma_wait3A_764] : memref<4096x128xf32, #tpu.memory_space<hbm>> -> memref<1x128xf32, #tpu.memory_space<hbm>>
        %dma_wait3A_766 = tpu.memref_squeeze %dma_wait3A_765 : memref<1x128xf32, #tpu.memory_space<hbm>> -> memref<128xf32, #tpu.memory_space<hbm>>
        %dma_wait3A_767 = arith.constant 0 : i32
        %dma_wait3A_768 = tpu.memref_slice %arg4[%add3A_304, %dma_wait3A_767] : memref<4096x128xf32, #tpu.memory_space<hbm>> -> memref<1x128xf32, #tpu.memory_space<hbm>>
        %dma_wait3A_769 = tpu.memref_squeeze %dma_wait3A_768 : memref<1x128xf32, #tpu.memory_space<hbm>> -> memref<128xf32, #tpu.memory_space<hbm>>
        tpu.wait_dma2 semaphore(%run_scoped3A : memref<!tpu.dma_semaphore, #tpu.memory_space<semaphore_mem>>) src(%arg7 : memref<128xf32, #tpu.memory_space<vmem>>) dst(%dma_wait3A_769 : memref<128xf32, #tpu.memory_space<hbm>>)
        tpu.yield
      }) : () -> ()
      %add3A_305 = arith.constant 1 : i32
      %add3A_306 = arith.addi %mul3A_171, %add3A_305 : i32
      %add3A_307 = arith.constant 8 : i32
      %add3A_308 = arith.addi %add3A_306, %add3A_307 : i32
      %lt3A_309 = arith.constant 128 : i32
      %lt3A_310 = arith.cmpi slt, %add3A_308, %lt3A_309 : i32
      %convert_element_type3A_311 = arith.extui %lt3A_310 : i1 to i32
      %cond3A_312 = arith.constant 0 : i32
      %cond3A_313 = arith.cmpi ne, %convert_element_type3A_311, %cond3A_312 : i32
      scf.if %cond3A_313 {
        %add3A_758 = arith.constant 1 : i32
        %add3A_759 = arith.addi %mul3A_171, %add3A_758 : i32
        %add3A_760 = arith.constant 8 : i32
        %add3A_761 = arith.addi %add3A_759, %add3A_760 : i32
        %mul3A_762 = arith.constant 200 : i32
        %mul3A_763 = arith.muli %add3A_761, %mul3A_762 : i32
        %mul3A_764 = arith.constant 200 : i32
        %mul3A_765 = arith.muli %add3A_761, %mul3A_764 : i32
        %add3A_766 = arith.constant 128 : i32
        %add3A_767 = arith.addi %mul3A_765, %add3A_766 : i32
        %dma_start3A_768 = arith.constant 1 : i32
        %dma_start3A_769 = arith.constant 0 : i32
        %dma_start3A_770 = arith.constant 0 : i32
        %dma_start3A_771 = tpu.memref_slice %arg6[%dma_start3A_768, %dma_start3A_769, %dma_start3A_770] : memref<8x200x64xf32, #tpu.memory_space<vmem>> -> memref<1x128x64xf32, #tpu.memory_space<vmem>>
        %dma_start3A_772 = tpu.memref_squeeze %dma_start3A_771 : memref<1x128x64xf32, #tpu.memory_space<vmem>> -> memref<128x64xf32, #tpu.memory_space<vmem>>
        %dma_start3A_773 = tpu.memref_slice %arg5[%mul3A_763] : memref<25600xi32, #tpu.memory_space<vmem>> -> memref<128xi32, #tpu.memory_space<vmem>>
        %dma_start3A_774 = arith.constant 0 : i32
        %dma_start3A_775 = arith.constant 0 : i32
        %dma_start3A_776 = tpu.memref_slice %arg2[%dma_start3A_774, %dma_start3A_775] : memref<200000x64xf32, #tpu.memory_space<hbm>> -> memref<200000x64xf32, #tpu.memory_space<hbm>>
        tpu.enqueue_indirect_dma source(%dma_start3A_776 : memref<200000x64xf32, #tpu.memory_space<hbm>>) target(%dma_start3A_772 : memref<128x64xf32, #tpu.memory_space<vmem>>) offsets(%dma_start3A_773 : memref<128xi32, #tpu.memory_space<vmem>>) semaphore(%arg9 : memref<!tpu.dma_semaphore, #tpu.memory_space<semaphore_mem>>)
        %dma_start3A_777 = arith.constant 1 : i32
        %dma_start3A_778 = arith.constant 128 : i32
        %dma_start3A_779 = arith.constant 0 : i32
        %dma_start3A_780 = tpu.memref_slice %arg6[%dma_start3A_777, %dma_start3A_778, %dma_start3A_779] : memref<8x200x64xf32, #tpu.memory_space<vmem>> -> memref<1x72x64xf32, #tpu.memory_space<vmem>>
        %dma_start3A_781 = tpu.memref_squeeze %dma_start3A_780 : memref<1x72x64xf32, #tpu.memory_space<vmem>> -> memref<72x64xf32, #tpu.memory_space<vmem>>
        %dma_start3A_782 = tpu.memref_slice %arg5[%add3A_767] : memref<25600xi32, #tpu.memory_space<vmem>> -> memref<72xi32, #tpu.memory_space<vmem>>
        %dma_start3A_783 = arith.constant 0 : i32
        %dma_start3A_784 = arith.constant 0 : i32
        %dma_start3A_785 = tpu.memref_slice %arg2[%dma_start3A_783, %dma_start3A_784] : memref<200000x64xf32, #tpu.memory_space<hbm>> -> memref<200000x64xf32, #tpu.memory_space<hbm>>
        tpu.enqueue_indirect_dma source(%dma_start3A_785 : memref<200000x64xf32, #tpu.memory_space<hbm>>) target(%dma_start3A_781 : memref<72x64xf32, #tpu.memory_space<vmem>>) offsets(%dma_start3A_782 : memref<72xi32, #tpu.memory_space<vmem>>) semaphore(%arg9 : memref<!tpu.dma_semaphore, #tpu.memory_space<semaphore_mem>>)
      } else {
      }
      %add3A_314 = arith.constant 2 : i32
      %add3A_315 = arith.addi %mul3A_171, %add3A_314 : i32
      %mul3A_316 = arith.constant 200 : i32
      %mul3A_317 = arith.muli %add3A_315, %mul3A_316 : i32
      %mul3A_318 = arith.constant 200 : i32
      %mul3A_319 = arith.muli %add3A_315, %mul3A_318 : i32
      %add3A_320 = arith.constant 128 : i32
      %add3A_321 = arith.addi %mul3A_319, %add3A_320 : i32
      %dma_wait3A_322 = arith.constant 2 : i32
      %dma_wait3A_323 = arith.constant 0 : i32
      %dma_wait3A_324 = arith.constant 0 : i32
      %dma_wait3A_325 = tpu.memref_slice %arg6[%dma_wait3A_322, %dma_wait3A_323, %dma_wait3A_324] : memref<8x200x64xf32, #tpu.memory_space<vmem>> -> memref<1x128x64xf32, #tpu.memory_space<vmem>>
      %dma_wait3A_326 = tpu.memref_squeeze %dma_wait3A_325 : memref<1x128x64xf32, #tpu.memory_space<vmem>> -> memref<128x64xf32, #tpu.memory_space<vmem>>
      %dma_wait3A_327 = tpu.memref_slice %arg5[%mul3A_317] : memref<25600xi32, #tpu.memory_space<vmem>> -> memref<128xi32, #tpu.memory_space<vmem>>
      %dma_wait3A_328 = arith.constant 0 : i32
      %dma_wait3A_329 = arith.constant 0 : i32
      %dma_wait3A_330 = tpu.memref_slice %arg2[%dma_wait3A_328, %dma_wait3A_329] : memref<200000x64xf32, #tpu.memory_space<hbm>> -> memref<200000x64xf32, #tpu.memory_space<hbm>>
      tpu.wait_indirect_dma semaphore(%arg10 : memref<!tpu.dma_semaphore, #tpu.memory_space<semaphore_mem>>) src(%dma_wait3A_330 : memref<200000x64xf32, #tpu.memory_space<hbm>>) dst(%dma_wait3A_326 : memref<128x64xf32, #tpu.memory_space<vmem>>)
      %dma_wait3A_331 = arith.constant 2 : i32
      %dma_wait3A_332 = arith.constant 128 : i32
      %dma_wait3A_333 = arith.constant 0 : i32
      %dma_wait3A_334 = tpu.memref_slice %arg6[%dma_wait3A_331, %dma_wait3A_332, %dma_wait3A_333] : memref<8x200x64xf32, #tpu.memory_space<vmem>> -> memref<1x72x64xf32, #tpu.memory_space<vmem>>
      %dma_wait3A_335 = tpu.memref_squeeze %dma_wait3A_334 : memref<1x72x64xf32, #tpu.memory_space<vmem>> -> memref<72x64xf32, #tpu.memory_space<vmem>>
      %dma_wait3A_336 = tpu.memref_slice %arg5[%add3A_321] : memref<25600xi32, #tpu.memory_space<vmem>> -> memref<72xi32, #tpu.memory_space<vmem>>
      %dma_wait3A_337 = arith.constant 0 : i32
      %dma_wait3A_338 = arith.constant 0 : i32
      %dma_wait3A_339 = tpu.memref_slice %arg2[%dma_wait3A_337, %dma_wait3A_338] : memref<200000x64xf32, #tpu.memory_space<hbm>> -> memref<200000x64xf32, #tpu.memory_space<hbm>>
      tpu.wait_indirect_dma semaphore(%arg10 : memref<!tpu.dma_semaphore, #tpu.memory_space<semaphore_mem>>) src(%dma_wait3A_339 : memref<200000x64xf32, #tpu.memory_space<hbm>>) dst(%dma_wait3A_335 : memref<72x64xf32, #tpu.memory_space<vmem>>)
      %broadcast_in_dim3A_340 = arith.constant 0.000000e+00 : f32
      %broadcast_in_dim3A_341 = vector.broadcast %broadcast_in_dim3A_340 : f32 to vector<16xf32>
      %broadcast_in_dim3A_342 = arith.constant 0.000000e+00 : f32
      %broadcast_in_dim3A_343 = vector.broadcast %broadcast_in_dim3A_342 : f32 to vector<16xf32>
      %broadcast_in_dim3A_344 = arith.constant 0.000000e+00 : f32
      %broadcast_in_dim3A_345 = vector.broadcast %broadcast_in_dim3A_344 : f32 to vector<16xf32>
      %broadcast_in_dim3A_346 = arith.constant 0.000000e+00 : f32
      %broadcast_in_dim3A_347 = vector.broadcast %broadcast_in_dim3A_346 : f32 to vector<16xf32>
      %broadcast_in_dim3A_348 = arith.constant 0.000000e+00 : f32
      %broadcast_in_dim3A_349 = vector.broadcast %broadcast_in_dim3A_348 : f32 to vector<16xf32>
      %broadcast_in_dim3A_350 = arith.constant 0.000000e+00 : f32
      %broadcast_in_dim3A_351 = vector.broadcast %broadcast_in_dim3A_350 : f32 to vector<16xf32>
      %broadcast_in_dim3A_352 = arith.constant 0.000000e+00 : f32
      %broadcast_in_dim3A_353 = vector.broadcast %broadcast_in_dim3A_352 : f32 to vector<16xf32>
      %broadcast_in_dim3A_354 = arith.constant 0.000000e+00 : f32
      %broadcast_in_dim3A_355 = vector.broadcast %broadcast_in_dim3A_354 : f32 to vector<16xf32>
      %scan3A_356 = arith.constant 0 : i32
      %scan3A_357 = arith.constant 200 : i32
      %scan3A_358 = arith.addi %scan3A_356, %scan3A_357 : i32
      %scan3A_359 = arith.constant 2 : i32
      %scan3A_360:8 = scf.for %scan3A_758 = %scan3A_356 to %scan3A_358 step %scan3A_359 iter_args(%scan3A_759 = %broadcast_in_dim3A_341, %scan3A_760 = %broadcast_in_dim3A_343, %scan3A_761 = %broadcast_in_dim3A_345, %scan3A_762 = %broadcast_in_dim3A_347, %scan3A_763 = %broadcast_in_dim3A_349, %scan3A_764 = %broadcast_in_dim3A_351, %scan3A_765 = %broadcast_in_dim3A_353, %scan3A_766 = %broadcast_in_dim3A_355) -> (vector<16xf32>, vector<16xf32>, vector<16xf32>, vector<16xf32>, vector<16xf32>, vector<16xf32>, vector<16xf32>, vector<16xf32>)  : i32 {
        %get3A = arith.constant 2 : i32
        %get3A_767 = arith.index_cast %get3A : i32 to index
        %get3A_768 = arith.index_cast %scan3A_758 : i32 to index
        %get3A_769 = arith.constant 0 : index
        %get3A_770 = tpu.vector_load %arg6[%get3A_767, %get3A_768, %get3A_769] {strides = array<i32>} : memref<8x200x64xf32, #tpu.memory_space<vmem>>, vector<16xf32>,
        %bitcast3A = vector.bitcast %get3A_770 : vector<16xf32> to vector<32xbf16>
        %unpack3A = tpu.unpack_subelements %bitcast3A, 0 {pack_format = #tpu.pack_format<interleaved>} : vector<32xbf16> -> vector<16xf32>
        %unpack3A_771 = tpu.unpack_subelements %bitcast3A, 1 {pack_format = #tpu.pack_format<interleaved>} : vector<32xbf16> -> vector<16xf32>
        %add3A_772 = arith.addf %scan3A_759, %unpack3A : vector<16xf32>
        %add3A_773 = arith.addf %scan3A_763, %unpack3A_771 : vector<16xf32>
        %get3A_774 = arith.constant 2 : i32
        %get3A_775 = arith.index_cast %get3A_774 : i32 to index
        %get3A_776 = arith.index_cast %scan3A_758 : i32 to index
        %get3A_777 = arith.constant 16 : index
        %get3A_778 = tpu.vector_load %arg6[%get3A_775, %get3A_776, %get3A_777] {strides = array<i32>} : memref<8x200x64xf32, #tpu.memory_space<vmem>>, vector<16xf32>,
        %bitcast3A_779 = vector.bitcast %get3A_778 : vector<16xf32> to vector<32xbf16>
        %unpack3A_780 = tpu.unpack_subelements %bitcast3A_779, 0 {pack_format = #tpu.pack_format<interleaved>} : vector<32xbf16> -> vector<16xf32>
        %unpack3A_781 = tpu.unpack_subelements %bitcast3A_779, 1 {pack_format = #tpu.pack_format<interleaved>} : vector<32xbf16> -> vector<16xf32>
        %add3A_782 = arith.addf %scan3A_760, %unpack3A_780 : vector<16xf32>
        %add3A_783 = arith.addf %scan3A_764, %unpack3A_781 : vector<16xf32>
        %get3A_784 = arith.constant 2 : i32
        %get3A_785 = arith.index_cast %get3A_784 : i32 to index
        %get3A_786 = arith.index_cast %scan3A_758 : i32 to index
        %get3A_787 = arith.constant 32 : index
        %get3A_788 = tpu.vector_load %arg6[%get3A_785, %get3A_786, %get3A_787] {strides = array<i32>} : memref<8x200x64xf32, #tpu.memory_space<vmem>>, vector<16xf32>,
        %bitcast3A_789 = vector.bitcast %get3A_788 : vector<16xf32> to vector<32xbf16>
        %unpack3A_790 = tpu.unpack_subelements %bitcast3A_789, 0 {pack_format = #tpu.pack_format<interleaved>} : vector<32xbf16> -> vector<16xf32>
        %unpack3A_791 = tpu.unpack_subelements %bitcast3A_789, 1 {pack_format = #tpu.pack_format<interleaved>} : vector<32xbf16> -> vector<16xf32>
        %add3A_792 = arith.addf %scan3A_761, %unpack3A_790 : vector<16xf32>
        %add3A_793 = arith.addf %scan3A_765, %unpack3A_791 : vector<16xf32>
        %get3A_794 = arith.constant 2 : i32
        %get3A_795 = arith.index_cast %get3A_794 : i32 to index
        %get3A_796 = arith.index_cast %scan3A_758 : i32 to index
        %get3A_797 = arith.constant 48 : index
        %get3A_798 = tpu.vector_load %arg6[%get3A_795, %get3A_796, %get3A_797] {strides = array<i32>} : memref<8x200x64xf32, #tpu.memory_space<vmem>>, vector<16xf32>,
        %bitcast3A_799 = vector.bitcast %get3A_798 : vector<16xf32> to vector<32xbf16>
        %unpack3A_800 = tpu.unpack_subelements %bitcast3A_799, 0 {pack_format = #tpu.pack_format<interleaved>} : vector<32xbf16> -> vector<16xf32>
        %unpack3A_801 = tpu.unpack_subelements %bitcast3A_799, 1 {pack_format = #tpu.pack_format<interleaved>} : vector<32xbf16> -> vector<16xf32>
        %add3A_802 = arith.addf %scan3A_762, %unpack3A_800 : vector<16xf32>
        %add3A_803 = arith.addf %scan3A_766, %unpack3A_801 : vector<16xf32>
        %scan3A_804 = arith.constant 1 : i32
        %scan3A_805 = arith.addi %scan3A_758, %scan3A_804 : i32
        %get3A_806 = arith.constant 2 : i32
        %get3A_807 = arith.index_cast %get3A_806 : i32 to index
        %get3A_808 = arith.index_cast %scan3A_805 : i32 to index
        %get3A_809 = arith.constant 0 : index
        %get3A_810 = tpu.vector_load %arg6[%get3A_807, %get3A_808, %get3A_809] {strides = array<i32>} : memref<8x200x64xf32, #tpu.memory_space<vmem>>, vector<16xf32>,
        %bitcast3A_811 = vector.bitcast %get3A_810 : vector<16xf32> to vector<32xbf16>
        %unpack3A_812 = tpu.unpack_subelements %bitcast3A_811, 0 {pack_format = #tpu.pack_format<interleaved>} : vector<32xbf16> -> vector<16xf32>
        %unpack3A_813 = tpu.unpack_subelements %bitcast3A_811, 1 {pack_format = #tpu.pack_format<interleaved>} : vector<32xbf16> -> vector<16xf32>
        %add3A_814 = arith.addf %add3A_772, %unpack3A_812 : vector<16xf32>
        %add3A_815 = arith.addf %add3A_773, %unpack3A_813 : vector<16xf32>
        %get3A_816 = arith.constant 2 : i32
        %get3A_817 = arith.index_cast %get3A_816 : i32 to index
        %get3A_818 = arith.index_cast %scan3A_805 : i32 to index
        %get3A_819 = arith.constant 16 : index
        %get3A_820 = tpu.vector_load %arg6[%get3A_817, %get3A_818, %get3A_819] {strides = array<i32>} : memref<8x200x64xf32, #tpu.memory_space<vmem>>, vector<16xf32>,
        %bitcast3A_821 = vector.bitcast %get3A_820 : vector<16xf32> to vector<32xbf16>
        %unpack3A_822 = tpu.unpack_subelements %bitcast3A_821, 0 {pack_format = #tpu.pack_format<interleaved>} : vector<32xbf16> -> vector<16xf32>
        %unpack3A_823 = tpu.unpack_subelements %bitcast3A_821, 1 {pack_format = #tpu.pack_format<interleaved>} : vector<32xbf16> -> vector<16xf32>
        %add3A_824 = arith.addf %add3A_782, %unpack3A_822 : vector<16xf32>
        %add3A_825 = arith.addf %add3A_783, %unpack3A_823 : vector<16xf32>
        %get3A_826 = arith.constant 2 : i32
        %get3A_827 = arith.index_cast %get3A_826 : i32 to index
        %get3A_828 = arith.index_cast %scan3A_805 : i32 to index
        %get3A_829 = arith.constant 32 : index
        %get3A_830 = tpu.vector_load %arg6[%get3A_827, %get3A_828, %get3A_829] {strides = array<i32>} : memref<8x200x64xf32, #tpu.memory_space<vmem>>, vector<16xf32>,
        %bitcast3A_831 = vector.bitcast %get3A_830 : vector<16xf32> to vector<32xbf16>
        %unpack3A_832 = tpu.unpack_subelements %bitcast3A_831, 0 {pack_format = #tpu.pack_format<interleaved>} : vector<32xbf16> -> vector<16xf32>
        %unpack3A_833 = tpu.unpack_subelements %bitcast3A_831, 1 {pack_format = #tpu.pack_format<interleaved>} : vector<32xbf16> -> vector<16xf32>
        %add3A_834 = arith.addf %add3A_792, %unpack3A_832 : vector<16xf32>
        %add3A_835 = arith.addf %add3A_793, %unpack3A_833 : vector<16xf32>
        %get3A_836 = arith.constant 2 : i32
        %get3A_837 = arith.index_cast %get3A_836 : i32 to index
        %get3A_838 = arith.index_cast %scan3A_805 : i32 to index
        %get3A_839 = arith.constant 48 : index
        %get3A_840 = tpu.vector_load %arg6[%get3A_837, %get3A_838, %get3A_839] {strides = array<i32>} : memref<8x200x64xf32, #tpu.memory_space<vmem>>, vector<16xf32>,
        %bitcast3A_841 = vector.bitcast %get3A_840 : vector<16xf32> to vector<32xbf16>
        %unpack3A_842 = tpu.unpack_subelements %bitcast3A_841, 0 {pack_format = #tpu.pack_format<interleaved>} : vector<32xbf16> -> vector<16xf32>
        %unpack3A_843 = tpu.unpack_subelements %bitcast3A_841, 1 {pack_format = #tpu.pack_format<interleaved>} : vector<32xbf16> -> vector<16xf32>
        %add3A_844 = arith.addf %add3A_802, %unpack3A_842 : vector<16xf32>
        %add3A_845 = arith.addf %add3A_803, %unpack3A_843 : vector<16xf32>
        scf.yield %add3A_814, %add3A_824, %add3A_834, %add3A_844, %add3A_815, %add3A_825, %add3A_835, %add3A_845 : vector<16xf32>, vector<16xf32>, vector<16xf32>, vector<16xf32>, vector<16xf32>, vector<16xf32>, vector<16xf32>, vector<16xf32>
      }
      %scan3A_361 = arith.constant 200 : i32
      %swap3A_362 = arith.constant 0 : index
      %swap3A_363 = tpu.vector_load %arg7[%swap3A_362] {strides = array<i32>} : memref<128xf32, #tpu.memory_space<vmem>>, vector<16xf32>,
      tpu.vector_store %arg7[%swap3A_362], %scan3A_360#0 {strides = array<i32>} : memref<128xf32, #tpu.memory_space<vmem>>, vector<16xf32>,
      %swap3A_364 = arith.constant 16 : index
      %swap3A_365 = tpu.vector_load %arg7[%swap3A_364] {strides = array<i32>} : memref<128xf32, #tpu.memory_space<vmem>>, vector<16xf32>,
      tpu.vector_store %arg7[%swap3A_364], %scan3A_360#1 {strides = array<i32>} : memref<128xf32, #tpu.memory_space<vmem>>, vector<16xf32>,
      %swap3A_366 = arith.constant 32 : index
      %swap3A_367 = tpu.vector_load %arg7[%swap3A_366] {strides = array<i32>} : memref<128xf32, #tpu.memory_space<vmem>>, vector<16xf32>,
      tpu.vector_store %arg7[%swap3A_366], %scan3A_360#2 {strides = array<i32>} : memref<128xf32, #tpu.memory_space<vmem>>, vector<16xf32>,
      %swap3A_368 = arith.constant 48 : index
      %swap3A_369 = tpu.vector_load %arg7[%swap3A_368] {strides = array<i32>} : memref<128xf32, #tpu.memory_space<vmem>>, vector<16xf32>,
      tpu.vector_store %arg7[%swap3A_368], %scan3A_360#3 {strides = array<i32>} : memref<128xf32, #tpu.memory_space<vmem>>, vector<16xf32>,
      %swap3A_370 = arith.constant 64 : index
      %swap3A_371 = tpu.vector_load %arg7[%swap3A_370] {strides = array<i32>} : memref<128xf32, #tpu.memory_space<vmem>>, vector<16xf32>,
      tpu.vector_store %arg7[%swap3A_370], %scan3A_360#4 {strides = array<i32>} : memref<128xf32, #tpu.memory_space<vmem>>, vector<16xf32>,
      %swap3A_372 = arith.constant 80 : index
      %swap3A_373 = tpu.vector_load %arg7[%swap3A_372] {strides = array<i32>} : memref<128xf32, #tpu.memory_space<vmem>>, vector<16xf32>,
      tpu.vector_store %arg7[%swap3A_372], %scan3A_360#5 {strides = array<i32>} : memref<128xf32, #tpu.memory_space<vmem>>, vector<16xf32>,
      %swap3A_374 = arith.constant 96 : index
      %swap3A_375 = tpu.vector_load %arg7[%swap3A_374] {strides = array<i32>} : memref<128xf32, #tpu.memory_space<vmem>>, vector<16xf32>,
      tpu.vector_store %arg7[%swap3A_374], %scan3A_360#6 {strides = array<i32>} : memref<128xf32, #tpu.memory_space<vmem>>, vector<16xf32>,
      %swap3A_376 = arith.constant 112 : index
      %swap3A_377 = tpu.vector_load %arg7[%swap3A_376] {strides = array<i32>} : memref<128xf32, #tpu.memory_space<vmem>>, vector<16xf32>,
      tpu.vector_store %arg7[%swap3A_376], %scan3A_360#7 {strides = array<i32>} : memref<128xf32, #tpu.memory_space<vmem>>, vector<16xf32>,
      %add3A_378 = arith.addi %mul3A_2, %add3A_315 : i32
      "tpu.region"() ({
        %run_scoped3A = tpu.sem_alloc : memref<!tpu.dma_semaphore, #tpu.memory_space<semaphore_mem>>
        %dma_start3A_758 = arith.constant 0 : i32
        %dma_start3A_759 = tpu.memref_slice %arg4[%add3A_378, %dma_start3A_758] : memref<4096x128xf32, #tpu.memory_space<hbm>> -> memref<1x128xf32, #tpu.memory_space<hbm>>
        %dma_start3A_760 = tpu.memref_squeeze %dma_start3A_759 : memref<1x128xf32, #tpu.memory_space<hbm>> -> memref<128xf32, #tpu.memory_space<hbm>>
        %dma_start3A_761 = arith.constant 0 : i32
        %dma_start3A_762 = tpu.memref_slice %arg4[%add3A_378, %dma_start3A_761] : memref<4096x128xf32, #tpu.memory_space<hbm>> -> memref<1x128xf32, #tpu.memory_space<hbm>>
        %dma_start3A_763 = tpu.memref_squeeze %dma_start3A_762 : memref<1x128xf32, #tpu.memory_space<hbm>> -> memref<128xf32, #tpu.memory_space<hbm>>
        tpu.enqueue_dma source(%arg7 : memref<128xf32, #tpu.memory_space<vmem>>) target(%dma_start3A_763 : memref<128xf32, #tpu.memory_space<hbm>>) target_semaphore(%run_scoped3A : memref<!tpu.dma_semaphore, #tpu.memory_space<semaphore_mem>>)
        %dma_wait3A_764 = arith.constant 0 : i32
        %dma_wait3A_765 = tpu.memref_slice %arg4[%add3A_378, %dma_wait3A_764] : memref<4096x128xf32, #tpu.memory_space<hbm>> -> memref<1x128xf32, #tpu.memory_space<hbm>>
        %dma_wait3A_766 = tpu.memref_squeeze %dma_wait3A_765 : memref<1x128xf32, #tpu.memory_space<hbm>> -> memref<128xf32, #tpu.memory_space<hbm>>
        %dma_wait3A_767 = arith.constant 0 : i32
        %dma_wait3A_768 = tpu.memref_slice %arg4[%add3A_378, %dma_wait3A_767] : memref<4096x128xf32, #tpu.memory_space<hbm>> -> memref<1x128xf32, #tpu.memory_space<hbm>>
        %dma_wait3A_769 = tpu.memref_squeeze %dma_wait3A_768 : memref<1x128xf32, #tpu.memory_space<hbm>> -> memref<128xf32, #tpu.memory_space<hbm>>
        tpu.wait_dma2 semaphore(%run_scoped3A : memref<!tpu.dma_semaphore, #tpu.memory_space<semaphore_mem>>) src(%arg7 : memref<128xf32, #tpu.memory_space<vmem>>) dst(%dma_wait3A_769 : memref<128xf32, #tpu.memory_space<hbm>>)
        tpu.yield
      }) : () -> ()
      %add3A_379 = arith.constant 2 : i32
      %add3A_380 = arith.addi %mul3A_171, %add3A_379 : i32
      %add3A_381 = arith.constant 8 : i32
      %add3A_382 = arith.addi %add3A_380, %add3A_381 : i32
      %lt3A_383 = arith.constant 128 : i32
      %lt3A_384 = arith.cmpi slt, %add3A_382, %lt3A_383 : i32
      %convert_element_type3A_385 = arith.extui %lt3A_384 : i1 to i32
      %cond3A_386 = arith.constant 0 : i32
      %cond3A_387 = arith.cmpi ne, %convert_element_type3A_385, %cond3A_386 : i32
      scf.if %cond3A_387 {
        %add3A_758 = arith.constant 2 : i32
        %add3A_759 = arith.addi %mul3A_171, %add3A_758 : i32
        %add3A_760 = arith.constant 8 : i32
        %add3A_761 = arith.addi %add3A_759, %add3A_760 : i32
        %mul3A_762 = arith.constant 200 : i32
        %mul3A_763 = arith.muli %add3A_761, %mul3A_762 : i32
        %mul3A_764 = arith.constant 200 : i32
        %mul3A_765 = arith.muli %add3A_761, %mul3A_764 : i32
        %add3A_766 = arith.constant 128 : i32
        %add3A_767 = arith.addi %mul3A_765, %add3A_766 : i32
        %dma_start3A_768 = arith.constant 2 : i32
        %dma_start3A_769 = arith.constant 0 : i32
        %dma_start3A_770 = arith.constant 0 : i32
        %dma_start3A_771 = tpu.memref_slice %arg6[%dma_start3A_768, %dma_start3A_769, %dma_start3A_770] : memref<8x200x64xf32, #tpu.memory_space<vmem>> -> memref<1x128x64xf32, #tpu.memory_space<vmem>>
        %dma_start3A_772 = tpu.memref_squeeze %dma_start3A_771 : memref<1x128x64xf32, #tpu.memory_space<vmem>> -> memref<128x64xf32, #tpu.memory_space<vmem>>
        %dma_start3A_773 = tpu.memref_slice %arg5[%mul3A_763] : memref<25600xi32, #tpu.memory_space<vmem>> -> memref<128xi32, #tpu.memory_space<vmem>>
        %dma_start3A_774 = arith.constant 0 : i32
        %dma_start3A_775 = arith.constant 0 : i32
        %dma_start3A_776 = tpu.memref_slice %arg2[%dma_start3A_774, %dma_start3A_775] : memref<200000x64xf32, #tpu.memory_space<hbm>> -> memref<200000x64xf32, #tpu.memory_space<hbm>>
        tpu.enqueue_indirect_dma source(%dma_start3A_776 : memref<200000x64xf32, #tpu.memory_space<hbm>>) target(%dma_start3A_772 : memref<128x64xf32, #tpu.memory_space<vmem>>) offsets(%dma_start3A_773 : memref<128xi32, #tpu.memory_space<vmem>>) semaphore(%arg10 : memref<!tpu.dma_semaphore, #tpu.memory_space<semaphore_mem>>)
        %dma_start3A_777 = arith.constant 2 : i32
        %dma_start3A_778 = arith.constant 128 : i32
        %dma_start3A_779 = arith.constant 0 : i32
        %dma_start3A_780 = tpu.memref_slice %arg6[%dma_start3A_777, %dma_start3A_778, %dma_start3A_779] : memref<8x200x64xf32, #tpu.memory_space<vmem>> -> memref<1x72x64xf32, #tpu.memory_space<vmem>>
        %dma_start3A_781 = tpu.memref_squeeze %dma_start3A_780 : memref<1x72x64xf32, #tpu.memory_space<vmem>> -> memref<72x64xf32, #tpu.memory_space<vmem>>
        %dma_start3A_782 = tpu.memref_slice %arg5[%add3A_767] : memref<25600xi32, #tpu.memory_space<vmem>> -> memref<72xi32, #tpu.memory_space<vmem>>
        %dma_start3A_783 = arith.constant 0 : i32
        %dma_start3A_784 = arith.constant 0 : i32
        %dma_start3A_785 = tpu.memref_slice %arg2[%dma_start3A_783, %dma_start3A_784] : memref<200000x64xf32, #tpu.memory_space<hbm>> -> memref<200000x64xf32, #tpu.memory_space<hbm>>
        tpu.enqueue_indirect_dma source(%dma_start3A_785 : memref<200000x64xf32, #tpu.memory_space<hbm>>) target(%dma_start3A_781 : memref<72x64xf32, #tpu.memory_space<vmem>>) offsets(%dma_start3A_782 : memref<72xi32, #tpu.memory_space<vmem>>) semaphore(%arg10 : memref<!tpu.dma_semaphore, #tpu.memory_space<semaphore_mem>>)
      } else {
      }
      %add3A_388 = arith.constant 3 : i32
      %add3A_389 = arith.addi %mul3A_171, %add3A_388 : i32
      %mul3A_390 = arith.constant 200 : i32
      %mul3A_391 = arith.muli %add3A_389, %mul3A_390 : i32
      %mul3A_392 = arith.constant 200 : i32
      %mul3A_393 = arith.muli %add3A_389, %mul3A_392 : i32
      %add3A_394 = arith.constant 128 : i32
      %add3A_395 = arith.addi %mul3A_393, %add3A_394 : i32
      %dma_wait3A_396 = arith.constant 3 : i32
      %dma_wait3A_397 = arith.constant 0 : i32
      %dma_wait3A_398 = arith.constant 0 : i32
      %dma_wait3A_399 = tpu.memref_slice %arg6[%dma_wait3A_396, %dma_wait3A_397, %dma_wait3A_398] : memref<8x200x64xf32, #tpu.memory_space<vmem>> -> memref<1x128x64xf32, #tpu.memory_space<vmem>>
      %dma_wait3A_400 = tpu.memref_squeeze %dma_wait3A_399 : memref<1x128x64xf32, #tpu.memory_space<vmem>> -> memref<128x64xf32, #tpu.memory_space<vmem>>
      %dma_wait3A_401 = tpu.memref_slice %arg5[%mul3A_391] : memref<25600xi32, #tpu.memory_space<vmem>> -> memref<128xi32, #tpu.memory_space<vmem>>
      %dma_wait3A_402 = arith.constant 0 : i32
      %dma_wait3A_403 = arith.constant 0 : i32
      %dma_wait3A_404 = tpu.memref_slice %arg2[%dma_wait3A_402, %dma_wait3A_403] : memref<200000x64xf32, #tpu.memory_space<hbm>> -> memref<200000x64xf32, #tpu.memory_space<hbm>>
      tpu.wait_indirect_dma semaphore(%arg11 : memref<!tpu.dma_semaphore, #tpu.memory_space<semaphore_mem>>) src(%dma_wait3A_404 : memref<200000x64xf32, #tpu.memory_space<hbm>>) dst(%dma_wait3A_400 : memref<128x64xf32, #tpu.memory_space<vmem>>)
      %dma_wait3A_405 = arith.constant 3 : i32
      %dma_wait3A_406 = arith.constant 128 : i32
      %dma_wait3A_407 = arith.constant 0 : i32
      %dma_wait3A_408 = tpu.memref_slice %arg6[%dma_wait3A_405, %dma_wait3A_406, %dma_wait3A_407] : memref<8x200x64xf32, #tpu.memory_space<vmem>> -> memref<1x72x64xf32, #tpu.memory_space<vmem>>
      %dma_wait3A_409 = tpu.memref_squeeze %dma_wait3A_408 : memref<1x72x64xf32, #tpu.memory_space<vmem>> -> memref<72x64xf32, #tpu.memory_space<vmem>>
      %dma_wait3A_410 = tpu.memref_slice %arg5[%add3A_395] : memref<25600xi32, #tpu.memory_space<vmem>> -> memref<72xi32, #tpu.memory_space<vmem>>
      %dma_wait3A_411 = arith.constant 0 : i32
      %dma_wait3A_412 = arith.constant 0 : i32
      %dma_wait3A_413 = tpu.memref_slice %arg2[%dma_wait3A_411, %dma_wait3A_412] : memref<200000x64xf32, #tpu.memory_space<hbm>> -> memref<200000x64xf32, #tpu.memory_space<hbm>>
      tpu.wait_indirect_dma semaphore(%arg11 : memref<!tpu.dma_semaphore, #tpu.memory_space<semaphore_mem>>) src(%dma_wait3A_413 : memref<200000x64xf32, #tpu.memory_space<hbm>>) dst(%dma_wait3A_409 : memref<72x64xf32, #tpu.memory_space<vmem>>)
      %broadcast_in_dim3A_414 = arith.constant 0.000000e+00 : f32
      %broadcast_in_dim3A_415 = vector.broadcast %broadcast_in_dim3A_414 : f32 to vector<16xf32>
      %broadcast_in_dim3A_416 = arith.constant 0.000000e+00 : f32
      %broadcast_in_dim3A_417 = vector.broadcast %broadcast_in_dim3A_416 : f32 to vector<16xf32>
      %broadcast_in_dim3A_418 = arith.constant 0.000000e+00 : f32
      %broadcast_in_dim3A_419 = vector.broadcast %broadcast_in_dim3A_418 : f32 to vector<16xf32>
      %broadcast_in_dim3A_420 = arith.constant 0.000000e+00 : f32
      %broadcast_in_dim3A_421 = vector.broadcast %broadcast_in_dim3A_420 : f32 to vector<16xf32>
      %broadcast_in_dim3A_422 = arith.constant 0.000000e+00 : f32
      %broadcast_in_dim3A_423 = vector.broadcast %broadcast_in_dim3A_422 : f32 to vector<16xf32>
      %broadcast_in_dim3A_424 = arith.constant 0.000000e+00 : f32
      %broadcast_in_dim3A_425 = vector.broadcast %broadcast_in_dim3A_424 : f32 to vector<16xf32>
      %broadcast_in_dim3A_426 = arith.constant 0.000000e+00 : f32
      %broadcast_in_dim3A_427 = vector.broadcast %broadcast_in_dim3A_426 : f32 to vector<16xf32>
      %broadcast_in_dim3A_428 = arith.constant 0.000000e+00 : f32
      %broadcast_in_dim3A_429 = vector.broadcast %broadcast_in_dim3A_428 : f32 to vector<16xf32>
      %scan3A_430 = arith.constant 0 : i32
      %scan3A_431 = arith.constant 200 : i32
      %scan3A_432 = arith.addi %scan3A_430, %scan3A_431 : i32
      %scan3A_433 = arith.constant 2 : i32
      %scan3A_434:8 = scf.for %scan3A_758 = %scan3A_430 to %scan3A_432 step %scan3A_433 iter_args(%scan3A_759 = %broadcast_in_dim3A_415, %scan3A_760 = %broadcast_in_dim3A_417, %scan3A_761 = %broadcast_in_dim3A_419, %scan3A_762 = %broadcast_in_dim3A_421, %scan3A_763 = %broadcast_in_dim3A_423, %scan3A_764 = %broadcast_in_dim3A_425, %scan3A_765 = %broadcast_in_dim3A_427, %scan3A_766 = %broadcast_in_dim3A_429) -> (vector<16xf32>, vector<16xf32>, vector<16xf32>, vector<16xf32>, vector<16xf32>, vector<16xf32>, vector<16xf32>, vector<16xf32>)  : i32 {
        %get3A = arith.constant 3 : i32
        %get3A_767 = arith.index_cast %get3A : i32 to index
        %get3A_768 = arith.index_cast %scan3A_758 : i32 to index
        %get3A_769 = arith.constant 0 : index
        %get3A_770 = tpu.vector_load %arg6[%get3A_767, %get3A_768, %get3A_769] {strides = array<i32>} : memref<8x200x64xf32, #tpu.memory_space<vmem>>, vector<16xf32>,
        %bitcast3A = vector.bitcast %get3A_770 : vector<16xf32> to vector<32xbf16>
        %unpack3A = tpu.unpack_subelements %bitcast3A, 0 {pack_format = #tpu.pack_format<interleaved>} : vector<32xbf16> -> vector<16xf32>
        %unpack3A_771 = tpu.unpack_subelements %bitcast3A, 1 {pack_format = #tpu.pack_format<interleaved>} : vector<32xbf16> -> vector<16xf32>
        %add3A_772 = arith.addf %scan3A_759, %unpack3A : vector<16xf32>
        %add3A_773 = arith.addf %scan3A_763, %unpack3A_771 : vector<16xf32>
        %get3A_774 = arith.constant 3 : i32
        %get3A_775 = arith.index_cast %get3A_774 : i32 to index
        %get3A_776 = arith.index_cast %scan3A_758 : i32 to index
        %get3A_777 = arith.constant 16 : index
        %get3A_778 = tpu.vector_load %arg6[%get3A_775, %get3A_776, %get3A_777] {strides = array<i32>} : memref<8x200x64xf32, #tpu.memory_space<vmem>>, vector<16xf32>,
        %bitcast3A_779 = vector.bitcast %get3A_778 : vector<16xf32> to vector<32xbf16>
        %unpack3A_780 = tpu.unpack_subelements %bitcast3A_779, 0 {pack_format = #tpu.pack_format<interleaved>} : vector<32xbf16> -> vector<16xf32>
        %unpack3A_781 = tpu.unpack_subelements %bitcast3A_779, 1 {pack_format = #tpu.pack_format<interleaved>} : vector<32xbf16> -> vector<16xf32>
        %add3A_782 = arith.addf %scan3A_760, %unpack3A_780 : vector<16xf32>
        %add3A_783 = arith.addf %scan3A_764, %unpack3A_781 : vector<16xf32>
        %get3A_784 = arith.constant 3 : i32
        %get3A_785 = arith.index_cast %get3A_784 : i32 to index
        %get3A_786 = arith.index_cast %scan3A_758 : i32 to index
        %get3A_787 = arith.constant 32 : index
        %get3A_788 = tpu.vector_load %arg6[%get3A_785, %get3A_786, %get3A_787] {strides = array<i32>} : memref<8x200x64xf32, #tpu.memory_space<vmem>>, vector<16xf32>,
        %bitcast3A_789 = vector.bitcast %get3A_788 : vector<16xf32> to vector<32xbf16>
        %unpack3A_790 = tpu.unpack_subelements %bitcast3A_789, 0 {pack_format = #tpu.pack_format<interleaved>} : vector<32xbf16> -> vector<16xf32>
        %unpack3A_791 = tpu.unpack_subelements %bitcast3A_789, 1 {pack_format = #tpu.pack_format<interleaved>} : vector<32xbf16> -> vector<16xf32>
        %add3A_792 = arith.addf %scan3A_761, %unpack3A_790 : vector<16xf32>
        %add3A_793 = arith.addf %scan3A_765, %unpack3A_791 : vector<16xf32>
        %get3A_794 = arith.constant 3 : i32
        %get3A_795 = arith.index_cast %get3A_794 : i32 to index
        %get3A_796 = arith.index_cast %scan3A_758 : i32 to index
        %get3A_797 = arith.constant 48 : index
        %get3A_798 = tpu.vector_load %arg6[%get3A_795, %get3A_796, %get3A_797] {strides = array<i32>} : memref<8x200x64xf32, #tpu.memory_space<vmem>>, vector<16xf32>,
        %bitcast3A_799 = vector.bitcast %get3A_798 : vector<16xf32> to vector<32xbf16>
        %unpack3A_800 = tpu.unpack_subelements %bitcast3A_799, 0 {pack_format = #tpu.pack_format<interleaved>} : vector<32xbf16> -> vector<16xf32>
        %unpack3A_801 = tpu.unpack_subelements %bitcast3A_799, 1 {pack_format = #tpu.pack_format<interleaved>} : vector<32xbf16> -> vector<16xf32>
        %add3A_802 = arith.addf %scan3A_762, %unpack3A_800 : vector<16xf32>
        %add3A_803 = arith.addf %scan3A_766, %unpack3A_801 : vector<16xf32>
        %scan3A_804 = arith.constant 1 : i32
        %scan3A_805 = arith.addi %scan3A_758, %scan3A_804 : i32
        %get3A_806 = arith.constant 3 : i32
        %get3A_807 = arith.index_cast %get3A_806 : i32 to index
        %get3A_808 = arith.index_cast %scan3A_805 : i32 to index
        %get3A_809 = arith.constant 0 : index
        %get3A_810 = tpu.vector_load %arg6[%get3A_807, %get3A_808, %get3A_809] {strides = array<i32>} : memref<8x200x64xf32, #tpu.memory_space<vmem>>, vector<16xf32>,
        %bitcast3A_811 = vector.bitcast %get3A_810 : vector<16xf32> to vector<32xbf16>
        %unpack3A_812 = tpu.unpack_subelements %bitcast3A_811, 0 {pack_format = #tpu.pack_format<interleaved>} : vector<32xbf16> -> vector<16xf32>
        %unpack3A_813 = tpu.unpack_subelements %bitcast3A_811, 1 {pack_format = #tpu.pack_format<interleaved>} : vector<32xbf16> -> vector<16xf32>
        %add3A_814 = arith.addf %add3A_772, %unpack3A_812 : vector<16xf32>
        %add3A_815 = arith.addf %add3A_773, %unpack3A_813 : vector<16xf32>
        %get3A_816 = arith.constant 3 : i32
        %get3A_817 = arith.index_cast %get3A_816 : i32 to index
        %get3A_818 = arith.index_cast %scan3A_805 : i32 to index
        %get3A_819 = arith.constant 16 : index
        %get3A_820 = tpu.vector_load %arg6[%get3A_817, %get3A_818, %get3A_819] {strides = array<i32>} : memref<8x200x64xf32, #tpu.memory_space<vmem>>, vector<16xf32>,
        %bitcast3A_821 = vector.bitcast %get3A_820 : vector<16xf32> to vector<32xbf16>
        %unpack3A_822 = tpu.unpack_subelements %bitcast3A_821, 0 {pack_format = #tpu.pack_format<interleaved>} : vector<32xbf16> -> vector<16xf32>
        %unpack3A_823 = tpu.unpack_subelements %bitcast3A_821, 1 {pack_format = #tpu.pack_format<interleaved>} : vector<32xbf16> -> vector<16xf32>
        %add3A_824 = arith.addf %add3A_782, %unpack3A_822 : vector<16xf32>
        %add3A_825 = arith.addf %add3A_783, %unpack3A_823 : vector<16xf32>
        %get3A_826 = arith.constant 3 : i32
        %get3A_827 = arith.index_cast %get3A_826 : i32 to index
        %get3A_828 = arith.index_cast %scan3A_805 : i32 to index
        %get3A_829 = arith.constant 32 : index
        %get3A_830 = tpu.vector_load %arg6[%get3A_827, %get3A_828, %get3A_829] {strides = array<i32>} : memref<8x200x64xf32, #tpu.memory_space<vmem>>, vector<16xf32>,
        %bitcast3A_831 = vector.bitcast %get3A_830 : vector<16xf32> to vector<32xbf16>
        %unpack3A_832 = tpu.unpack_subelements %bitcast3A_831, 0 {pack_format = #tpu.pack_format<interleaved>} : vector<32xbf16> -> vector<16xf32>
        %unpack3A_833 = tpu.unpack_subelements %bitcast3A_831, 1 {pack_format = #tpu.pack_format<interleaved>} : vector<32xbf16> -> vector<16xf32>
        %add3A_834 = arith.addf %add3A_792, %unpack3A_832 : vector<16xf32>
        %add3A_835 = arith.addf %add3A_793, %unpack3A_833 : vector<16xf32>
        %get3A_836 = arith.constant 3 : i32
        %get3A_837 = arith.index_cast %get3A_836 : i32 to index
        %get3A_838 = arith.index_cast %scan3A_805 : i32 to index
        %get3A_839 = arith.constant 48 : index
        %get3A_840 = tpu.vector_load %arg6[%get3A_837, %get3A_838, %get3A_839] {strides = array<i32>} : memref<8x200x64xf32, #tpu.memory_space<vmem>>, vector<16xf32>,
        %bitcast3A_841 = vector.bitcast %get3A_840 : vector<16xf32> to vector<32xbf16>
        %unpack3A_842 = tpu.unpack_subelements %bitcast3A_841, 0 {pack_format = #tpu.pack_format<interleaved>} : vector<32xbf16> -> vector<16xf32>
        %unpack3A_843 = tpu.unpack_subelements %bitcast3A_841, 1 {pack_format = #tpu.pack_format<interleaved>} : vector<32xbf16> -> vector<16xf32>
        %add3A_844 = arith.addf %add3A_802, %unpack3A_842 : vector<16xf32>
        %add3A_845 = arith.addf %add3A_803, %unpack3A_843 : vector<16xf32>
        scf.yield %add3A_814, %add3A_824, %add3A_834, %add3A_844, %add3A_815, %add3A_825, %add3A_835, %add3A_845 : vector<16xf32>, vector<16xf32>, vector<16xf32>, vector<16xf32>, vector<16xf32>, vector<16xf32>, vector<16xf32>, vector<16xf32>
      }
      %scan3A_435 = arith.constant 200 : i32
      %swap3A_436 = arith.constant 0 : index
      %swap3A_437 = tpu.vector_load %arg7[%swap3A_436] {strides = array<i32>} : memref<128xf32, #tpu.memory_space<vmem>>, vector<16xf32>,
      tpu.vector_store %arg7[%swap3A_436], %scan3A_434#0 {strides = array<i32>} : memref<128xf32, #tpu.memory_space<vmem>>, vector<16xf32>,
      %swap3A_438 = arith.constant 16 : index
      %swap3A_439 = tpu.vector_load %arg7[%swap3A_438] {strides = array<i32>} : memref<128xf32, #tpu.memory_space<vmem>>, vector<16xf32>,
      tpu.vector_store %arg7[%swap3A_438], %scan3A_434#1 {strides = array<i32>} : memref<128xf32, #tpu.memory_space<vmem>>, vector<16xf32>,
      %swap3A_440 = arith.constant 32 : index
      %swap3A_441 = tpu.vector_load %arg7[%swap3A_440] {strides = array<i32>} : memref<128xf32, #tpu.memory_space<vmem>>, vector<16xf32>,
      tpu.vector_store %arg7[%swap3A_440], %scan3A_434#2 {strides = array<i32>} : memref<128xf32, #tpu.memory_space<vmem>>, vector<16xf32>,
      %swap3A_442 = arith.constant 48 : index
      %swap3A_443 = tpu.vector_load %arg7[%swap3A_442] {strides = array<i32>} : memref<128xf32, #tpu.memory_space<vmem>>, vector<16xf32>,
      tpu.vector_store %arg7[%swap3A_442], %scan3A_434#3 {strides = array<i32>} : memref<128xf32, #tpu.memory_space<vmem>>, vector<16xf32>,
      %swap3A_444 = arith.constant 64 : index
      %swap3A_445 = tpu.vector_load %arg7[%swap3A_444] {strides = array<i32>} : memref<128xf32, #tpu.memory_space<vmem>>, vector<16xf32>,
      tpu.vector_store %arg7[%swap3A_444], %scan3A_434#4 {strides = array<i32>} : memref<128xf32, #tpu.memory_space<vmem>>, vector<16xf32>,
      %swap3A_446 = arith.constant 80 : index
      %swap3A_447 = tpu.vector_load %arg7[%swap3A_446] {strides = array<i32>} : memref<128xf32, #tpu.memory_space<vmem>>, vector<16xf32>,
      tpu.vector_store %arg7[%swap3A_446], %scan3A_434#5 {strides = array<i32>} : memref<128xf32, #tpu.memory_space<vmem>>, vector<16xf32>,
      %swap3A_448 = arith.constant 96 : index
      %swap3A_449 = tpu.vector_load %arg7[%swap3A_448] {strides = array<i32>} : memref<128xf32, #tpu.memory_space<vmem>>, vector<16xf32>,
      tpu.vector_store %arg7[%swap3A_448], %scan3A_434#6 {strides = array<i32>} : memref<128xf32, #tpu.memory_space<vmem>>, vector<16xf32>,
      %swap3A_450 = arith.constant 112 : index
      %swap3A_451 = tpu.vector_load %arg7[%swap3A_450] {strides = array<i32>} : memref<128xf32, #tpu.memory_space<vmem>>, vector<16xf32>,
      tpu.vector_store %arg7[%swap3A_450], %scan3A_434#7 {strides = array<i32>} : memref<128xf32, #tpu.memory_space<vmem>>, vector<16xf32>,
      %add3A_452 = arith.addi %mul3A_2, %add3A_389 : i32
      "tpu.region"() ({
        %run_scoped3A = tpu.sem_alloc : memref<!tpu.dma_semaphore, #tpu.memory_space<semaphore_mem>>
        %dma_start3A_758 = arith.constant 0 : i32
        %dma_start3A_759 = tpu.memref_slice %arg4[%add3A_452, %dma_start3A_758] : memref<4096x128xf32, #tpu.memory_space<hbm>> -> memref<1x128xf32, #tpu.memory_space<hbm>>
        %dma_start3A_760 = tpu.memref_squeeze %dma_start3A_759 : memref<1x128xf32, #tpu.memory_space<hbm>> -> memref<128xf32, #tpu.memory_space<hbm>>
        %dma_start3A_761 = arith.constant 0 : i32
        %dma_start3A_762 = tpu.memref_slice %arg4[%add3A_452, %dma_start3A_761] : memref<4096x128xf32, #tpu.memory_space<hbm>> -> memref<1x128xf32, #tpu.memory_space<hbm>>
        %dma_start3A_763 = tpu.memref_squeeze %dma_start3A_762 : memref<1x128xf32, #tpu.memory_space<hbm>> -> memref<128xf32, #tpu.memory_space<hbm>>
        tpu.enqueue_dma source(%arg7 : memref<128xf32, #tpu.memory_space<vmem>>) target(%dma_start3A_763 : memref<128xf32, #tpu.memory_space<hbm>>) target_semaphore(%run_scoped3A : memref<!tpu.dma_semaphore, #tpu.memory_space<semaphore_mem>>)
        %dma_wait3A_764 = arith.constant 0 : i32
        %dma_wait3A_765 = tpu.memref_slice %arg4[%add3A_452, %dma_wait3A_764] : memref<4096x128xf32, #tpu.memory_space<hbm>> -> memref<1x128xf32, #tpu.memory_space<hbm>>
        %dma_wait3A_766 = tpu.memref_squeeze %dma_wait3A_765 : memref<1x128xf32, #tpu.memory_space<hbm>> -> memref<128xf32, #tpu.memory_space<hbm>>
        %dma_wait3A_767 = arith.constant 0 : i32
        %dma_wait3A_768 = tpu.memref_slice %arg4[%add3A_452, %dma_wait3A_767] : memref<4096x128xf32, #tpu.memory_space<hbm>> -> memref<1x128xf32, #tpu.memory_space<hbm>>
        %dma_wait3A_769 = tpu.memref_squeeze %dma_wait3A_768 : memref<1x128xf32, #tpu.memory_space<hbm>> -> memref<128xf32, #tpu.memory_space<hbm>>
        tpu.wait_dma2 semaphore(%run_scoped3A : memref<!tpu.dma_semaphore, #tpu.memory_space<semaphore_mem>>) src(%arg7 : memref<128xf32, #tpu.memory_space<vmem>>) dst(%dma_wait3A_769 : memref<128xf32, #tpu.memory_space<hbm>>)
        tpu.yield
      }) : () -> ()
      %add3A_453 = arith.constant 3 : i32
      %add3A_454 = arith.addi %mul3A_171, %add3A_453 : i32
      %add3A_455 = arith.constant 8 : i32
      %add3A_456 = arith.addi %add3A_454, %add3A_455 : i32
      %lt3A_457 = arith.constant 128 : i32
      %lt3A_458 = arith.cmpi slt, %add3A_456, %lt3A_457 : i32
      %convert_element_type3A_459 = arith.extui %lt3A_458 : i1 to i32
      %cond3A_460 = arith.constant 0 : i32
      %cond3A_461 = arith.cmpi ne, %convert_element_type3A_459, %cond3A_460 : i32
      scf.if %cond3A_461 {
        %add3A_758 = arith.constant 3 : i32
        %add3A_759 = arith.addi %mul3A_171, %add3A_758 : i32
        %add3A_760 = arith.constant 8 : i32
        %add3A_761 = arith.addi %add3A_759, %add3A_760 : i32
        %mul3A_762 = arith.constant 200 : i32
        %mul3A_763 = arith.muli %add3A_761, %mul3A_762 : i32
        %mul3A_764 = arith.constant 200 : i32
        %mul3A_765 = arith.muli %add3A_761, %mul3A_764 : i32
        %add3A_766 = arith.constant 128 : i32
        %add3A_767 = arith.addi %mul3A_765, %add3A_766 : i32
        %dma_start3A_768 = arith.constant 3 : i32
        %dma_start3A_769 = arith.constant 0 : i32
        %dma_start3A_770 = arith.constant 0 : i32
        %dma_start3A_771 = tpu.memref_slice %arg6[%dma_start3A_768, %dma_start3A_769, %dma_start3A_770] : memref<8x200x64xf32, #tpu.memory_space<vmem>> -> memref<1x128x64xf32, #tpu.memory_space<vmem>>
        %dma_start3A_772 = tpu.memref_squeeze %dma_start3A_771 : memref<1x128x64xf32, #tpu.memory_space<vmem>> -> memref<128x64xf32, #tpu.memory_space<vmem>>
        %dma_start3A_773 = tpu.memref_slice %arg5[%mul3A_763] : memref<25600xi32, #tpu.memory_space<vmem>> -> memref<128xi32, #tpu.memory_space<vmem>>
        %dma_start3A_774 = arith.constant 0 : i32
        %dma_start3A_775 = arith.constant 0 : i32
        %dma_start3A_776 = tpu.memref_slice %arg2[%dma_start3A_774, %dma_start3A_775] : memref<200000x64xf32, #tpu.memory_space<hbm>> -> memref<200000x64xf32, #tpu.memory_space<hbm>>
        tpu.enqueue_indirect_dma source(%dma_start3A_776 : memref<200000x64xf32, #tpu.memory_space<hbm>>) target(%dma_start3A_772 : memref<128x64xf32, #tpu.memory_space<vmem>>) offsets(%dma_start3A_773 : memref<128xi32, #tpu.memory_space<vmem>>) semaphore(%arg11 : memref<!tpu.dma_semaphore, #tpu.memory_space<semaphore_mem>>)
        %dma_start3A_777 = arith.constant 3 : i32
        %dma_start3A_778 = arith.constant 128 : i32
        %dma_start3A_779 = arith.constant 0 : i32
        %dma_start3A_780 = tpu.memref_slice %arg6[%dma_start3A_777, %dma_start3A_778, %dma_start3A_779] : memref<8x200x64xf32, #tpu.memory_space<vmem>> -> memref<1x72x64xf32, #tpu.memory_space<vmem>>
        %dma_start3A_781 = tpu.memref_squeeze %dma_start3A_780 : memref<1x72x64xf32, #tpu.memory_space<vmem>> -> memref<72x64xf32, #tpu.memory_space<vmem>>
        %dma_start3A_782 = tpu.memref_slice %arg5[%add3A_767] : memref<25600xi32, #tpu.memory_space<vmem>> -> memref<72xi32, #tpu.memory_space<vmem>>
        %dma_start3A_783 = arith.constant 0 : i32
        %dma_start3A_784 = arith.constant 0 : i32
        %dma_start3A_785 = tpu.memref_slice %arg2[%dma_start3A_783, %dma_start3A_784] : memref<200000x64xf32, #tpu.memory_space<hbm>> -> memref<200000x64xf32, #tpu.memory_space<hbm>>
        tpu.enqueue_indirect_dma source(%dma_start3A_785 : memref<200000x64xf32, #tpu.memory_space<hbm>>) target(%dma_start3A_781 : memref<72x64xf32, #tpu.memory_space<vmem>>) offsets(%dma_start3A_782 : memref<72xi32, #tpu.memory_space<vmem>>) semaphore(%arg11 : memref<!tpu.dma_semaphore, #tpu.memory_space<semaphore_mem>>)
      } else {
      }
      %add3A_462 = arith.constant 4 : i32
      %add3A_463 = arith.addi %mul3A_171, %add3A_462 : i32
      %mul3A_464 = arith.constant 200 : i32
      %mul3A_465 = arith.muli %add3A_463, %mul3A_464 : i32
      %mul3A_466 = arith.constant 200 : i32
      %mul3A_467 = arith.muli %add3A_463, %mul3A_466 : i32
      %add3A_468 = arith.constant 128 : i32
      %add3A_469 = arith.addi %mul3A_467, %add3A_468 : i32
      %dma_wait3A_470 = arith.constant 4 : i32
      %dma_wait3A_471 = arith.constant 0 : i32
      %dma_wait3A_472 = arith.constant 0 : i32
      %dma_wait3A_473 = tpu.memref_slice %arg6[%dma_wait3A_470, %dma_wait3A_471, %dma_wait3A_472] : memref<8x200x64xf32, #tpu.memory_space<vmem>> -> memref<1x128x64xf32, #tpu.memory_space<vmem>>
      %dma_wait3A_474 = tpu.memref_squeeze %dma_wait3A_473 : memref<1x128x64xf32, #tpu.memory_space<vmem>> -> memref<128x64xf32, #tpu.memory_space<vmem>>
      %dma_wait3A_475 = tpu.memref_slice %arg5[%mul3A_465] : memref<25600xi32, #tpu.memory_space<vmem>> -> memref<128xi32, #tpu.memory_space<vmem>>
      %dma_wait3A_476 = arith.constant 0 : i32
      %dma_wait3A_477 = arith.constant 0 : i32
      %dma_wait3A_478 = tpu.memref_slice %arg2[%dma_wait3A_476, %dma_wait3A_477] : memref<200000x64xf32, #tpu.memory_space<hbm>> -> memref<200000x64xf32, #tpu.memory_space<hbm>>
      tpu.wait_indirect_dma semaphore(%arg12 : memref<!tpu.dma_semaphore, #tpu.memory_space<semaphore_mem>>) src(%dma_wait3A_478 : memref<200000x64xf32, #tpu.memory_space<hbm>>) dst(%dma_wait3A_474 : memref<128x64xf32, #tpu.memory_space<vmem>>)
      %dma_wait3A_479 = arith.constant 4 : i32
      %dma_wait3A_480 = arith.constant 128 : i32
      %dma_wait3A_481 = arith.constant 0 : i32
      %dma_wait3A_482 = tpu.memref_slice %arg6[%dma_wait3A_479, %dma_wait3A_480, %dma_wait3A_481] : memref<8x200x64xf32, #tpu.memory_space<vmem>> -> memref<1x72x64xf32, #tpu.memory_space<vmem>>
      %dma_wait3A_483 = tpu.memref_squeeze %dma_wait3A_482 : memref<1x72x64xf32, #tpu.memory_space<vmem>> -> memref<72x64xf32, #tpu.memory_space<vmem>>
      %dma_wait3A_484 = tpu.memref_slice %arg5[%add3A_469] : memref<25600xi32, #tpu.memory_space<vmem>> -> memref<72xi32, #tpu.memory_space<vmem>>
      %dma_wait3A_485 = arith.constant 0 : i32
      %dma_wait3A_486 = arith.constant 0 : i32
      %dma_wait3A_487 = tpu.memref_slice %arg2[%dma_wait3A_485, %dma_wait3A_486] : memref<200000x64xf32, #tpu.memory_space<hbm>> -> memref<200000x64xf32, #tpu.memory_space<hbm>>
      tpu.wait_indirect_dma semaphore(%arg12 : memref<!tpu.dma_semaphore, #tpu.memory_space<semaphore_mem>>) src(%dma_wait3A_487 : memref<200000x64xf32, #tpu.memory_space<hbm>>) dst(%dma_wait3A_483 : memref<72x64xf32, #tpu.memory_space<vmem>>)
      %broadcast_in_dim3A_488 = arith.constant 0.000000e+00 : f32
      %broadcast_in_dim3A_489 = vector.broadcast %broadcast_in_dim3A_488 : f32 to vector<16xf32>
      %broadcast_in_dim3A_490 = arith.constant 0.000000e+00 : f32
      %broadcast_in_dim3A_491 = vector.broadcast %broadcast_in_dim3A_490 : f32 to vector<16xf32>
      %broadcast_in_dim3A_492 = arith.constant 0.000000e+00 : f32
      %broadcast_in_dim3A_493 = vector.broadcast %broadcast_in_dim3A_492 : f32 to vector<16xf32>
      %broadcast_in_dim3A_494 = arith.constant 0.000000e+00 : f32
      %broadcast_in_dim3A_495 = vector.broadcast %broadcast_in_dim3A_494 : f32 to vector<16xf32>
      %broadcast_in_dim3A_496 = arith.constant 0.000000e+00 : f32
      %broadcast_in_dim3A_497 = vector.broadcast %broadcast_in_dim3A_496 : f32 to vector<16xf32>
      %broadcast_in_dim3A_498 = arith.constant 0.000000e+00 : f32
      %broadcast_in_dim3A_499 = vector.broadcast %broadcast_in_dim3A_498 : f32 to vector<16xf32>
      %broadcast_in_dim3A_500 = arith.constant 0.000000e+00 : f32
      %broadcast_in_dim3A_501 = vector.broadcast %broadcast_in_dim3A_500 : f32 to vector<16xf32>
      %broadcast_in_dim3A_502 = arith.constant 0.000000e+00 : f32
      %broadcast_in_dim3A_503 = vector.broadcast %broadcast_in_dim3A_502 : f32 to vector<16xf32>
      %scan3A_504 = arith.constant 0 : i32
      %scan3A_505 = arith.constant 200 : i32
      %scan3A_506 = arith.addi %scan3A_504, %scan3A_505 : i32
      %scan3A_507 = arith.constant 2 : i32
      %scan3A_508:8 = scf.for %scan3A_758 = %scan3A_504 to %scan3A_506 step %scan3A_507 iter_args(%scan3A_759 = %broadcast_in_dim3A_489, %scan3A_760 = %broadcast_in_dim3A_491, %scan3A_761 = %broadcast_in_dim3A_493, %scan3A_762 = %broadcast_in_dim3A_495, %scan3A_763 = %broadcast_in_dim3A_497, %scan3A_764 = %broadcast_in_dim3A_499, %scan3A_765 = %broadcast_in_dim3A_501, %scan3A_766 = %broadcast_in_dim3A_503) -> (vector<16xf32>, vector<16xf32>, vector<16xf32>, vector<16xf32>, vector<16xf32>, vector<16xf32>, vector<16xf32>, vector<16xf32>)  : i32 {
        %get3A = arith.constant 4 : i32
        %get3A_767 = arith.index_cast %get3A : i32 to index
        %get3A_768 = arith.index_cast %scan3A_758 : i32 to index
        %get3A_769 = arith.constant 0 : index
        %get3A_770 = tpu.vector_load %arg6[%get3A_767, %get3A_768, %get3A_769] {strides = array<i32>} : memref<8x200x64xf32, #tpu.memory_space<vmem>>, vector<16xf32>,
        %bitcast3A = vector.bitcast %get3A_770 : vector<16xf32> to vector<32xbf16>
        %unpack3A = tpu.unpack_subelements %bitcast3A, 0 {pack_format = #tpu.pack_format<interleaved>} : vector<32xbf16> -> vector<16xf32>
        %unpack3A_771 = tpu.unpack_subelements %bitcast3A, 1 {pack_format = #tpu.pack_format<interleaved>} : vector<32xbf16> -> vector<16xf32>
        %add3A_772 = arith.addf %scan3A_759, %unpack3A : vector<16xf32>
        %add3A_773 = arith.addf %scan3A_763, %unpack3A_771 : vector<16xf32>
        %get3A_774 = arith.constant 4 : i32
        %get3A_775 = arith.index_cast %get3A_774 : i32 to index
        %get3A_776 = arith.index_cast %scan3A_758 : i32 to index
        %get3A_777 = arith.constant 16 : index
        %get3A_778 = tpu.vector_load %arg6[%get3A_775, %get3A_776, %get3A_777] {strides = array<i32>} : memref<8x200x64xf32, #tpu.memory_space<vmem>>, vector<16xf32>,
        %bitcast3A_779 = vector.bitcast %get3A_778 : vector<16xf32> to vector<32xbf16>
        %unpack3A_780 = tpu.unpack_subelements %bitcast3A_779, 0 {pack_format = #tpu.pack_format<interleaved>} : vector<32xbf16> -> vector<16xf32>
        %unpack3A_781 = tpu.unpack_subelements %bitcast3A_779, 1 {pack_format = #tpu.pack_format<interleaved>} : vector<32xbf16> -> vector<16xf32>
        %add3A_782 = arith.addf %scan3A_760, %unpack3A_780 : vector<16xf32>
        %add3A_783 = arith.addf %scan3A_764, %unpack3A_781 : vector<16xf32>
        %get3A_784 = arith.constant 4 : i32
        %get3A_785 = arith.index_cast %get3A_784 : i32 to index
        %get3A_786 = arith.index_cast %scan3A_758 : i32 to index
        %get3A_787 = arith.constant 32 : index
        %get3A_788 = tpu.vector_load %arg6[%get3A_785, %get3A_786, %get3A_787] {strides = array<i32>} : memref<8x200x64xf32, #tpu.memory_space<vmem>>, vector<16xf32>,
        %bitcast3A_789 = vector.bitcast %get3A_788 : vector<16xf32> to vector<32xbf16>
        %unpack3A_790 = tpu.unpack_subelements %bitcast3A_789, 0 {pack_format = #tpu.pack_format<interleaved>} : vector<32xbf16> -> vector<16xf32>
        %unpack3A_791 = tpu.unpack_subelements %bitcast3A_789, 1 {pack_format = #tpu.pack_format<interleaved>} : vector<32xbf16> -> vector<16xf32>
        %add3A_792 = arith.addf %scan3A_761, %unpack3A_790 : vector<16xf32>
        %add3A_793 = arith.addf %scan3A_765, %unpack3A_791 : vector<16xf32>
        %get3A_794 = arith.constant 4 : i32
        %get3A_795 = arith.index_cast %get3A_794 : i32 to index
        %get3A_796 = arith.index_cast %scan3A_758 : i32 to index
        %get3A_797 = arith.constant 48 : index
        %get3A_798 = tpu.vector_load %arg6[%get3A_795, %get3A_796, %get3A_797] {strides = array<i32>} : memref<8x200x64xf32, #tpu.memory_space<vmem>>, vector<16xf32>,
        %bitcast3A_799 = vector.bitcast %get3A_798 : vector<16xf32> to vector<32xbf16>
        %unpack3A_800 = tpu.unpack_subelements %bitcast3A_799, 0 {pack_format = #tpu.pack_format<interleaved>} : vector<32xbf16> -> vector<16xf32>
        %unpack3A_801 = tpu.unpack_subelements %bitcast3A_799, 1 {pack_format = #tpu.pack_format<interleaved>} : vector<32xbf16> -> vector<16xf32>
        %add3A_802 = arith.addf %scan3A_762, %unpack3A_800 : vector<16xf32>
        %add3A_803 = arith.addf %scan3A_766, %unpack3A_801 : vector<16xf32>
        %scan3A_804 = arith.constant 1 : i32
        %scan3A_805 = arith.addi %scan3A_758, %scan3A_804 : i32
        %get3A_806 = arith.constant 4 : i32
        %get3A_807 = arith.index_cast %get3A_806 : i32 to index
        %get3A_808 = arith.index_cast %scan3A_805 : i32 to index
        %get3A_809 = arith.constant 0 : index
        %get3A_810 = tpu.vector_load %arg6[%get3A_807, %get3A_808, %get3A_809] {strides = array<i32>} : memref<8x200x64xf32, #tpu.memory_space<vmem>>, vector<16xf32>,
        %bitcast3A_811 = vector.bitcast %get3A_810 : vector<16xf32> to vector<32xbf16>
        %unpack3A_812 = tpu.unpack_subelements %bitcast3A_811, 0 {pack_format = #tpu.pack_format<interleaved>} : vector<32xbf16> -> vector<16xf32>
        %unpack3A_813 = tpu.unpack_subelements %bitcast3A_811, 1 {pack_format = #tpu.pack_format<interleaved>} : vector<32xbf16> -> vector<16xf32>
        %add3A_814 = arith.addf %add3A_772, %unpack3A_812 : vector<16xf32>
        %add3A_815 = arith.addf %add3A_773, %unpack3A_813 : vector<16xf32>
        %get3A_816 = arith.constant 4 : i32
        %get3A_817 = arith.index_cast %get3A_816 : i32 to index
        %get3A_818 = arith.index_cast %scan3A_805 : i32 to index
        %get3A_819 = arith.constant 16 : index
        %get3A_820 = tpu.vector_load %arg6[%get3A_817, %get3A_818, %get3A_819] {strides = array<i32>} : memref<8x200x64xf32, #tpu.memory_space<vmem>>, vector<16xf32>,
        %bitcast3A_821 = vector.bitcast %get3A_820 : vector<16xf32> to vector<32xbf16>
        %unpack3A_822 = tpu.unpack_subelements %bitcast3A_821, 0 {pack_format = #tpu.pack_format<interleaved>} : vector<32xbf16> -> vector<16xf32>
        %unpack3A_823 = tpu.unpack_subelements %bitcast3A_821, 1 {pack_format = #tpu.pack_format<interleaved>} : vector<32xbf16> -> vector<16xf32>
        %add3A_824 = arith.addf %add3A_782, %unpack3A_822 : vector<16xf32>
        %add3A_825 = arith.addf %add3A_783, %unpack3A_823 : vector<16xf32>
        %get3A_826 = arith.constant 4 : i32
        %get3A_827 = arith.index_cast %get3A_826 : i32 to index
        %get3A_828 = arith.index_cast %scan3A_805 : i32 to index
        %get3A_829 = arith.constant 32 : index
        %get3A_830 = tpu.vector_load %arg6[%get3A_827, %get3A_828, %get3A_829] {strides = array<i32>} : memref<8x200x64xf32, #tpu.memory_space<vmem>>, vector<16xf32>,
        %bitcast3A_831 = vector.bitcast %get3A_830 : vector<16xf32> to vector<32xbf16>
        %unpack3A_832 = tpu.unpack_subelements %bitcast3A_831, 0 {pack_format = #tpu.pack_format<interleaved>} : vector<32xbf16> -> vector<16xf32>
        %unpack3A_833 = tpu.unpack_subelements %bitcast3A_831, 1 {pack_format = #tpu.pack_format<interleaved>} : vector<32xbf16> -> vector<16xf32>
        %add3A_834 = arith.addf %add3A_792, %unpack3A_832 : vector<16xf32>
        %add3A_835 = arith.addf %add3A_793, %unpack3A_833 : vector<16xf32>
        %get3A_836 = arith.constant 4 : i32
        %get3A_837 = arith.index_cast %get3A_836 : i32 to index
        %get3A_838 = arith.index_cast %scan3A_805 : i32 to index
        %get3A_839 = arith.constant 48 : index
        %get3A_840 = tpu.vector_load %arg6[%get3A_837, %get3A_838, %get3A_839] {strides = array<i32>} : memref<8x200x64xf32, #tpu.memory_space<vmem>>, vector<16xf32>,
        %bitcast3A_841 = vector.bitcast %get3A_840 : vector<16xf32> to vector<32xbf16>
        %unpack3A_842 = tpu.unpack_subelements %bitcast3A_841, 0 {pack_format = #tpu.pack_format<interleaved>} : vector<32xbf16> -> vector<16xf32>
        %unpack3A_843 = tpu.unpack_subelements %bitcast3A_841, 1 {pack_format = #tpu.pack_format<interleaved>} : vector<32xbf16> -> vector<16xf32>
        %add3A_844 = arith.addf %add3A_802, %unpack3A_842 : vector<16xf32>
        %add3A_845 = arith.addf %add3A_803, %unpack3A_843 : vector<16xf32>
        scf.yield %add3A_814, %add3A_824, %add3A_834, %add3A_844, %add3A_815, %add3A_825, %add3A_835, %add3A_845 : vector<16xf32>, vector<16xf32>, vector<16xf32>, vector<16xf32>, vector<16xf32>, vector<16xf32>, vector<16xf32>, vector<16xf32>
      }
      %scan3A_509 = arith.constant 200 : i32
      %swap3A_510 = arith.constant 0 : index
      %swap3A_511 = tpu.vector_load %arg7[%swap3A_510] {strides = array<i32>} : memref<128xf32, #tpu.memory_space<vmem>>, vector<16xf32>,
      tpu.vector_store %arg7[%swap3A_510], %scan3A_508#0 {strides = array<i32>} : memref<128xf32, #tpu.memory_space<vmem>>, vector<16xf32>,
      %swap3A_512 = arith.constant 16 : index
      %swap3A_513 = tpu.vector_load %arg7[%swap3A_512] {strides = array<i32>} : memref<128xf32, #tpu.memory_space<vmem>>, vector<16xf32>,
      tpu.vector_store %arg7[%swap3A_512], %scan3A_508#1 {strides = array<i32>} : memref<128xf32, #tpu.memory_space<vmem>>, vector<16xf32>,
      %swap3A_514 = arith.constant 32 : index
      %swap3A_515 = tpu.vector_load %arg7[%swap3A_514] {strides = array<i32>} : memref<128xf32, #tpu.memory_space<vmem>>, vector<16xf32>,
      tpu.vector_store %arg7[%swap3A_514], %scan3A_508#2 {strides = array<i32>} : memref<128xf32, #tpu.memory_space<vmem>>, vector<16xf32>,
      %swap3A_516 = arith.constant 48 : index
      %swap3A_517 = tpu.vector_load %arg7[%swap3A_516] {strides = array<i32>} : memref<128xf32, #tpu.memory_space<vmem>>, vector<16xf32>,
      tpu.vector_store %arg7[%swap3A_516], %scan3A_508#3 {strides = array<i32>} : memref<128xf32, #tpu.memory_space<vmem>>, vector<16xf32>,
      %swap3A_518 = arith.constant 64 : index
      %swap3A_519 = tpu.vector_load %arg7[%swap3A_518] {strides = array<i32>} : memref<128xf32, #tpu.memory_space<vmem>>, vector<16xf32>,
      tpu.vector_store %arg7[%swap3A_518], %scan3A_508#4 {strides = array<i32>} : memref<128xf32, #tpu.memory_space<vmem>>, vector<16xf32>,
      %swap3A_520 = arith.constant 80 : index
      %swap3A_521 = tpu.vector_load %arg7[%swap3A_520] {strides = array<i32>} : memref<128xf32, #tpu.memory_space<vmem>>, vector<16xf32>,
      tpu.vector_store %arg7[%swap3A_520], %scan3A_508#5 {strides = array<i32>} : memref<128xf32, #tpu.memory_space<vmem>>, vector<16xf32>,
      %swap3A_522 = arith.constant 96 : index
      %swap3A_523 = tpu.vector_load %arg7[%swap3A_522] {strides = array<i32>} : memref<128xf32, #tpu.memory_space<vmem>>, vector<16xf32>,
      tpu.vector_store %arg7[%swap3A_522], %scan3A_508#6 {strides = array<i32>} : memref<128xf32, #tpu.memory_space<vmem>>, vector<16xf32>,
      %swap3A_524 = arith.constant 112 : index
      %swap3A_525 = tpu.vector_load %arg7[%swap3A_524] {strides = array<i32>} : memref<128xf32, #tpu.memory_space<vmem>>, vector<16xf32>,
      tpu.vector_store %arg7[%swap3A_524], %scan3A_508#7 {strides = array<i32>} : memref<128xf32, #tpu.memory_space<vmem>>, vector<16xf32>,
      %add3A_526 = arith.addi %mul3A_2, %add3A_463 : i32
      "tpu.region"() ({
        %run_scoped3A = tpu.sem_alloc : memref<!tpu.dma_semaphore, #tpu.memory_space<semaphore_mem>>
        %dma_start3A_758 = arith.constant 0 : i32
        %dma_start3A_759 = tpu.memref_slice %arg4[%add3A_526, %dma_start3A_758] : memref<4096x128xf32, #tpu.memory_space<hbm>> -> memref<1x128xf32, #tpu.memory_space<hbm>>
        %dma_start3A_760 = tpu.memref_squeeze %dma_start3A_759 : memref<1x128xf32, #tpu.memory_space<hbm>> -> memref<128xf32, #tpu.memory_space<hbm>>
        %dma_start3A_761 = arith.constant 0 : i32
        %dma_start3A_762 = tpu.memref_slice %arg4[%add3A_526, %dma_start3A_761] : memref<4096x128xf32, #tpu.memory_space<hbm>> -> memref<1x128xf32, #tpu.memory_space<hbm>>
        %dma_start3A_763 = tpu.memref_squeeze %dma_start3A_762 : memref<1x128xf32, #tpu.memory_space<hbm>> -> memref<128xf32, #tpu.memory_space<hbm>>
        tpu.enqueue_dma source(%arg7 : memref<128xf32, #tpu.memory_space<vmem>>) target(%dma_start3A_763 : memref<128xf32, #tpu.memory_space<hbm>>) target_semaphore(%run_scoped3A : memref<!tpu.dma_semaphore, #tpu.memory_space<semaphore_mem>>)
        %dma_wait3A_764 = arith.constant 0 : i32
        %dma_wait3A_765 = tpu.memref_slice %arg4[%add3A_526, %dma_wait3A_764] : memref<4096x128xf32, #tpu.memory_space<hbm>> -> memref<1x128xf32, #tpu.memory_space<hbm>>
        %dma_wait3A_766 = tpu.memref_squeeze %dma_wait3A_765 : memref<1x128xf32, #tpu.memory_space<hbm>> -> memref<128xf32, #tpu.memory_space<hbm>>
        %dma_wait3A_767 = arith.constant 0 : i32
        %dma_wait3A_768 = tpu.memref_slice %arg4[%add3A_526, %dma_wait3A_767] : memref<4096x128xf32, #tpu.memory_space<hbm>> -> memref<1x128xf32, #tpu.memory_space<hbm>>
        %dma_wait3A_769 = tpu.memref_squeeze %dma_wait3A_768 : memref<1x128xf32, #tpu.memory_space<hbm>> -> memref<128xf32, #tpu.memory_space<hbm>>
        tpu.wait_dma2 semaphore(%run_scoped3A : memref<!tpu.dma_semaphore, #tpu.memory_space<semaphore_mem>>) src(%arg7 : memref<128xf32, #tpu.memory_space<vmem>>) dst(%dma_wait3A_769 : memref<128xf32, #tpu.memory_space<hbm>>)
        tpu.yield
      }) : () -> ()
      %add3A_527 = arith.constant 4 : i32
      %add3A_528 = arith.addi %mul3A_171, %add3A_527 : i32
      %add3A_529 = arith.constant 8 : i32
      %add3A_530 = arith.addi %add3A_528, %add3A_529 : i32
      %lt3A_531 = arith.constant 128 : i32
      %lt3A_532 = arith.cmpi slt, %add3A_530, %lt3A_531 : i32
      %convert_element_type3A_533 = arith.extui %lt3A_532 : i1 to i32
      %cond3A_534 = arith.constant 0 : i32
      %cond3A_535 = arith.cmpi ne, %convert_element_type3A_533, %cond3A_534 : i32
      scf.if %cond3A_535 {
        %add3A_758 = arith.constant 4 : i32
        %add3A_759 = arith.addi %mul3A_171, %add3A_758 : i32
        %add3A_760 = arith.constant 8 : i32
        %add3A_761 = arith.addi %add3A_759, %add3A_760 : i32
        %mul3A_762 = arith.constant 200 : i32
        %mul3A_763 = arith.muli %add3A_761, %mul3A_762 : i32
        %mul3A_764 = arith.constant 200 : i32
        %mul3A_765 = arith.muli %add3A_761, %mul3A_764 : i32
        %add3A_766 = arith.constant 128 : i32
        %add3A_767 = arith.addi %mul3A_765, %add3A_766 : i32
        %dma_start3A_768 = arith.constant 4 : i32
        %dma_start3A_769 = arith.constant 0 : i32
        %dma_start3A_770 = arith.constant 0 : i32
        %dma_start3A_771 = tpu.memref_slice %arg6[%dma_start3A_768, %dma_start3A_769, %dma_start3A_770] : memref<8x200x64xf32, #tpu.memory_space<vmem>> -> memref<1x128x64xf32, #tpu.memory_space<vmem>>
        %dma_start3A_772 = tpu.memref_squeeze %dma_start3A_771 : memref<1x128x64xf32, #tpu.memory_space<vmem>> -> memref<128x64xf32, #tpu.memory_space<vmem>>
        %dma_start3A_773 = tpu.memref_slice %arg5[%mul3A_763] : memref<25600xi32, #tpu.memory_space<vmem>> -> memref<128xi32, #tpu.memory_space<vmem>>
        %dma_start3A_774 = arith.constant 0 : i32
        %dma_start3A_775 = arith.constant 0 : i32
        %dma_start3A_776 = tpu.memref_slice %arg2[%dma_start3A_774, %dma_start3A_775] : memref<200000x64xf32, #tpu.memory_space<hbm>> -> memref<200000x64xf32, #tpu.memory_space<hbm>>
        tpu.enqueue_indirect_dma source(%dma_start3A_776 : memref<200000x64xf32, #tpu.memory_space<hbm>>) target(%dma_start3A_772 : memref<128x64xf32, #tpu.memory_space<vmem>>) offsets(%dma_start3A_773 : memref<128xi32, #tpu.memory_space<vmem>>) semaphore(%arg12 : memref<!tpu.dma_semaphore, #tpu.memory_space<semaphore_mem>>)
        %dma_start3A_777 = arith.constant 4 : i32
        %dma_start3A_778 = arith.constant 128 : i32
        %dma_start3A_779 = arith.constant 0 : i32
        %dma_start3A_780 = tpu.memref_slice %arg6[%dma_start3A_777, %dma_start3A_778, %dma_start3A_779] : memref<8x200x64xf32, #tpu.memory_space<vmem>> -> memref<1x72x64xf32, #tpu.memory_space<vmem>>
        %dma_start3A_781 = tpu.memref_squeeze %dma_start3A_780 : memref<1x72x64xf32, #tpu.memory_space<vmem>> -> memref<72x64xf32, #tpu.memory_space<vmem>>
        %dma_start3A_782 = tpu.memref_slice %arg5[%add3A_767] : memref<25600xi32, #tpu.memory_space<vmem>> -> memref<72xi32, #tpu.memory_space<vmem>>
        %dma_start3A_783 = arith.constant 0 : i32
        %dma_start3A_784 = arith.constant 0 : i32
        %dma_start3A_785 = tpu.memref_slice %arg2[%dma_start3A_783, %dma_start3A_784] : memref<200000x64xf32, #tpu.memory_space<hbm>> -> memref<200000x64xf32, #tpu.memory_space<hbm>>
        tpu.enqueue_indirect_dma source(%dma_start3A_785 : memref<200000x64xf32, #tpu.memory_space<hbm>>) target(%dma_start3A_781 : memref<72x64xf32, #tpu.memory_space<vmem>>) offsets(%dma_start3A_782 : memref<72xi32, #tpu.memory_space<vmem>>) semaphore(%arg12 : memref<!tpu.dma_semaphore, #tpu.memory_space<semaphore_mem>>)
      } else {
      }
      %add3A_536 = arith.constant 5 : i32
      %add3A_537 = arith.addi %mul3A_171, %add3A_536 : i32
      %mul3A_538 = arith.constant 200 : i32
      %mul3A_539 = arith.muli %add3A_537, %mul3A_538 : i32
      %mul3A_540 = arith.constant 200 : i32
      %mul3A_541 = arith.muli %add3A_537, %mul3A_540 : i32
      %add3A_542 = arith.constant 128 : i32
      %add3A_543 = arith.addi %mul3A_541, %add3A_542 : i32
      %dma_wait3A_544 = arith.constant 5 : i32
      %dma_wait3A_545 = arith.constant 0 : i32
      %dma_wait3A_546 = arith.constant 0 : i32
      %dma_wait3A_547 = tpu.memref_slice %arg6[%dma_wait3A_544, %dma_wait3A_545, %dma_wait3A_546] : memref<8x200x64xf32, #tpu.memory_space<vmem>> -> memref<1x128x64xf32, #tpu.memory_space<vmem>>
      %dma_wait3A_548 = tpu.memref_squeeze %dma_wait3A_547 : memref<1x128x64xf32, #tpu.memory_space<vmem>> -> memref<128x64xf32, #tpu.memory_space<vmem>>
      %dma_wait3A_549 = tpu.memref_slice %arg5[%mul3A_539] : memref<25600xi32, #tpu.memory_space<vmem>> -> memref<128xi32, #tpu.memory_space<vmem>>
      %dma_wait3A_550 = arith.constant 0 : i32
      %dma_wait3A_551 = arith.constant 0 : i32
      %dma_wait3A_552 = tpu.memref_slice %arg2[%dma_wait3A_550, %dma_wait3A_551] : memref<200000x64xf32, #tpu.memory_space<hbm>> -> memref<200000x64xf32, #tpu.memory_space<hbm>>
      tpu.wait_indirect_dma semaphore(%arg13 : memref<!tpu.dma_semaphore, #tpu.memory_space<semaphore_mem>>) src(%dma_wait3A_552 : memref<200000x64xf32, #tpu.memory_space<hbm>>) dst(%dma_wait3A_548 : memref<128x64xf32, #tpu.memory_space<vmem>>)
      %dma_wait3A_553 = arith.constant 5 : i32
      %dma_wait3A_554 = arith.constant 128 : i32
      %dma_wait3A_555 = arith.constant 0 : i32
      %dma_wait3A_556 = tpu.memref_slice %arg6[%dma_wait3A_553, %dma_wait3A_554, %dma_wait3A_555] : memref<8x200x64xf32, #tpu.memory_space<vmem>> -> memref<1x72x64xf32, #tpu.memory_space<vmem>>
      %dma_wait3A_557 = tpu.memref_squeeze %dma_wait3A_556 : memref<1x72x64xf32, #tpu.memory_space<vmem>> -> memref<72x64xf32, #tpu.memory_space<vmem>>
      %dma_wait3A_558 = tpu.memref_slice %arg5[%add3A_543] : memref<25600xi32, #tpu.memory_space<vmem>> -> memref<72xi32, #tpu.memory_space<vmem>>
      %dma_wait3A_559 = arith.constant 0 : i32
      %dma_wait3A_560 = arith.constant 0 : i32
      %dma_wait3A_561 = tpu.memref_slice %arg2[%dma_wait3A_559, %dma_wait3A_560] : memref<200000x64xf32, #tpu.memory_space<hbm>> -> memref<200000x64xf32, #tpu.memory_space<hbm>>
      tpu.wait_indirect_dma semaphore(%arg13 : memref<!tpu.dma_semaphore, #tpu.memory_space<semaphore_mem>>) src(%dma_wait3A_561 : memref<200000x64xf32, #tpu.memory_space<hbm>>) dst(%dma_wait3A_557 : memref<72x64xf32, #tpu.memory_space<vmem>>)
      %broadcast_in_dim3A_562 = arith.constant 0.000000e+00 : f32
      %broadcast_in_dim3A_563 = vector.broadcast %broadcast_in_dim3A_562 : f32 to vector<16xf32>
      %broadcast_in_dim3A_564 = arith.constant 0.000000e+00 : f32
      %broadcast_in_dim3A_565 = vector.broadcast %broadcast_in_dim3A_564 : f32 to vector<16xf32>
      %broadcast_in_dim3A_566 = arith.constant 0.000000e+00 : f32
      %broadcast_in_dim3A_567 = vector.broadcast %broadcast_in_dim3A_566 : f32 to vector<16xf32>
      %broadcast_in_dim3A_568 = arith.constant 0.000000e+00 : f32
      %broadcast_in_dim3A_569 = vector.broadcast %broadcast_in_dim3A_568 : f32 to vector<16xf32>
      %broadcast_in_dim3A_570 = arith.constant 0.000000e+00 : f32
      %broadcast_in_dim3A_571 = vector.broadcast %broadcast_in_dim3A_570 : f32 to vector<16xf32>
      %broadcast_in_dim3A_572 = arith.constant 0.000000e+00 : f32
      %broadcast_in_dim3A_573 = vector.broadcast %broadcast_in_dim3A_572 : f32 to vector<16xf32>
      %broadcast_in_dim3A_574 = arith.constant 0.000000e+00 : f32
      %broadcast_in_dim3A_575 = vector.broadcast %broadcast_in_dim3A_574 : f32 to vector<16xf32>
      %broadcast_in_dim3A_576 = arith.constant 0.000000e+00 : f32
      %broadcast_in_dim3A_577 = vector.broadcast %broadcast_in_dim3A_576 : f32 to vector<16xf32>
      %scan3A_578 = arith.constant 0 : i32
      %scan3A_579 = arith.constant 200 : i32
      %scan3A_580 = arith.addi %scan3A_578, %scan3A_579 : i32
      %scan3A_581 = arith.constant 2 : i32
      %scan3A_582:8 = scf.for %scan3A_758 = %scan3A_578 to %scan3A_580 step %scan3A_581 iter_args(%scan3A_759 = %broadcast_in_dim3A_563, %scan3A_760 = %broadcast_in_dim3A_565, %scan3A_761 = %broadcast_in_dim3A_567, %scan3A_762 = %broadcast_in_dim3A_569, %scan3A_763 = %broadcast_in_dim3A_571, %scan3A_764 = %broadcast_in_dim3A_573, %scan3A_765 = %broadcast_in_dim3A_575, %scan3A_766 = %broadcast_in_dim3A_577) -> (vector<16xf32>, vector<16xf32>, vector<16xf32>, vector<16xf32>, vector<16xf32>, vector<16xf32>, vector<16xf32>, vector<16xf32>)  : i32 {
        %get3A = arith.constant 5 : i32
        %get3A_767 = arith.index_cast %get3A : i32 to index
        %get3A_768 = arith.index_cast %scan3A_758 : i32 to index
        %get3A_769 = arith.constant 0 : index
        %get3A_770 = tpu.vector_load %arg6[%get3A_767, %get3A_768, %get3A_769] {strides = array<i32>} : memref<8x200x64xf32, #tpu.memory_space<vmem>>, vector<16xf32>,
        %bitcast3A = vector.bitcast %get3A_770 : vector<16xf32> to vector<32xbf16>
        %unpack3A = tpu.unpack_subelements %bitcast3A, 0 {pack_format = #tpu.pack_format<interleaved>} : vector<32xbf16> -> vector<16xf32>
        %unpack3A_771 = tpu.unpack_subelements %bitcast3A, 1 {pack_format = #tpu.pack_format<interleaved>} : vector<32xbf16> -> vector<16xf32>
        %add3A_772 = arith.addf %scan3A_759, %unpack3A : vector<16xf32>
        %add3A_773 = arith.addf %scan3A_763, %unpack3A_771 : vector<16xf32>
        %get3A_774 = arith.constant 5 : i32
        %get3A_775 = arith.index_cast %get3A_774 : i32 to index
        %get3A_776 = arith.index_cast %scan3A_758 : i32 to index
        %get3A_777 = arith.constant 16 : index
        %get3A_778 = tpu.vector_load %arg6[%get3A_775, %get3A_776, %get3A_777] {strides = array<i32>} : memref<8x200x64xf32, #tpu.memory_space<vmem>>, vector<16xf32>,
        %bitcast3A_779 = vector.bitcast %get3A_778 : vector<16xf32> to vector<32xbf16>
        %unpack3A_780 = tpu.unpack_subelements %bitcast3A_779, 0 {pack_format = #tpu.pack_format<interleaved>} : vector<32xbf16> -> vector<16xf32>
        %unpack3A_781 = tpu.unpack_subelements %bitcast3A_779, 1 {pack_format = #tpu.pack_format<interleaved>} : vector<32xbf16> -> vector<16xf32>
        %add3A_782 = arith.addf %scan3A_760, %unpack3A_780 : vector<16xf32>
        %add3A_783 = arith.addf %scan3A_764, %unpack3A_781 : vector<16xf32>
        %get3A_784 = arith.constant 5 : i32
        %get3A_785 = arith.index_cast %get3A_784 : i32 to index
        %get3A_786 = arith.index_cast %scan3A_758 : i32 to index
        %get3A_787 = arith.constant 32 : index
        %get3A_788 = tpu.vector_load %arg6[%get3A_785, %get3A_786, %get3A_787] {strides = array<i32>} : memref<8x200x64xf32, #tpu.memory_space<vmem>>, vector<16xf32>,
        %bitcast3A_789 = vector.bitcast %get3A_788 : vector<16xf32> to vector<32xbf16>
        %unpack3A_790 = tpu.unpack_subelements %bitcast3A_789, 0 {pack_format = #tpu.pack_format<interleaved>} : vector<32xbf16> -> vector<16xf32>
        %unpack3A_791 = tpu.unpack_subelements %bitcast3A_789, 1 {pack_format = #tpu.pack_format<interleaved>} : vector<32xbf16> -> vector<16xf32>
        %add3A_792 = arith.addf %scan3A_761, %unpack3A_790 : vector<16xf32>
        %add3A_793 = arith.addf %scan3A_765, %unpack3A_791 : vector<16xf32>
        %get3A_794 = arith.constant 5 : i32
        %get3A_795 = arith.index_cast %get3A_794 : i32 to index
        %get3A_796 = arith.index_cast %scan3A_758 : i32 to index
        %get3A_797 = arith.constant 48 : index
        %get3A_798 = tpu.vector_load %arg6[%get3A_795, %get3A_796, %get3A_797] {strides = array<i32>} : memref<8x200x64xf32, #tpu.memory_space<vmem>>, vector<16xf32>,
        %bitcast3A_799 = vector.bitcast %get3A_798 : vector<16xf32> to vector<32xbf16>
        %unpack3A_800 = tpu.unpack_subelements %bitcast3A_799, 0 {pack_format = #tpu.pack_format<interleaved>} : vector<32xbf16> -> vector<16xf32>
        %unpack3A_801 = tpu.unpack_subelements %bitcast3A_799, 1 {pack_format = #tpu.pack_format<interleaved>} : vector<32xbf16> -> vector<16xf32>
        %add3A_802 = arith.addf %scan3A_762, %unpack3A_800 : vector<16xf32>
        %add3A_803 = arith.addf %scan3A_766, %unpack3A_801 : vector<16xf32>
        %scan3A_804 = arith.constant 1 : i32
        %scan3A_805 = arith.addi %scan3A_758, %scan3A_804 : i32
        %get3A_806 = arith.constant 5 : i32
        %get3A_807 = arith.index_cast %get3A_806 : i32 to index
        %get3A_808 = arith.index_cast %scan3A_805 : i32 to index
        %get3A_809 = arith.constant 0 : index
        %get3A_810 = tpu.vector_load %arg6[%get3A_807, %get3A_808, %get3A_809] {strides = array<i32>} : memref<8x200x64xf32, #tpu.memory_space<vmem>>, vector<16xf32>,
        %bitcast3A_811 = vector.bitcast %get3A_810 : vector<16xf32> to vector<32xbf16>
        %unpack3A_812 = tpu.unpack_subelements %bitcast3A_811, 0 {pack_format = #tpu.pack_format<interleaved>} : vector<32xbf16> -> vector<16xf32>
        %unpack3A_813 = tpu.unpack_subelements %bitcast3A_811, 1 {pack_format = #tpu.pack_format<interleaved>} : vector<32xbf16> -> vector<16xf32>
        %add3A_814 = arith.addf %add3A_772, %unpack3A_812 : vector<16xf32>
        %add3A_815 = arith.addf %add3A_773, %unpack3A_813 : vector<16xf32>
        %get3A_816 = arith.constant 5 : i32
        %get3A_817 = arith.index_cast %get3A_816 : i32 to index
        %get3A_818 = arith.index_cast %scan3A_805 : i32 to index
        %get3A_819 = arith.constant 16 : index
        %get3A_820 = tpu.vector_load %arg6[%get3A_817, %get3A_818, %get3A_819] {strides = array<i32>} : memref<8x200x64xf32, #tpu.memory_space<vmem>>, vector<16xf32>,
        %bitcast3A_821 = vector.bitcast %get3A_820 : vector<16xf32> to vector<32xbf16>
        %unpack3A_822 = tpu.unpack_subelements %bitcast3A_821, 0 {pack_format = #tpu.pack_format<interleaved>} : vector<32xbf16> -> vector<16xf32>
        %unpack3A_823 = tpu.unpack_subelements %bitcast3A_821, 1 {pack_format = #tpu.pack_format<interleaved>} : vector<32xbf16> -> vector<16xf32>
        %add3A_824 = arith.addf %add3A_782, %unpack3A_822 : vector<16xf32>
        %add3A_825 = arith.addf %add3A_783, %unpack3A_823 : vector<16xf32>
        %get3A_826 = arith.constant 5 : i32
        %get3A_827 = arith.index_cast %get3A_826 : i32 to index
        %get3A_828 = arith.index_cast %scan3A_805 : i32 to index
        %get3A_829 = arith.constant 32 : index
        %get3A_830 = tpu.vector_load %arg6[%get3A_827, %get3A_828, %get3A_829] {strides = array<i32>} : memref<8x200x64xf32, #tpu.memory_space<vmem>>, vector<16xf32>,
        %bitcast3A_831 = vector.bitcast %get3A_830 : vector<16xf32> to vector<32xbf16>
        %unpack3A_832 = tpu.unpack_subelements %bitcast3A_831, 0 {pack_format = #tpu.pack_format<interleaved>} : vector<32xbf16> -> vector<16xf32>
        %unpack3A_833 = tpu.unpack_subelements %bitcast3A_831, 1 {pack_format = #tpu.pack_format<interleaved>} : vector<32xbf16> -> vector<16xf32>
        %add3A_834 = arith.addf %add3A_792, %unpack3A_832 : vector<16xf32>
        %add3A_835 = arith.addf %add3A_793, %unpack3A_833 : vector<16xf32>
        %get3A_836 = arith.constant 5 : i32
        %get3A_837 = arith.index_cast %get3A_836 : i32 to index
        %get3A_838 = arith.index_cast %scan3A_805 : i32 to index
        %get3A_839 = arith.constant 48 : index
        %get3A_840 = tpu.vector_load %arg6[%get3A_837, %get3A_838, %get3A_839] {strides = array<i32>} : memref<8x200x64xf32, #tpu.memory_space<vmem>>, vector<16xf32>,
        %bitcast3A_841 = vector.bitcast %get3A_840 : vector<16xf32> to vector<32xbf16>
        %unpack3A_842 = tpu.unpack_subelements %bitcast3A_841, 0 {pack_format = #tpu.pack_format<interleaved>} : vector<32xbf16> -> vector<16xf32>
        %unpack3A_843 = tpu.unpack_subelements %bitcast3A_841, 1 {pack_format = #tpu.pack_format<interleaved>} : vector<32xbf16> -> vector<16xf32>
        %add3A_844 = arith.addf %add3A_802, %unpack3A_842 : vector<16xf32>
        %add3A_845 = arith.addf %add3A_803, %unpack3A_843 : vector<16xf32>
        scf.yield %add3A_814, %add3A_824, %add3A_834, %add3A_844, %add3A_815, %add3A_825, %add3A_835, %add3A_845 : vector<16xf32>, vector<16xf32>, vector<16xf32>, vector<16xf32>, vector<16xf32>, vector<16xf32>, vector<16xf32>, vector<16xf32>
      }
      %scan3A_583 = arith.constant 200 : i32
      %swap3A_584 = arith.constant 0 : index
      %swap3A_585 = tpu.vector_load %arg7[%swap3A_584] {strides = array<i32>} : memref<128xf32, #tpu.memory_space<vmem>>, vector<16xf32>,
      tpu.vector_store %arg7[%swap3A_584], %scan3A_582#0 {strides = array<i32>} : memref<128xf32, #tpu.memory_space<vmem>>, vector<16xf32>,
      %swap3A_586 = arith.constant 16 : index
      %swap3A_587 = tpu.vector_load %arg7[%swap3A_586] {strides = array<i32>} : memref<128xf32, #tpu.memory_space<vmem>>, vector<16xf32>,
      tpu.vector_store %arg7[%swap3A_586], %scan3A_582#1 {strides = array<i32>} : memref<128xf32, #tpu.memory_space<vmem>>, vector<16xf32>,
      %swap3A_588 = arith.constant 32 : index
      %swap3A_589 = tpu.vector_load %arg7[%swap3A_588] {strides = array<i32>} : memref<128xf32, #tpu.memory_space<vmem>>, vector<16xf32>,
      tpu.vector_store %arg7[%swap3A_588], %scan3A_582#2 {strides = array<i32>} : memref<128xf32, #tpu.memory_space<vmem>>, vector<16xf32>,
      %swap3A_590 = arith.constant 48 : index
      %swap3A_591 = tpu.vector_load %arg7[%swap3A_590] {strides = array<i32>} : memref<128xf32, #tpu.memory_space<vmem>>, vector<16xf32>,
      tpu.vector_store %arg7[%swap3A_590], %scan3A_582#3 {strides = array<i32>} : memref<128xf32, #tpu.memory_space<vmem>>, vector<16xf32>,
      %swap3A_592 = arith.constant 64 : index
      %swap3A_593 = tpu.vector_load %arg7[%swap3A_592] {strides = array<i32>} : memref<128xf32, #tpu.memory_space<vmem>>, vector<16xf32>,
      tpu.vector_store %arg7[%swap3A_592], %scan3A_582#4 {strides = array<i32>} : memref<128xf32, #tpu.memory_space<vmem>>, vector<16xf32>,
      %swap3A_594 = arith.constant 80 : index
      %swap3A_595 = tpu.vector_load %arg7[%swap3A_594] {strides = array<i32>} : memref<128xf32, #tpu.memory_space<vmem>>, vector<16xf32>,
      tpu.vector_store %arg7[%swap3A_594], %scan3A_582#5 {strides = array<i32>} : memref<128xf32, #tpu.memory_space<vmem>>, vector<16xf32>,
      %swap3A_596 = arith.constant 96 : index
      %swap3A_597 = tpu.vector_load %arg7[%swap3A_596] {strides = array<i32>} : memref<128xf32, #tpu.memory_space<vmem>>, vector<16xf32>,
      tpu.vector_store %arg7[%swap3A_596], %scan3A_582#6 {strides = array<i32>} : memref<128xf32, #tpu.memory_space<vmem>>, vector<16xf32>,
      %swap3A_598 = arith.constant 112 : index
      %swap3A_599 = tpu.vector_load %arg7[%swap3A_598] {strides = array<i32>} : memref<128xf32, #tpu.memory_space<vmem>>, vector<16xf32>,
      tpu.vector_store %arg7[%swap3A_598], %scan3A_582#7 {strides = array<i32>} : memref<128xf32, #tpu.memory_space<vmem>>, vector<16xf32>,
      %add3A_600 = arith.addi %mul3A_2, %add3A_537 : i32
      "tpu.region"() ({
        %run_scoped3A = tpu.sem_alloc : memref<!tpu.dma_semaphore, #tpu.memory_space<semaphore_mem>>
        %dma_start3A_758 = arith.constant 0 : i32
        %dma_start3A_759 = tpu.memref_slice %arg4[%add3A_600, %dma_start3A_758] : memref<4096x128xf32, #tpu.memory_space<hbm>> -> memref<1x128xf32, #tpu.memory_space<hbm>>
        %dma_start3A_760 = tpu.memref_squeeze %dma_start3A_759 : memref<1x128xf32, #tpu.memory_space<hbm>> -> memref<128xf32, #tpu.memory_space<hbm>>
        %dma_start3A_761 = arith.constant 0 : i32
        %dma_start3A_762 = tpu.memref_slice %arg4[%add3A_600, %dma_start3A_761] : memref<4096x128xf32, #tpu.memory_space<hbm>> -> memref<1x128xf32, #tpu.memory_space<hbm>>
        %dma_start3A_763 = tpu.memref_squeeze %dma_start3A_762 : memref<1x128xf32, #tpu.memory_space<hbm>> -> memref<128xf32, #tpu.memory_space<hbm>>
        tpu.enqueue_dma source(%arg7 : memref<128xf32, #tpu.memory_space<vmem>>) target(%dma_start3A_763 : memref<128xf32, #tpu.memory_space<hbm>>) target_semaphore(%run_scoped3A : memref<!tpu.dma_semaphore, #tpu.memory_space<semaphore_mem>>)
        %dma_wait3A_764 = arith.constant 0 : i32
        %dma_wait3A_765 = tpu.memref_slice %arg4[%add3A_600, %dma_wait3A_764] : memref<4096x128xf32, #tpu.memory_space<hbm>> -> memref<1x128xf32, #tpu.memory_space<hbm>>
        %dma_wait3A_766 = tpu.memref_squeeze %dma_wait3A_765 : memref<1x128xf32, #tpu.memory_space<hbm>> -> memref<128xf32, #tpu.memory_space<hbm>>
        %dma_wait3A_767 = arith.constant 0 : i32
        %dma_wait3A_768 = tpu.memref_slice %arg4[%add3A_600, %dma_wait3A_767] : memref<4096x128xf32, #tpu.memory_space<hbm>> -> memref<1x128xf32, #tpu.memory_space<hbm>>
        %dma_wait3A_769 = tpu.memref_squeeze %dma_wait3A_768 : memref<1x128xf32, #tpu.memory_space<hbm>> -> memref<128xf32, #tpu.memory_space<hbm>>
        tpu.wait_dma2 semaphore(%run_scoped3A : memref<!tpu.dma_semaphore, #tpu.memory_space<semaphore_mem>>) src(%arg7 : memref<128xf32, #tpu.memory_space<vmem>>) dst(%dma_wait3A_769 : memref<128xf32, #tpu.memory_space<hbm>>)
        tpu.yield
      }) : () -> ()
      %add3A_601 = arith.constant 5 : i32
      %add3A_602 = arith.addi %mul3A_171, %add3A_601 : i32
      %add3A_603 = arith.constant 8 : i32
      %add3A_604 = arith.addi %add3A_602, %add3A_603 : i32
      %lt3A_605 = arith.constant 128 : i32
      %lt3A_606 = arith.cmpi slt, %add3A_604, %lt3A_605 : i32
      %convert_element_type3A_607 = arith.extui %lt3A_606 : i1 to i32
      %cond3A_608 = arith.constant 0 : i32
      %cond3A_609 = arith.cmpi ne, %convert_element_type3A_607, %cond3A_608 : i32
      scf.if %cond3A_609 {
        %add3A_758 = arith.constant 5 : i32
        %add3A_759 = arith.addi %mul3A_171, %add3A_758 : i32
        %add3A_760 = arith.constant 8 : i32
        %add3A_761 = arith.addi %add3A_759, %add3A_760 : i32
        %mul3A_762 = arith.constant 200 : i32
        %mul3A_763 = arith.muli %add3A_761, %mul3A_762 : i32
        %mul3A_764 = arith.constant 200 : i32
        %mul3A_765 = arith.muli %add3A_761, %mul3A_764 : i32
        %add3A_766 = arith.constant 128 : i32
        %add3A_767 = arith.addi %mul3A_765, %add3A_766 : i32
        %dma_start3A_768 = arith.constant 5 : i32
        %dma_start3A_769 = arith.constant 0 : i32
        %dma_start3A_770 = arith.constant 0 : i32
        %dma_start3A_771 = tpu.memref_slice %arg6[%dma_start3A_768, %dma_start3A_769, %dma_start3A_770] : memref<8x200x64xf32, #tpu.memory_space<vmem>> -> memref<1x128x64xf32, #tpu.memory_space<vmem>>
        %dma_start3A_772 = tpu.memref_squeeze %dma_start3A_771 : memref<1x128x64xf32, #tpu.memory_space<vmem>> -> memref<128x64xf32, #tpu.memory_space<vmem>>
        %dma_start3A_773 = tpu.memref_slice %arg5[%mul3A_763] : memref<25600xi32, #tpu.memory_space<vmem>> -> memref<128xi32, #tpu.memory_space<vmem>>
        %dma_start3A_774 = arith.constant 0 : i32
        %dma_start3A_775 = arith.constant 0 : i32
        %dma_start3A_776 = tpu.memref_slice %arg2[%dma_start3A_774, %dma_start3A_775] : memref<200000x64xf32, #tpu.memory_space<hbm>> -> memref<200000x64xf32, #tpu.memory_space<hbm>>
        tpu.enqueue_indirect_dma source(%dma_start3A_776 : memref<200000x64xf32, #tpu.memory_space<hbm>>) target(%dma_start3A_772 : memref<128x64xf32, #tpu.memory_space<vmem>>) offsets(%dma_start3A_773 : memref<128xi32, #tpu.memory_space<vmem>>) semaphore(%arg13 : memref<!tpu.dma_semaphore, #tpu.memory_space<semaphore_mem>>)
        %dma_start3A_777 = arith.constant 5 : i32
        %dma_start3A_778 = arith.constant 128 : i32
        %dma_start3A_779 = arith.constant 0 : i32
        %dma_start3A_780 = tpu.memref_slice %arg6[%dma_start3A_777, %dma_start3A_778, %dma_start3A_779] : memref<8x200x64xf32, #tpu.memory_space<vmem>> -> memref<1x72x64xf32, #tpu.memory_space<vmem>>
        %dma_start3A_781 = tpu.memref_squeeze %dma_start3A_780 : memref<1x72x64xf32, #tpu.memory_space<vmem>> -> memref<72x64xf32, #tpu.memory_space<vmem>>
        %dma_start3A_782 = tpu.memref_slice %arg5[%add3A_767] : memref<25600xi32, #tpu.memory_space<vmem>> -> memref<72xi32, #tpu.memory_space<vmem>>
        %dma_start3A_783 = arith.constant 0 : i32
        %dma_start3A_784 = arith.constant 0 : i32
        %dma_start3A_785 = tpu.memref_slice %arg2[%dma_start3A_783, %dma_start3A_784] : memref<200000x64xf32, #tpu.memory_space<hbm>> -> memref<200000x64xf32, #tpu.memory_space<hbm>>
        tpu.enqueue_indirect_dma source(%dma_start3A_785 : memref<200000x64xf32, #tpu.memory_space<hbm>>) target(%dma_start3A_781 : memref<72x64xf32, #tpu.memory_space<vmem>>) offsets(%dma_start3A_782 : memref<72xi32, #tpu.memory_space<vmem>>) semaphore(%arg13 : memref<!tpu.dma_semaphore, #tpu.memory_space<semaphore_mem>>)
      } else {
      }
      %add3A_610 = arith.constant 6 : i32
      %add3A_611 = arith.addi %mul3A_171, %add3A_610 : i32
      %mul3A_612 = arith.constant 200 : i32
      %mul3A_613 = arith.muli %add3A_611, %mul3A_612 : i32
      %mul3A_614 = arith.constant 200 : i32
      %mul3A_615 = arith.muli %add3A_611, %mul3A_614 : i32
      %add3A_616 = arith.constant 128 : i32
      %add3A_617 = arith.addi %mul3A_615, %add3A_616 : i32
      %dma_wait3A_618 = arith.constant 6 : i32
      %dma_wait3A_619 = arith.constant 0 : i32
      %dma_wait3A_620 = arith.constant 0 : i32
      %dma_wait3A_621 = tpu.memref_slice %arg6[%dma_wait3A_618, %dma_wait3A_619, %dma_wait3A_620] : memref<8x200x64xf32, #tpu.memory_space<vmem>> -> memref<1x128x64xf32, #tpu.memory_space<vmem>>
      %dma_wait3A_622 = tpu.memref_squeeze %dma_wait3A_621 : memref<1x128x64xf32, #tpu.memory_space<vmem>> -> memref<128x64xf32, #tpu.memory_space<vmem>>
      %dma_wait3A_623 = tpu.memref_slice %arg5[%mul3A_613] : memref<25600xi32, #tpu.memory_space<vmem>> -> memref<128xi32, #tpu.memory_space<vmem>>
      %dma_wait3A_624 = arith.constant 0 : i32
      %dma_wait3A_625 = arith.constant 0 : i32
      %dma_wait3A_626 = tpu.memref_slice %arg2[%dma_wait3A_624, %dma_wait3A_625] : memref<200000x64xf32, #tpu.memory_space<hbm>> -> memref<200000x64xf32, #tpu.memory_space<hbm>>
      tpu.wait_indirect_dma semaphore(%arg14 : memref<!tpu.dma_semaphore, #tpu.memory_space<semaphore_mem>>) src(%dma_wait3A_626 : memref<200000x64xf32, #tpu.memory_space<hbm>>) dst(%dma_wait3A_622 : memref<128x64xf32, #tpu.memory_space<vmem>>)
      %dma_wait3A_627 = arith.constant 6 : i32
      %dma_wait3A_628 = arith.constant 128 : i32
      %dma_wait3A_629 = arith.constant 0 : i32
      %dma_wait3A_630 = tpu.memref_slice %arg6[%dma_wait3A_627, %dma_wait3A_628, %dma_wait3A_629] : memref<8x200x64xf32, #tpu.memory_space<vmem>> -> memref<1x72x64xf32, #tpu.memory_space<vmem>>
      %dma_wait3A_631 = tpu.memref_squeeze %dma_wait3A_630 : memref<1x72x64xf32, #tpu.memory_space<vmem>> -> memref<72x64xf32, #tpu.memory_space<vmem>>
      %dma_wait3A_632 = tpu.memref_slice %arg5[%add3A_617] : memref<25600xi32, #tpu.memory_space<vmem>> -> memref<72xi32, #tpu.memory_space<vmem>>
      %dma_wait3A_633 = arith.constant 0 : i32
      %dma_wait3A_634 = arith.constant 0 : i32
      %dma_wait3A_635 = tpu.memref_slice %arg2[%dma_wait3A_633, %dma_wait3A_634] : memref<200000x64xf32, #tpu.memory_space<hbm>> -> memref<200000x64xf32, #tpu.memory_space<hbm>>
      tpu.wait_indirect_dma semaphore(%arg14 : memref<!tpu.dma_semaphore, #tpu.memory_space<semaphore_mem>>) src(%dma_wait3A_635 : memref<200000x64xf32, #tpu.memory_space<hbm>>) dst(%dma_wait3A_631 : memref<72x64xf32, #tpu.memory_space<vmem>>)
      %broadcast_in_dim3A_636 = arith.constant 0.000000e+00 : f32
      %broadcast_in_dim3A_637 = vector.broadcast %broadcast_in_dim3A_636 : f32 to vector<16xf32>
      %broadcast_in_dim3A_638 = arith.constant 0.000000e+00 : f32
      %broadcast_in_dim3A_639 = vector.broadcast %broadcast_in_dim3A_638 : f32 to vector<16xf32>
      %broadcast_in_dim3A_640 = arith.constant 0.000000e+00 : f32
      %broadcast_in_dim3A_641 = vector.broadcast %broadcast_in_dim3A_640 : f32 to vector<16xf32>
      %broadcast_in_dim3A_642 = arith.constant 0.000000e+00 : f32
      %broadcast_in_dim3A_643 = vector.broadcast %broadcast_in_dim3A_642 : f32 to vector<16xf32>
      %broadcast_in_dim3A_644 = arith.constant 0.000000e+00 : f32
      %broadcast_in_dim3A_645 = vector.broadcast %broadcast_in_dim3A_644 : f32 to vector<16xf32>
      %broadcast_in_dim3A_646 = arith.constant 0.000000e+00 : f32
      %broadcast_in_dim3A_647 = vector.broadcast %broadcast_in_dim3A_646 : f32 to vector<16xf32>
      %broadcast_in_dim3A_648 = arith.constant 0.000000e+00 : f32
      %broadcast_in_dim3A_649 = vector.broadcast %broadcast_in_dim3A_648 : f32 to vector<16xf32>
      %broadcast_in_dim3A_650 = arith.constant 0.000000e+00 : f32
      %broadcast_in_dim3A_651 = vector.broadcast %broadcast_in_dim3A_650 : f32 to vector<16xf32>
      %scan3A_652 = arith.constant 0 : i32
      %scan3A_653 = arith.constant 200 : i32
      %scan3A_654 = arith.addi %scan3A_652, %scan3A_653 : i32
      %scan3A_655 = arith.constant 2 : i32
      %scan3A_656:8 = scf.for %scan3A_758 = %scan3A_652 to %scan3A_654 step %scan3A_655 iter_args(%scan3A_759 = %broadcast_in_dim3A_637, %scan3A_760 = %broadcast_in_dim3A_639, %scan3A_761 = %broadcast_in_dim3A_641, %scan3A_762 = %broadcast_in_dim3A_643, %scan3A_763 = %broadcast_in_dim3A_645, %scan3A_764 = %broadcast_in_dim3A_647, %scan3A_765 = %broadcast_in_dim3A_649, %scan3A_766 = %broadcast_in_dim3A_651) -> (vector<16xf32>, vector<16xf32>, vector<16xf32>, vector<16xf32>, vector<16xf32>, vector<16xf32>, vector<16xf32>, vector<16xf32>)  : i32 {
        %get3A = arith.constant 6 : i32
        %get3A_767 = arith.index_cast %get3A : i32 to index
        %get3A_768 = arith.index_cast %scan3A_758 : i32 to index
        %get3A_769 = arith.constant 0 : index
        %get3A_770 = tpu.vector_load %arg6[%get3A_767, %get3A_768, %get3A_769] {strides = array<i32>} : memref<8x200x64xf32, #tpu.memory_space<vmem>>, vector<16xf32>,
        %bitcast3A = vector.bitcast %get3A_770 : vector<16xf32> to vector<32xbf16>
        %unpack3A = tpu.unpack_subelements %bitcast3A, 0 {pack_format = #tpu.pack_format<interleaved>} : vector<32xbf16> -> vector<16xf32>
        %unpack3A_771 = tpu.unpack_subelements %bitcast3A, 1 {pack_format = #tpu.pack_format<interleaved>} : vector<32xbf16> -> vector<16xf32>
        %add3A_772 = arith.addf %scan3A_759, %unpack3A : vector<16xf32>
        %add3A_773 = arith.addf %scan3A_763, %unpack3A_771 : vector<16xf32>
        %get3A_774 = arith.constant 6 : i32
        %get3A_775 = arith.index_cast %get3A_774 : i32 to index
        %get3A_776 = arith.index_cast %scan3A_758 : i32 to index
        %get3A_777 = arith.constant 16 : index
        %get3A_778 = tpu.vector_load %arg6[%get3A_775, %get3A_776, %get3A_777] {strides = array<i32>} : memref<8x200x64xf32, #tpu.memory_space<vmem>>, vector<16xf32>,
        %bitcast3A_779 = vector.bitcast %get3A_778 : vector<16xf32> to vector<32xbf16>
        %unpack3A_780 = tpu.unpack_subelements %bitcast3A_779, 0 {pack_format = #tpu.pack_format<interleaved>} : vector<32xbf16> -> vector<16xf32>
        %unpack3A_781 = tpu.unpack_subelements %bitcast3A_779, 1 {pack_format = #tpu.pack_format<interleaved>} : vector<32xbf16> -> vector<16xf32>
        %add3A_782 = arith.addf %scan3A_760, %unpack3A_780 : vector<16xf32>
        %add3A_783 = arith.addf %scan3A_764, %unpack3A_781 : vector<16xf32>
        %get3A_784 = arith.constant 6 : i32
        %get3A_785 = arith.index_cast %get3A_784 : i32 to index
        %get3A_786 = arith.index_cast %scan3A_758 : i32 to index
        %get3A_787 = arith.constant 32 : index
        %get3A_788 = tpu.vector_load %arg6[%get3A_785, %get3A_786, %get3A_787] {strides = array<i32>} : memref<8x200x64xf32, #tpu.memory_space<vmem>>, vector<16xf32>,
        %bitcast3A_789 = vector.bitcast %get3A_788 : vector<16xf32> to vector<32xbf16>
        %unpack3A_790 = tpu.unpack_subelements %bitcast3A_789, 0 {pack_format = #tpu.pack_format<interleaved>} : vector<32xbf16> -> vector<16xf32>
        %unpack3A_791 = tpu.unpack_subelements %bitcast3A_789, 1 {pack_format = #tpu.pack_format<interleaved>} : vector<32xbf16> -> vector<16xf32>
        %add3A_792 = arith.addf %scan3A_761, %unpack3A_790 : vector<16xf32>
        %add3A_793 = arith.addf %scan3A_765, %unpack3A_791 : vector<16xf32>
        %get3A_794 = arith.constant 6 : i32
        %get3A_795 = arith.index_cast %get3A_794 : i32 to index
        %get3A_796 = arith.index_cast %scan3A_758 : i32 to index
        %get3A_797 = arith.constant 48 : index
        %get3A_798 = tpu.vector_load %arg6[%get3A_795, %get3A_796, %get3A_797] {strides = array<i32>} : memref<8x200x64xf32, #tpu.memory_space<vmem>>, vector<16xf32>,
        %bitcast3A_799 = vector.bitcast %get3A_798 : vector<16xf32> to vector<32xbf16>
        %unpack3A_800 = tpu.unpack_subelements %bitcast3A_799, 0 {pack_format = #tpu.pack_format<interleaved>} : vector<32xbf16> -> vector<16xf32>
        %unpack3A_801 = tpu.unpack_subelements %bitcast3A_799, 1 {pack_format = #tpu.pack_format<interleaved>} : vector<32xbf16> -> vector<16xf32>
        %add3A_802 = arith.addf %scan3A_762, %unpack3A_800 : vector<16xf32>
        %add3A_803 = arith.addf %scan3A_766, %unpack3A_801 : vector<16xf32>
        %scan3A_804 = arith.constant 1 : i32
        %scan3A_805 = arith.addi %scan3A_758, %scan3A_804 : i32
        %get3A_806 = arith.constant 6 : i32
        %get3A_807 = arith.index_cast %get3A_806 : i32 to index
        %get3A_808 = arith.index_cast %scan3A_805 : i32 to index
        %get3A_809 = arith.constant 0 : index
        %get3A_810 = tpu.vector_load %arg6[%get3A_807, %get3A_808, %get3A_809] {strides = array<i32>} : memref<8x200x64xf32, #tpu.memory_space<vmem>>, vector<16xf32>,
        %bitcast3A_811 = vector.bitcast %get3A_810 : vector<16xf32> to vector<32xbf16>
        %unpack3A_812 = tpu.unpack_subelements %bitcast3A_811, 0 {pack_format = #tpu.pack_format<interleaved>} : vector<32xbf16> -> vector<16xf32>
        %unpack3A_813 = tpu.unpack_subelements %bitcast3A_811, 1 {pack_format = #tpu.pack_format<interleaved>} : vector<32xbf16> -> vector<16xf32>
        %add3A_814 = arith.addf %add3A_772, %unpack3A_812 : vector<16xf32>
        %add3A_815 = arith.addf %add3A_773, %unpack3A_813 : vector<16xf32>
        %get3A_816 = arith.constant 6 : i32
        %get3A_817 = arith.index_cast %get3A_816 : i32 to index
        %get3A_818 = arith.index_cast %scan3A_805 : i32 to index
        %get3A_819 = arith.constant 16 : index
        %get3A_820 = tpu.vector_load %arg6[%get3A_817, %get3A_818, %get3A_819] {strides = array<i32>} : memref<8x200x64xf32, #tpu.memory_space<vmem>>, vector<16xf32>,
        %bitcast3A_821 = vector.bitcast %get3A_820 : vector<16xf32> to vector<32xbf16>
        %unpack3A_822 = tpu.unpack_subelements %bitcast3A_821, 0 {pack_format = #tpu.pack_format<interleaved>} : vector<32xbf16> -> vector<16xf32>
        %unpack3A_823 = tpu.unpack_subelements %bitcast3A_821, 1 {pack_format = #tpu.pack_format<interleaved>} : vector<32xbf16> -> vector<16xf32>
        %add3A_824 = arith.addf %add3A_782, %unpack3A_822 : vector<16xf32>
        %add3A_825 = arith.addf %add3A_783, %unpack3A_823 : vector<16xf32>
        %get3A_826 = arith.constant 6 : i32
        %get3A_827 = arith.index_cast %get3A_826 : i32 to index
        %get3A_828 = arith.index_cast %scan3A_805 : i32 to index
        %get3A_829 = arith.constant 32 : index
        %get3A_830 = tpu.vector_load %arg6[%get3A_827, %get3A_828, %get3A_829] {strides = array<i32>} : memref<8x200x64xf32, #tpu.memory_space<vmem>>, vector<16xf32>,
        %bitcast3A_831 = vector.bitcast %get3A_830 : vector<16xf32> to vector<32xbf16>
        %unpack3A_832 = tpu.unpack_subelements %bitcast3A_831, 0 {pack_format = #tpu.pack_format<interleaved>} : vector<32xbf16> -> vector<16xf32>
        %unpack3A_833 = tpu.unpack_subelements %bitcast3A_831, 1 {pack_format = #tpu.pack_format<interleaved>} : vector<32xbf16> -> vector<16xf32>
        %add3A_834 = arith.addf %add3A_792, %unpack3A_832 : vector<16xf32>
        %add3A_835 = arith.addf %add3A_793, %unpack3A_833 : vector<16xf32>
        %get3A_836 = arith.constant 6 : i32
        %get3A_837 = arith.index_cast %get3A_836 : i32 to index
        %get3A_838 = arith.index_cast %scan3A_805 : i32 to index
        %get3A_839 = arith.constant 48 : index
        %get3A_840 = tpu.vector_load %arg6[%get3A_837, %get3A_838, %get3A_839] {strides = array<i32>} : memref<8x200x64xf32, #tpu.memory_space<vmem>>, vector<16xf32>,
        %bitcast3A_841 = vector.bitcast %get3A_840 : vector<16xf32> to vector<32xbf16>
        %unpack3A_842 = tpu.unpack_subelements %bitcast3A_841, 0 {pack_format = #tpu.pack_format<interleaved>} : vector<32xbf16> -> vector<16xf32>
        %unpack3A_843 = tpu.unpack_subelements %bitcast3A_841, 1 {pack_format = #tpu.pack_format<interleaved>} : vector<32xbf16> -> vector<16xf32>
        %add3A_844 = arith.addf %add3A_802, %unpack3A_842 : vector<16xf32>
        %add3A_845 = arith.addf %add3A_803, %unpack3A_843 : vector<16xf32>
        scf.yield %add3A_814, %add3A_824, %add3A_834, %add3A_844, %add3A_815, %add3A_825, %add3A_835, %add3A_845 : vector<16xf32>, vector<16xf32>, vector<16xf32>, vector<16xf32>, vector<16xf32>, vector<16xf32>, vector<16xf32>, vector<16xf32>
      }
      %scan3A_657 = arith.constant 200 : i32
      %swap3A_658 = arith.constant 0 : index
      %swap3A_659 = tpu.vector_load %arg7[%swap3A_658] {strides = array<i32>} : memref<128xf32, #tpu.memory_space<vmem>>, vector<16xf32>,
      tpu.vector_store %arg7[%swap3A_658], %scan3A_656#0 {strides = array<i32>} : memref<128xf32, #tpu.memory_space<vmem>>, vector<16xf32>,
      %swap3A_660 = arith.constant 16 : index
      %swap3A_661 = tpu.vector_load %arg7[%swap3A_660] {strides = array<i32>} : memref<128xf32, #tpu.memory_space<vmem>>, vector<16xf32>,
      tpu.vector_store %arg7[%swap3A_660], %scan3A_656#1 {strides = array<i32>} : memref<128xf32, #tpu.memory_space<vmem>>, vector<16xf32>,
      %swap3A_662 = arith.constant 32 : index
      %swap3A_663 = tpu.vector_load %arg7[%swap3A_662] {strides = array<i32>} : memref<128xf32, #tpu.memory_space<vmem>>, vector<16xf32>,
      tpu.vector_store %arg7[%swap3A_662], %scan3A_656#2 {strides = array<i32>} : memref<128xf32, #tpu.memory_space<vmem>>, vector<16xf32>,
      %swap3A_664 = arith.constant 48 : index
      %swap3A_665 = tpu.vector_load %arg7[%swap3A_664] {strides = array<i32>} : memref<128xf32, #tpu.memory_space<vmem>>, vector<16xf32>,
      tpu.vector_store %arg7[%swap3A_664], %scan3A_656#3 {strides = array<i32>} : memref<128xf32, #tpu.memory_space<vmem>>, vector<16xf32>,
      %swap3A_666 = arith.constant 64 : index
      %swap3A_667 = tpu.vector_load %arg7[%swap3A_666] {strides = array<i32>} : memref<128xf32, #tpu.memory_space<vmem>>, vector<16xf32>,
      tpu.vector_store %arg7[%swap3A_666], %scan3A_656#4 {strides = array<i32>} : memref<128xf32, #tpu.memory_space<vmem>>, vector<16xf32>,
      %swap3A_668 = arith.constant 80 : index
      %swap3A_669 = tpu.vector_load %arg7[%swap3A_668] {strides = array<i32>} : memref<128xf32, #tpu.memory_space<vmem>>, vector<16xf32>,
      tpu.vector_store %arg7[%swap3A_668], %scan3A_656#5 {strides = array<i32>} : memref<128xf32, #tpu.memory_space<vmem>>, vector<16xf32>,
      %swap3A_670 = arith.constant 96 : index
      %swap3A_671 = tpu.vector_load %arg7[%swap3A_670] {strides = array<i32>} : memref<128xf32, #tpu.memory_space<vmem>>, vector<16xf32>,
      tpu.vector_store %arg7[%swap3A_670], %scan3A_656#6 {strides = array<i32>} : memref<128xf32, #tpu.memory_space<vmem>>, vector<16xf32>,
      %swap3A_672 = arith.constant 112 : index
      %swap3A_673 = tpu.vector_load %arg7[%swap3A_672] {strides = array<i32>} : memref<128xf32, #tpu.memory_space<vmem>>, vector<16xf32>,
      tpu.vector_store %arg7[%swap3A_672], %scan3A_656#7 {strides = array<i32>} : memref<128xf32, #tpu.memory_space<vmem>>, vector<16xf32>,
      %add3A_674 = arith.addi %mul3A_2, %add3A_611 : i32
      "tpu.region"() ({
        %run_scoped3A = tpu.sem_alloc : memref<!tpu.dma_semaphore, #tpu.memory_space<semaphore_mem>>
        %dma_start3A_758 = arith.constant 0 : i32
        %dma_start3A_759 = tpu.memref_slice %arg4[%add3A_674, %dma_start3A_758] : memref<4096x128xf32, #tpu.memory_space<hbm>> -> memref<1x128xf32, #tpu.memory_space<hbm>>
        %dma_start3A_760 = tpu.memref_squeeze %dma_start3A_759 : memref<1x128xf32, #tpu.memory_space<hbm>> -> memref<128xf32, #tpu.memory_space<hbm>>
        %dma_start3A_761 = arith.constant 0 : i32
        %dma_start3A_762 = tpu.memref_slice %arg4[%add3A_674, %dma_start3A_761] : memref<4096x128xf32, #tpu.memory_space<hbm>> -> memref<1x128xf32, #tpu.memory_space<hbm>>
        %dma_start3A_763 = tpu.memref_squeeze %dma_start3A_762 : memref<1x128xf32, #tpu.memory_space<hbm>> -> memref<128xf32, #tpu.memory_space<hbm>>
        tpu.enqueue_dma source(%arg7 : memref<128xf32, #tpu.memory_space<vmem>>) target(%dma_start3A_763 : memref<128xf32, #tpu.memory_space<hbm>>) target_semaphore(%run_scoped3A : memref<!tpu.dma_semaphore, #tpu.memory_space<semaphore_mem>>)
        %dma_wait3A_764 = arith.constant 0 : i32
        %dma_wait3A_765 = tpu.memref_slice %arg4[%add3A_674, %dma_wait3A_764] : memref<4096x128xf32, #tpu.memory_space<hbm>> -> memref<1x128xf32, #tpu.memory_space<hbm>>
        %dma_wait3A_766 = tpu.memref_squeeze %dma_wait3A_765 : memref<1x128xf32, #tpu.memory_space<hbm>> -> memref<128xf32, #tpu.memory_space<hbm>>
        %dma_wait3A_767 = arith.constant 0 : i32
        %dma_wait3A_768 = tpu.memref_slice %arg4[%add3A_674, %dma_wait3A_767] : memref<4096x128xf32, #tpu.memory_space<hbm>> -> memref<1x128xf32, #tpu.memory_space<hbm>>
        %dma_wait3A_769 = tpu.memref_squeeze %dma_wait3A_768 : memref<1x128xf32, #tpu.memory_space<hbm>> -> memref<128xf32, #tpu.memory_space<hbm>>
        tpu.wait_dma2 semaphore(%run_scoped3A : memref<!tpu.dma_semaphore, #tpu.memory_space<semaphore_mem>>) src(%arg7 : memref<128xf32, #tpu.memory_space<vmem>>) dst(%dma_wait3A_769 : memref<128xf32, #tpu.memory_space<hbm>>)
        tpu.yield
      }) : () -> ()
      %add3A_675 = arith.constant 6 : i32
      %add3A_676 = arith.addi %mul3A_171, %add3A_675 : i32
      %add3A_677 = arith.constant 8 : i32
      %add3A_678 = arith.addi %add3A_676, %add3A_677 : i32
      %lt3A_679 = arith.constant 128 : i32
      %lt3A_680 = arith.cmpi slt, %add3A_678, %lt3A_679 : i32
      %convert_element_type3A_681 = arith.extui %lt3A_680 : i1 to i32
      %cond3A_682 = arith.constant 0 : i32
      %cond3A_683 = arith.cmpi ne, %convert_element_type3A_681, %cond3A_682 : i32
      scf.if %cond3A_683 {
        %add3A_758 = arith.constant 6 : i32
        %add3A_759 = arith.addi %mul3A_171, %add3A_758 : i32
        %add3A_760 = arith.constant 8 : i32
        %add3A_761 = arith.addi %add3A_759, %add3A_760 : i32
        %mul3A_762 = arith.constant 200 : i32
        %mul3A_763 = arith.muli %add3A_761, %mul3A_762 : i32
        %mul3A_764 = arith.constant 200 : i32
        %mul3A_765 = arith.muli %add3A_761, %mul3A_764 : i32
        %add3A_766 = arith.constant 128 : i32
        %add3A_767 = arith.addi %mul3A_765, %add3A_766 : i32
        %dma_start3A_768 = arith.constant 6 : i32
        %dma_start3A_769 = arith.constant 0 : i32
        %dma_start3A_770 = arith.constant 0 : i32
        %dma_start3A_771 = tpu.memref_slice %arg6[%dma_start3A_768, %dma_start3A_769, %dma_start3A_770] : memref<8x200x64xf32, #tpu.memory_space<vmem>> -> memref<1x128x64xf32, #tpu.memory_space<vmem>>
        %dma_start3A_772 = tpu.memref_squeeze %dma_start3A_771 : memref<1x128x64xf32, #tpu.memory_space<vmem>> -> memref<128x64xf32, #tpu.memory_space<vmem>>
        %dma_start3A_773 = tpu.memref_slice %arg5[%mul3A_763] : memref<25600xi32, #tpu.memory_space<vmem>> -> memref<128xi32, #tpu.memory_space<vmem>>
        %dma_start3A_774 = arith.constant 0 : i32
        %dma_start3A_775 = arith.constant 0 : i32
        %dma_start3A_776 = tpu.memref_slice %arg2[%dma_start3A_774, %dma_start3A_775] : memref<200000x64xf32, #tpu.memory_space<hbm>> -> memref<200000x64xf32, #tpu.memory_space<hbm>>
        tpu.enqueue_indirect_dma source(%dma_start3A_776 : memref<200000x64xf32, #tpu.memory_space<hbm>>) target(%dma_start3A_772 : memref<128x64xf32, #tpu.memory_space<vmem>>) offsets(%dma_start3A_773 : memref<128xi32, #tpu.memory_space<vmem>>) semaphore(%arg14 : memref<!tpu.dma_semaphore, #tpu.memory_space<semaphore_mem>>)
        %dma_start3A_777 = arith.constant 6 : i32
        %dma_start3A_778 = arith.constant 128 : i32
        %dma_start3A_779 = arith.constant 0 : i32
        %dma_start3A_780 = tpu.memref_slice %arg6[%dma_start3A_777, %dma_start3A_778, %dma_start3A_779] : memref<8x200x64xf32, #tpu.memory_space<vmem>> -> memref<1x72x64xf32, #tpu.memory_space<vmem>>
        %dma_start3A_781 = tpu.memref_squeeze %dma_start3A_780 : memref<1x72x64xf32, #tpu.memory_space<vmem>> -> memref<72x64xf32, #tpu.memory_space<vmem>>
        %dma_start3A_782 = tpu.memref_slice %arg5[%add3A_767] : memref<25600xi32, #tpu.memory_space<vmem>> -> memref<72xi32, #tpu.memory_space<vmem>>
        %dma_start3A_783 = arith.constant 0 : i32
        %dma_start3A_784 = arith.constant 0 : i32
        %dma_start3A_785 = tpu.memref_slice %arg2[%dma_start3A_783, %dma_start3A_784] : memref<200000x64xf32, #tpu.memory_space<hbm>> -> memref<200000x64xf32, #tpu.memory_space<hbm>>
        tpu.enqueue_indirect_dma source(%dma_start3A_785 : memref<200000x64xf32, #tpu.memory_space<hbm>>) target(%dma_start3A_781 : memref<72x64xf32, #tpu.memory_space<vmem>>) offsets(%dma_start3A_782 : memref<72xi32, #tpu.memory_space<vmem>>) semaphore(%arg14 : memref<!tpu.dma_semaphore, #tpu.memory_space<semaphore_mem>>)
      } else {
      }
      %add3A_684 = arith.constant 7 : i32
      %add3A_685 = arith.addi %mul3A_171, %add3A_684 : i32
      %mul3A_686 = arith.constant 200 : i32
      %mul3A_687 = arith.muli %add3A_685, %mul3A_686 : i32
      %mul3A_688 = arith.constant 200 : i32
      %mul3A_689 = arith.muli %add3A_685, %mul3A_688 : i32
      %add3A_690 = arith.constant 128 : i32
      %add3A_691 = arith.addi %mul3A_689, %add3A_690 : i32
      %dma_wait3A_692 = arith.constant 7 : i32
      %dma_wait3A_693 = arith.constant 0 : i32
      %dma_wait3A_694 = arith.constant 0 : i32
      %dma_wait3A_695 = tpu.memref_slice %arg6[%dma_wait3A_692, %dma_wait3A_693, %dma_wait3A_694] : memref<8x200x64xf32, #tpu.memory_space<vmem>> -> memref<1x128x64xf32, #tpu.memory_space<vmem>>
      %dma_wait3A_696 = tpu.memref_squeeze %dma_wait3A_695 : memref<1x128x64xf32, #tpu.memory_space<vmem>> -> memref<128x64xf32, #tpu.memory_space<vmem>>
      %dma_wait3A_697 = tpu.memref_slice %arg5[%mul3A_687] : memref<25600xi32, #tpu.memory_space<vmem>> -> memref<128xi32, #tpu.memory_space<vmem>>
      %dma_wait3A_698 = arith.constant 0 : i32
      %dma_wait3A_699 = arith.constant 0 : i32
      %dma_wait3A_700 = tpu.memref_slice %arg2[%dma_wait3A_698, %dma_wait3A_699] : memref<200000x64xf32, #tpu.memory_space<hbm>> -> memref<200000x64xf32, #tpu.memory_space<hbm>>
      tpu.wait_indirect_dma semaphore(%arg15 : memref<!tpu.dma_semaphore, #tpu.memory_space<semaphore_mem>>) src(%dma_wait3A_700 : memref<200000x64xf32, #tpu.memory_space<hbm>>) dst(%dma_wait3A_696 : memref<128x64xf32, #tpu.memory_space<vmem>>)
      %dma_wait3A_701 = arith.constant 7 : i32
      %dma_wait3A_702 = arith.constant 128 : i32
      %dma_wait3A_703 = arith.constant 0 : i32
      %dma_wait3A_704 = tpu.memref_slice %arg6[%dma_wait3A_701, %dma_wait3A_702, %dma_wait3A_703] : memref<8x200x64xf32, #tpu.memory_space<vmem>> -> memref<1x72x64xf32, #tpu.memory_space<vmem>>
      %dma_wait3A_705 = tpu.memref_squeeze %dma_wait3A_704 : memref<1x72x64xf32, #tpu.memory_space<vmem>> -> memref<72x64xf32, #tpu.memory_space<vmem>>
      %dma_wait3A_706 = tpu.memref_slice %arg5[%add3A_691] : memref<25600xi32, #tpu.memory_space<vmem>> -> memref<72xi32, #tpu.memory_space<vmem>>
      %dma_wait3A_707 = arith.constant 0 : i32
      %dma_wait3A_708 = arith.constant 0 : i32
      %dma_wait3A_709 = tpu.memref_slice %arg2[%dma_wait3A_707, %dma_wait3A_708] : memref<200000x64xf32, #tpu.memory_space<hbm>> -> memref<200000x64xf32, #tpu.memory_space<hbm>>
      tpu.wait_indirect_dma semaphore(%arg15 : memref<!tpu.dma_semaphore, #tpu.memory_space<semaphore_mem>>) src(%dma_wait3A_709 : memref<200000x64xf32, #tpu.memory_space<hbm>>) dst(%dma_wait3A_705 : memref<72x64xf32, #tpu.memory_space<vmem>>)
      %broadcast_in_dim3A_710 = arith.constant 0.000000e+00 : f32
      %broadcast_in_dim3A_711 = vector.broadcast %broadcast_in_dim3A_710 : f32 to vector<16xf32>
      %broadcast_in_dim3A_712 = arith.constant 0.000000e+00 : f32
      %broadcast_in_dim3A_713 = vector.broadcast %broadcast_in_dim3A_712 : f32 to vector<16xf32>
      %broadcast_in_dim3A_714 = arith.constant 0.000000e+00 : f32
      %broadcast_in_dim3A_715 = vector.broadcast %broadcast_in_dim3A_714 : f32 to vector<16xf32>
      %broadcast_in_dim3A_716 = arith.constant 0.000000e+00 : f32
      %broadcast_in_dim3A_717 = vector.broadcast %broadcast_in_dim3A_716 : f32 to vector<16xf32>
      %broadcast_in_dim3A_718 = arith.constant 0.000000e+00 : f32
      %broadcast_in_dim3A_719 = vector.broadcast %broadcast_in_dim3A_718 : f32 to vector<16xf32>
      %broadcast_in_dim3A_720 = arith.constant 0.000000e+00 : f32
      %broadcast_in_dim3A_721 = vector.broadcast %broadcast_in_dim3A_720 : f32 to vector<16xf32>
      %broadcast_in_dim3A_722 = arith.constant 0.000000e+00 : f32
      %broadcast_in_dim3A_723 = vector.broadcast %broadcast_in_dim3A_722 : f32 to vector<16xf32>
      %broadcast_in_dim3A_724 = arith.constant 0.000000e+00 : f32
      %broadcast_in_dim3A_725 = vector.broadcast %broadcast_in_dim3A_724 : f32 to vector<16xf32>
      %scan3A_726 = arith.constant 0 : i32
      %scan3A_727 = arith.constant 200 : i32
      %scan3A_728 = arith.addi %scan3A_726, %scan3A_727 : i32
      %scan3A_729 = arith.constant 2 : i32
      %scan3A_730:8 = scf.for %scan3A_758 = %scan3A_726 to %scan3A_728 step %scan3A_729 iter_args(%scan3A_759 = %broadcast_in_dim3A_711, %scan3A_760 = %broadcast_in_dim3A_713, %scan3A_761 = %broadcast_in_dim3A_715, %scan3A_762 = %broadcast_in_dim3A_717, %scan3A_763 = %broadcast_in_dim3A_719, %scan3A_764 = %broadcast_in_dim3A_721, %scan3A_765 = %broadcast_in_dim3A_723, %scan3A_766 = %broadcast_in_dim3A_725) -> (vector<16xf32>, vector<16xf32>, vector<16xf32>, vector<16xf32>, vector<16xf32>, vector<16xf32>, vector<16xf32>, vector<16xf32>)  : i32 {
        %get3A = arith.constant 7 : i32
        %get3A_767 = arith.index_cast %get3A : i32 to index
        %get3A_768 = arith.index_cast %scan3A_758 : i32 to index
        %get3A_769 = arith.constant 0 : index
        %get3A_770 = tpu.vector_load %arg6[%get3A_767, %get3A_768, %get3A_769] {strides = array<i32>} : memref<8x200x64xf32, #tpu.memory_space<vmem>>, vector<16xf32>,
        %bitcast3A = vector.bitcast %get3A_770 : vector<16xf32> to vector<32xbf16>
        %unpack3A = tpu.unpack_subelements %bitcast3A, 0 {pack_format = #tpu.pack_format<interleaved>} : vector<32xbf16> -> vector<16xf32>
        %unpack3A_771 = tpu.unpack_subelements %bitcast3A, 1 {pack_format = #tpu.pack_format<interleaved>} : vector<32xbf16> -> vector<16xf32>
        %add3A_772 = arith.addf %scan3A_759, %unpack3A : vector<16xf32>
        %add3A_773 = arith.addf %scan3A_763, %unpack3A_771 : vector<16xf32>
        %get3A_774 = arith.constant 7 : i32
        %get3A_775 = arith.index_cast %get3A_774 : i32 to index
        %get3A_776 = arith.index_cast %scan3A_758 : i32 to index
        %get3A_777 = arith.constant 16 : index
        %get3A_778 = tpu.vector_load %arg6[%get3A_775, %get3A_776, %get3A_777] {strides = array<i32>} : memref<8x200x64xf32, #tpu.memory_space<vmem>>, vector<16xf32>,
        %bitcast3A_779 = vector.bitcast %get3A_778 : vector<16xf32> to vector<32xbf16>
        %unpack3A_780 = tpu.unpack_subelements %bitcast3A_779, 0 {pack_format = #tpu.pack_format<interleaved>} : vector<32xbf16> -> vector<16xf32>
        %unpack3A_781 = tpu.unpack_subelements %bitcast3A_779, 1 {pack_format = #tpu.pack_format<interleaved>} : vector<32xbf16> -> vector<16xf32>
        %add3A_782 = arith.addf %scan3A_760, %unpack3A_780 : vector<16xf32>
        %add3A_783 = arith.addf %scan3A_764, %unpack3A_781 : vector<16xf32>
        %get3A_784 = arith.constant 7 : i32
        %get3A_785 = arith.index_cast %get3A_784 : i32 to index
        %get3A_786 = arith.index_cast %scan3A_758 : i32 to index
        %get3A_787 = arith.constant 32 : index
        %get3A_788 = tpu.vector_load %arg6[%get3A_785, %get3A_786, %get3A_787] {strides = array<i32>} : memref<8x200x64xf32, #tpu.memory_space<vmem>>, vector<16xf32>,
        %bitcast3A_789 = vector.bitcast %get3A_788 : vector<16xf32> to vector<32xbf16>
        %unpack3A_790 = tpu.unpack_subelements %bitcast3A_789, 0 {pack_format = #tpu.pack_format<interleaved>} : vector<32xbf16> -> vector<16xf32>
        %unpack3A_791 = tpu.unpack_subelements %bitcast3A_789, 1 {pack_format = #tpu.pack_format<interleaved>} : vector<32xbf16> -> vector<16xf32>
        %add3A_792 = arith.addf %scan3A_761, %unpack3A_790 : vector<16xf32>
        %add3A_793 = arith.addf %scan3A_765, %unpack3A_791 : vector<16xf32>
        %get3A_794 = arith.constant 7 : i32
        %get3A_795 = arith.index_cast %get3A_794 : i32 to index
        %get3A_796 = arith.index_cast %scan3A_758 : i32 to index
        %get3A_797 = arith.constant 48 : index
        %get3A_798 = tpu.vector_load %arg6[%get3A_795, %get3A_796, %get3A_797] {strides = array<i32>} : memref<8x200x64xf32, #tpu.memory_space<vmem>>, vector<16xf32>,
        %bitcast3A_799 = vector.bitcast %get3A_798 : vector<16xf32> to vector<32xbf16>
        %unpack3A_800 = tpu.unpack_subelements %bitcast3A_799, 0 {pack_format = #tpu.pack_format<interleaved>} : vector<32xbf16> -> vector<16xf32>
        %unpack3A_801 = tpu.unpack_subelements %bitcast3A_799, 1 {pack_format = #tpu.pack_format<interleaved>} : vector<32xbf16> -> vector<16xf32>
        %add3A_802 = arith.addf %scan3A_762, %unpack3A_800 : vector<16xf32>
        %add3A_803 = arith.addf %scan3A_766, %unpack3A_801 : vector<16xf32>
        %scan3A_804 = arith.constant 1 : i32
        %scan3A_805 = arith.addi %scan3A_758, %scan3A_804 : i32
        %get3A_806 = arith.constant 7 : i32
        %get3A_807 = arith.index_cast %get3A_806 : i32 to index
        %get3A_808 = arith.index_cast %scan3A_805 : i32 to index
        %get3A_809 = arith.constant 0 : index
        %get3A_810 = tpu.vector_load %arg6[%get3A_807, %get3A_808, %get3A_809] {strides = array<i32>} : memref<8x200x64xf32, #tpu.memory_space<vmem>>, vector<16xf32>,
        %bitcast3A_811 = vector.bitcast %get3A_810 : vector<16xf32> to vector<32xbf16>
        %unpack3A_812 = tpu.unpack_subelements %bitcast3A_811, 0 {pack_format = #tpu.pack_format<interleaved>} : vector<32xbf16> -> vector<16xf32>
        %unpack3A_813 = tpu.unpack_subelements %bitcast3A_811, 1 {pack_format = #tpu.pack_format<interleaved>} : vector<32xbf16> -> vector<16xf32>
        %add3A_814 = arith.addf %add3A_772, %unpack3A_812 : vector<16xf32>
        %add3A_815 = arith.addf %add3A_773, %unpack3A_813 : vector<16xf32>
        %get3A_816 = arith.constant 7 : i32
        %get3A_817 = arith.index_cast %get3A_816 : i32 to index
        %get3A_818 = arith.index_cast %scan3A_805 : i32 to index
        %get3A_819 = arith.constant 16 : index
        %get3A_820 = tpu.vector_load %arg6[%get3A_817, %get3A_818, %get3A_819] {strides = array<i32>} : memref<8x200x64xf32, #tpu.memory_space<vmem>>, vector<16xf32>,
        %bitcast3A_821 = vector.bitcast %get3A_820 : vector<16xf32> to vector<32xbf16>
        %unpack3A_822 = tpu.unpack_subelements %bitcast3A_821, 0 {pack_format = #tpu.pack_format<interleaved>} : vector<32xbf16> -> vector<16xf32>
        %unpack3A_823 = tpu.unpack_subelements %bitcast3A_821, 1 {pack_format = #tpu.pack_format<interleaved>} : vector<32xbf16> -> vector<16xf32>
        %add3A_824 = arith.addf %add3A_782, %unpack3A_822 : vector<16xf32>
        %add3A_825 = arith.addf %add3A_783, %unpack3A_823 : vector<16xf32>
        %get3A_826 = arith.constant 7 : i32
        %get3A_827 = arith.index_cast %get3A_826 : i32 to index
        %get3A_828 = arith.index_cast %scan3A_805 : i32 to index
        %get3A_829 = arith.constant 32 : index
        %get3A_830 = tpu.vector_load %arg6[%get3A_827, %get3A_828, %get3A_829] {strides = array<i32>} : memref<8x200x64xf32, #tpu.memory_space<vmem>>, vector<16xf32>,
        %bitcast3A_831 = vector.bitcast %get3A_830 : vector<16xf32> to vector<32xbf16>
        %unpack3A_832 = tpu.unpack_subelements %bitcast3A_831, 0 {pack_format = #tpu.pack_format<interleaved>} : vector<32xbf16> -> vector<16xf32>
        %unpack3A_833 = tpu.unpack_subelements %bitcast3A_831, 1 {pack_format = #tpu.pack_format<interleaved>} : vector<32xbf16> -> vector<16xf32>
        %add3A_834 = arith.addf %add3A_792, %unpack3A_832 : vector<16xf32>
        %add3A_835 = arith.addf %add3A_793, %unpack3A_833 : vector<16xf32>
        %get3A_836 = arith.constant 7 : i32
        %get3A_837 = arith.index_cast %get3A_836 : i32 to index
        %get3A_838 = arith.index_cast %scan3A_805 : i32 to index
        %get3A_839 = arith.constant 48 : index
        %get3A_840 = tpu.vector_load %arg6[%get3A_837, %get3A_838, %get3A_839] {strides = array<i32>} : memref<8x200x64xf32, #tpu.memory_space<vmem>>, vector<16xf32>,
        %bitcast3A_841 = vector.bitcast %get3A_840 : vector<16xf32> to vector<32xbf16>
        %unpack3A_842 = tpu.unpack_subelements %bitcast3A_841, 0 {pack_format = #tpu.pack_format<interleaved>} : vector<32xbf16> -> vector<16xf32>
        %unpack3A_843 = tpu.unpack_subelements %bitcast3A_841, 1 {pack_format = #tpu.pack_format<interleaved>} : vector<32xbf16> -> vector<16xf32>
        %add3A_844 = arith.addf %add3A_802, %unpack3A_842 : vector<16xf32>
        %add3A_845 = arith.addf %add3A_803, %unpack3A_843 : vector<16xf32>
        scf.yield %add3A_814, %add3A_824, %add3A_834, %add3A_844, %add3A_815, %add3A_825, %add3A_835, %add3A_845 : vector<16xf32>, vector<16xf32>, vector<16xf32>, vector<16xf32>, vector<16xf32>, vector<16xf32>, vector<16xf32>, vector<16xf32>
      }
      %scan3A_731 = arith.constant 200 : i32
      %swap3A_732 = arith.constant 0 : index
      %swap3A_733 = tpu.vector_load %arg7[%swap3A_732] {strides = array<i32>} : memref<128xf32, #tpu.memory_space<vmem>>, vector<16xf32>,
      tpu.vector_store %arg7[%swap3A_732], %scan3A_730#0 {strides = array<i32>} : memref<128xf32, #tpu.memory_space<vmem>>, vector<16xf32>,
      %swap3A_734 = arith.constant 16 : index
      %swap3A_735 = tpu.vector_load %arg7[%swap3A_734] {strides = array<i32>} : memref<128xf32, #tpu.memory_space<vmem>>, vector<16xf32>,
      tpu.vector_store %arg7[%swap3A_734], %scan3A_730#1 {strides = array<i32>} : memref<128xf32, #tpu.memory_space<vmem>>, vector<16xf32>,
      %swap3A_736 = arith.constant 32 : index
      %swap3A_737 = tpu.vector_load %arg7[%swap3A_736] {strides = array<i32>} : memref<128xf32, #tpu.memory_space<vmem>>, vector<16xf32>,
      tpu.vector_store %arg7[%swap3A_736], %scan3A_730#2 {strides = array<i32>} : memref<128xf32, #tpu.memory_space<vmem>>, vector<16xf32>,
      %swap3A_738 = arith.constant 48 : index
      %swap3A_739 = tpu.vector_load %arg7[%swap3A_738] {strides = array<i32>} : memref<128xf32, #tpu.memory_space<vmem>>, vector<16xf32>,
      tpu.vector_store %arg7[%swap3A_738], %scan3A_730#3 {strides = array<i32>} : memref<128xf32, #tpu.memory_space<vmem>>, vector<16xf32>,
      %swap3A_740 = arith.constant 64 : index
      %swap3A_741 = tpu.vector_load %arg7[%swap3A_740] {strides = array<i32>} : memref<128xf32, #tpu.memory_space<vmem>>, vector<16xf32>,
      tpu.vector_store %arg7[%swap3A_740], %scan3A_730#4 {strides = array<i32>} : memref<128xf32, #tpu.memory_space<vmem>>, vector<16xf32>,
      %swap3A_742 = arith.constant 80 : index
      %swap3A_743 = tpu.vector_load %arg7[%swap3A_742] {strides = array<i32>} : memref<128xf32, #tpu.memory_space<vmem>>, vector<16xf32>,
      tpu.vector_store %arg7[%swap3A_742], %scan3A_730#5 {strides = array<i32>} : memref<128xf32, #tpu.memory_space<vmem>>, vector<16xf32>,
      %swap3A_744 = arith.constant 96 : index
      %swap3A_745 = tpu.vector_load %arg7[%swap3A_744] {strides = array<i32>} : memref<128xf32, #tpu.memory_space<vmem>>, vector<16xf32>,
      tpu.vector_store %arg7[%swap3A_744], %scan3A_730#6 {strides = array<i32>} : memref<128xf32, #tpu.memory_space<vmem>>, vector<16xf32>,
      %swap3A_746 = arith.constant 112 : index
      %swap3A_747 = tpu.vector_load %arg7[%swap3A_746] {strides = array<i32>} : memref<128xf32, #tpu.memory_space<vmem>>, vector<16xf32>,
      tpu.vector_store %arg7[%swap3A_746], %scan3A_730#7 {strides = array<i32>} : memref<128xf32, #tpu.memory_space<vmem>>, vector<16xf32>,
      %add3A_748 = arith.addi %mul3A_2, %add3A_685 : i32
      "tpu.region"() ({
        %run_scoped3A = tpu.sem_alloc : memref<!tpu.dma_semaphore, #tpu.memory_space<semaphore_mem>>
        %dma_start3A_758 = arith.constant 0 : i32
        %dma_start3A_759 = tpu.memref_slice %arg4[%add3A_748, %dma_start3A_758] : memref<4096x128xf32, #tpu.memory_space<hbm>> -> memref<1x128xf32, #tpu.memory_space<hbm>>
        %dma_start3A_760 = tpu.memref_squeeze %dma_start3A_759 : memref<1x128xf32, #tpu.memory_space<hbm>> -> memref<128xf32, #tpu.memory_space<hbm>>
        %dma_start3A_761 = arith.constant 0 : i32
        %dma_start3A_762 = tpu.memref_slice %arg4[%add3A_748, %dma_start3A_761] : memref<4096x128xf32, #tpu.memory_space<hbm>> -> memref<1x128xf32, #tpu.memory_space<hbm>>
        %dma_start3A_763 = tpu.memref_squeeze %dma_start3A_762 : memref<1x128xf32, #tpu.memory_space<hbm>> -> memref<128xf32, #tpu.memory_space<hbm>>
        tpu.enqueue_dma source(%arg7 : memref<128xf32, #tpu.memory_space<vmem>>) target(%dma_start3A_763 : memref<128xf32, #tpu.memory_space<hbm>>) target_semaphore(%run_scoped3A : memref<!tpu.dma_semaphore, #tpu.memory_space<semaphore_mem>>)
        %dma_wait3A_764 = arith.constant 0 : i32
        %dma_wait3A_765 = tpu.memref_slice %arg4[%add3A_748, %dma_wait3A_764] : memref<4096x128xf32, #tpu.memory_space<hbm>> -> memref<1x128xf32, #tpu.memory_space<hbm>>
        %dma_wait3A_766 = tpu.memref_squeeze %dma_wait3A_765 : memref<1x128xf32, #tpu.memory_space<hbm>> -> memref<128xf32, #tpu.memory_space<hbm>>
        %dma_wait3A_767 = arith.constant 0 : i32
        %dma_wait3A_768 = tpu.memref_slice %arg4[%add3A_748, %dma_wait3A_767] : memref<4096x128xf32, #tpu.memory_space<hbm>> -> memref<1x128xf32, #tpu.memory_space<hbm>>
        %dma_wait3A_769 = tpu.memref_squeeze %dma_wait3A_768 : memref<1x128xf32, #tpu.memory_space<hbm>> -> memref<128xf32, #tpu.memory_space<hbm>>
        tpu.wait_dma2 semaphore(%run_scoped3A : memref<!tpu.dma_semaphore, #tpu.memory_space<semaphore_mem>>) src(%arg7 : memref<128xf32, #tpu.memory_space<vmem>>) dst(%dma_wait3A_769 : memref<128xf32, #tpu.memory_space<hbm>>)
        tpu.yield
      }) : () -> ()
      %add3A_749 = arith.constant 7 : i32
      %add3A_750 = arith.addi %mul3A_171, %add3A_749 : i32
      %add3A_751 = arith.constant 8 : i32
      %add3A_752 = arith.addi %add3A_750, %add3A_751 : i32
      %lt3A_753 = arith.constant 128 : i32
      %lt3A_754 = arith.cmpi slt, %add3A_752, %lt3A_753 : i32
      %convert_element_type3A_755 = arith.extui %lt3A_754 : i1 to i32
      %cond3A_756 = arith.constant 0 : i32
      %cond3A_757 = arith.cmpi ne, %convert_element_type3A_755, %cond3A_756 : i32
      scf.if %cond3A_757 {
        %add3A_758 = arith.constant 7 : i32
        %add3A_759 = arith.addi %mul3A_171, %add3A_758 : i32
        %add3A_760 = arith.constant 8 : i32
        %add3A_761 = arith.addi %add3A_759, %add3A_760 : i32
        %mul3A_762 = arith.constant 200 : i32
        %mul3A_763 = arith.muli %add3A_761, %mul3A_762 : i32
        %mul3A_764 = arith.constant 200 : i32
        %mul3A_765 = arith.muli %add3A_761, %mul3A_764 : i32
        %add3A_766 = arith.constant 128 : i32
        %add3A_767 = arith.addi %mul3A_765, %add3A_766 : i32
        %dma_start3A_768 = arith.constant 7 : i32
        %dma_start3A_769 = arith.constant 0 : i32
        %dma_start3A_770 = arith.constant 0 : i32
        %dma_start3A_771 = tpu.memref_slice %arg6[%dma_start3A_768, %dma_start3A_769, %dma_start3A_770] : memref<8x200x64xf32, #tpu.memory_space<vmem>> -> memref<1x128x64xf32, #tpu.memory_space<vmem>>
        %dma_start3A_772 = tpu.memref_squeeze %dma_start3A_771 : memref<1x128x64xf32, #tpu.memory_space<vmem>> -> memref<128x64xf32, #tpu.memory_space<vmem>>
        %dma_start3A_773 = tpu.memref_slice %arg5[%mul3A_763] : memref<25600xi32, #tpu.memory_space<vmem>> -> memref<128xi32, #tpu.memory_space<vmem>>
        %dma_start3A_774 = arith.constant 0 : i32
        %dma_start3A_775 = arith.constant 0 : i32
        %dma_start3A_776 = tpu.memref_slice %arg2[%dma_start3A_774, %dma_start3A_775] : memref<200000x64xf32, #tpu.memory_space<hbm>> -> memref<200000x64xf32, #tpu.memory_space<hbm>>
        tpu.enqueue_indirect_dma source(%dma_start3A_776 : memref<200000x64xf32, #tpu.memory_space<hbm>>) target(%dma_start3A_772 : memref<128x64xf32, #tpu.memory_space<vmem>>) offsets(%dma_start3A_773 : memref<128xi32, #tpu.memory_space<vmem>>) semaphore(%arg15 : memref<!tpu.dma_semaphore, #tpu.memory_space<semaphore_mem>>)
        %dma_start3A_777 = arith.constant 7 : i32
        %dma_start3A_778 = arith.constant 128 : i32
        %dma_start3A_779 = arith.constant 0 : i32
        %dma_start3A_780 = tpu.memref_slice %arg6[%dma_start3A_777, %dma_start3A_778, %dma_start3A_779] : memref<8x200x64xf32, #tpu.memory_space<vmem>> -> memref<1x72x64xf32, #tpu.memory_space<vmem>>
        %dma_start3A_781 = tpu.memref_squeeze %dma_start3A_780 : memref<1x72x64xf32, #tpu.memory_space<vmem>> -> memref<72x64xf32, #tpu.memory_space<vmem>>
        %dma_start3A_782 = tpu.memref_slice %arg5[%add3A_767] : memref<25600xi32, #tpu.memory_space<vmem>> -> memref<72xi32, #tpu.memory_space<vmem>>
        %dma_start3A_783 = arith.constant 0 : i32
        %dma_start3A_784 = arith.constant 0 : i32
        %dma_start3A_785 = tpu.memref_slice %arg2[%dma_start3A_783, %dma_start3A_784] : memref<200000x64xf32, #tpu.memory_space<hbm>> -> memref<200000x64xf32, #tpu.memory_space<hbm>>
        tpu.enqueue_indirect_dma source(%dma_start3A_785 : memref<200000x64xf32, #tpu.memory_space<hbm>>) target(%dma_start3A_781 : memref<72x64xf32, #tpu.memory_space<vmem>>) offsets(%dma_start3A_782 : memref<72xi32, #tpu.memory_space<vmem>>) semaphore(%arg15 : memref<!tpu.dma_semaphore, #tpu.memory_space<semaphore_mem>>)
      } else {
      }
    }
    %scan3A_168 = arith.constant 16 : i32
    return
  }
}

module attributes {stable_mosaic.version = 14 : i64} {
  func.func @_item_tower_body(%arg0: i32, %arg1: memref<6400x128xf32, #tpu.memory_space<vmem>>, %arg2: memref<64x6400xf32, #tpu.memory_space<vmem>>, %arg3: memref<128x256xbf16, #tpu.memory_space<vmem>>, %arg4: memref<64x256xbf16, #tpu.memory_space<vmem>>, %arg5: memref<1x256xf32, #tpu.memory_space<vmem>>, %arg6: memref<256x128xbf16, #tpu.memory_space<vmem>>, %arg7: memref<1x128xf32, #tpu.memory_space<vmem>>, %arg8: memref<6400x128xf32, #tpu.memory_space<vmem>>) attributes {dimension_semantics = [#tpu.dimension_semantics<arbitrary>], iteration_bounds = array<i64: 16>, scalar_prefetch = 0 : i64, scratch_operands = 0 : i64, tpu.core_type = #tpu.core_type<tc>, window_params = [{transform_indices = @transform_0, window_bounds = array<i64: 6400, 128>}, {transform_indices = @transform_1, window_bounds = array<i64: 64, 6400>}, {pipeline_mode = #tpu.pipeline_mode<synchronous>, transform_indices = @transform_2, window_bounds = array<i64: 128, 256>}, {pipeline_mode = #tpu.pipeline_mode<synchronous>, transform_indices = @transform_3, window_bounds = array<i64: 64, 256>}, {pipeline_mode = #tpu.pipeline_mode<synchronous>, transform_indices = @transform_4, window_bounds = array<i64: 1, 256>}, {pipeline_mode = #tpu.pipeline_mode<synchronous>, transform_indices = @transform_5, window_bounds = array<i64: 256, 128>}, {pipeline_mode = #tpu.pipeline_mode<synchronous>, transform_indices = @transform_6, window_bounds = array<i64: 1, 128>}, {transform_indices = @transform_7, window_bounds = array<i64: 6400, 128>}]} {
    %get3A = arith.constant 0 : index
    %get3A_0 = arith.constant 0 : index
    %get3A_1 = vector.load %arg1[%get3A, %get3A_0] : memref<6400x128xf32, #tpu.memory_space<vmem>>, vector<6400x128xf32>
    %convert_element_type3A = arith.truncf %get3A_1 : vector<6400x128xf32> to vector<6400x128xbf16>
    %get3A_2 = arith.constant 0 : index
    %get3A_3 = arith.constant 0 : index
    %get3A_4 = vector.load %arg2[%get3A_2, %get3A_3] : memref<64x6400xf32, #tpu.memory_space<vmem>>, vector<64x6400xf32>
    %convert_element_type3A_5 = arith.truncf %get3A_4 : vector<64x6400xf32> to vector<64x6400xbf16>
    %get3A_6 = arith.constant 0 : index
    %get3A_7 = arith.constant 0 : index
    %get3A_8 = vector.load %arg3[%get3A_6, %get3A_7] : memref<128x256xbf16, #tpu.memory_space<vmem>>, vector<128x256xbf16>
    %dot_general3A = arith.constant dense<0.000000e+00> : vector<6400x256xf32>
    %dot_general3A_9 = tpu.matmul %convert_element_type3A, %get3A_8, %dot_general3A {dimension_numbers = #tpu.dot_dimension_numbers<[1], [0], [0], [1], [0, 0, 1, 1], [], []>, transpose_lhs_hint = false} : vector<6400x128xbf16>, vector<128x256xbf16>, vector<6400x256xf32> -> vector<6400x256xf32>
    %get3A_10 = arith.constant 0 : index
    %get3A_11 = arith.constant 0 : index
    %get3A_12 = vector.load %arg4[%get3A_10, %get3A_11] : memref<64x256xbf16, #tpu.memory_space<vmem>>, vector<64x256xbf16>
    %dot_general3A_13 = arith.constant dense<0.000000e+00> : vector<6400x256xf32>
    %dot_general3A_14 = tpu.matmul %convert_element_type3A_5, %get3A_12, %dot_general3A_13 {dimension_numbers = #tpu.dot_dimension_numbers<[0], [0], [1], [1], [0, 1, 1, 1], [], []>, transpose_lhs_hint = false} : vector<64x6400xbf16>, vector<64x256xbf16>, vector<6400x256xf32> -> vector<6400x256xf32>
    %add3A = arith.addf %dot_general3A_9, %dot_general3A_14 : vector<6400x256xf32>
    %get3A_15 = arith.constant 0 : index
    %get3A_16 = arith.constant 0 : index
    %get3A_17 = vector.load %arg5[%get3A_15, %get3A_16] : memref<1x256xf32, #tpu.memory_space<vmem>>, vector<1x256xf32>
    %add3A_18 = vector.broadcast %get3A_17 : vector<1x256xf32> to vector<6400x256xf32>
    %add3A_19 = arith.addf %add3A, %add3A_18 : vector<6400x256xf32>
    %max3A = arith.constant 0.000000e+00 : f32
    %max3A_20 = vector.broadcast %max3A : f32 to vector<6400x256xf32>
    %max3A_21 = arith.maximumf %add3A_19, %max3A_20 : vector<6400x256xf32>
    %convert_element_type3A_22 = arith.truncf %max3A_21 : vector<6400x256xf32> to vector<6400x256xbf16>
    %get3A_23 = arith.constant 0 : index
    %get3A_24 = arith.constant 0 : index
    %get3A_25 = vector.load %arg6[%get3A_23, %get3A_24] : memref<256x128xbf16, #tpu.memory_space<vmem>>, vector<256x128xbf16>
    %dot_general3A_26 = arith.constant dense<0.000000e+00> : vector<6400x128xf32>
    %dot_general3A_27 = tpu.matmul %convert_element_type3A_22, %get3A_25, %dot_general3A_26 {dimension_numbers = #tpu.dot_dimension_numbers<[1], [0], [0], [1], [0, 0, 1, 1], [], []>, transpose_lhs_hint = false} : vector<6400x256xbf16>, vector<256x128xbf16>, vector<6400x128xf32> -> vector<6400x128xf32>
    %get3A_28 = arith.constant 0 : index
    %get3A_29 = arith.constant 0 : index
    %get3A_30 = vector.load %arg7[%get3A_28, %get3A_29] : memref<1x128xf32, #tpu.memory_space<vmem>>, vector<1x128xf32>
    %add3A_31 = vector.broadcast %get3A_30 : vector<1x128xf32> to vector<6400x128xf32>
    %add3A_32 = arith.addf %dot_general3A_27, %add3A_31 : vector<6400x128xf32>
    %convert_element_type3A_33 = arith.truncf %add3A_32 : vector<6400x128xf32> to vector<6400x128xbf16>
    %mul3A = arith.mulf %convert_element_type3A_33, %convert_element_type3A_33 : vector<6400x128xbf16>
    %broadcast_in_dim3A = arith.constant 1.000000e+00 : bf16
    %broadcast_in_dim3A_34 = vector.broadcast %broadcast_in_dim3A : bf16 to vector<128x1xbf16>
    %dot_general3A_35 = arith.constant dense<0.000000e+00> : vector<6400x1xf32>
    %dot_general3A_36 = tpu.matmul %mul3A, %broadcast_in_dim3A_34, %dot_general3A_35 {dimension_numbers = #tpu.dot_dimension_numbers<[1], [0], [0], [1], [0, 0, 1, 1], [], []>, transpose_lhs_hint = false} : vector<6400x128xbf16>, vector<128x1xbf16>, vector<6400x1xf32> -> vector<6400x1xf32>
    %max3A_37 = arith.constant 1.000000e-24 : f32
    %max3A_38 = vector.broadcast %max3A_37 : f32 to vector<6400x1xf32>
    %max3A_39 = arith.maximumf %dot_general3A_36, %max3A_38 : vector<6400x1xf32>
    %rsqrt3A = math.rsqrt %max3A_39 : vector<6400x1xf32>
    %convert_element_type3A_40 = arith.truncf %rsqrt3A : vector<6400x1xf32> to vector<6400x1xbf16>
    %mul3A_41 = vector.broadcast %convert_element_type3A_40 : vector<6400x1xbf16> to vector<6400x128xbf16>
    %mul3A_42 = arith.mulf %convert_element_type3A_33, %mul3A_41 : vector<6400x128xbf16>
    %slice3A = vector.extract_strided_slice %mul3A_42 {offsets = [0, 0], sizes = [6400, 64], strides = [1, 1]} : vector<6400x128xbf16> to vector<6400x64xbf16>
    %convert_element_type3A_43 = arith.extf %slice3A : vector<6400x64xbf16> to vector<6400x64xf32>
    %bitcast_convert_type3A = tpu.bitcast %convert_element_type3A_43 : vector<6400x64xf32> -> vector<6400x64xi32>
    %slice3A_44 = vector.extract_strided_slice %mul3A_42 {offsets = [0, 64], sizes = [6400, 64], strides = [1, 1]} : vector<6400x128xbf16> to vector<6400x64xbf16>
    %convert_element_type3A_45 = arith.extf %slice3A_44 : vector<6400x64xbf16> to vector<6400x64xf32>
    %bitcast_convert_type3A_46 = tpu.bitcast %convert_element_type3A_45 : vector<6400x64xf32> -> vector<6400x64xi32>
    %shift_right_logical3A = arith.constant 16 : i32
    %shift_right_logical3A_47 = vector.broadcast %shift_right_logical3A : i32 to vector<6400x64xi32>
    %shift_right_logical3A_48 = arith.shrui %bitcast_convert_type3A, %shift_right_logical3A_47 : vector<6400x64xi32>
    %or3A = arith.ori %shift_right_logical3A_48, %bitcast_convert_type3A_46 : vector<6400x64xi32>
    %bitcast_convert_type3A_49 = tpu.bitcast %or3A : vector<6400x64xi32> -> vector<6400x64xf32>
    %swap3A = arith.constant 0 : index
    %swap3A_50 = arith.constant 0 : index
    %swap3A_51 = vector.load %arg8[%swap3A, %swap3A_50] : memref<6400x128xf32, #tpu.memory_space<vmem>>, vector<6400x64xf32>
    tpu.vector_store %arg8[%swap3A, %swap3A_50], %bitcast_convert_type3A_49 {strides = array<i32>} : memref<6400x128xf32, #tpu.memory_space<vmem>>, vector<6400x64xf32>,
    return
  }
  func.func @transform_0(%arg0: i32) -> (i32, i32) {
    %c0_i32 = arith.constant 0 : i32
    %c0_i32_0 = arith.constant 0 : i32
    return %arg0, %c0_i32 : i32, i32
  }
  func.func @transform_1(%arg0: i32) -> (i32, i32) {
    %c0_i32 = arith.constant 0 : i32
    %c0_i32_0 = arith.constant 0 : i32
    return %c0_i32, %arg0 : i32, i32
  }
  func.func @transform_2(%arg0: i32) -> (i32, i32) {
    %c0_i32 = arith.constant 0 : i32
    %c0_i32_0 = arith.constant 0 : i32
    %c0_i32_1 = arith.constant 0 : i32
    return %c0_i32, %c0_i32_0 : i32, i32
  }
  func.func @transform_3(%arg0: i32) -> (i32, i32) {
    %c0_i32 = arith.constant 0 : i32
    %c0_i32_0 = arith.constant 0 : i32
    %c0_i32_1 = arith.constant 0 : i32
    return %c0_i32, %c0_i32_0 : i32, i32
  }
  func.func @transform_4(%arg0: i32) -> (i32, i32) {
    %c0_i32 = arith.constant 0 : i32
    %c0_i32_0 = arith.constant 0 : i32
    %c0_i32_1 = arith.constant 0 : i32
    return %c0_i32, %c0_i32_0 : i32, i32
  }
  func.func @transform_5(%arg0: i32) -> (i32, i32) {
    %c0_i32 = arith.constant 0 : i32
    %c0_i32_0 = arith.constant 0 : i32
    %c0_i32_1 = arith.constant 0 : i32
    return %c0_i32, %c0_i32_0 : i32, i32
  }
  func.func @transform_6(%arg0: i32) -> (i32, i32) {
    %c0_i32 = arith.constant 0 : i32
    %c0_i32_0 = arith.constant 0 : i32
    %c0_i32_1 = arith.constant 0 : i32
    return %c0_i32, %c0_i32_0 : i32, i32
  }
  func.func @transform_7(%arg0: i32) -> (i32, i32) {
    %c0_i32 = arith.constant 0 : i32
    %c0_i32_0 = arith.constant 0 : i32
    return %arg0, %c0_i32 : i32, i32
  }
}

module attributes {stable_mosaic.version = 14 : i64} {
  func.func @_user_pre_body(%arg0: i32, %arg1: memref<64x12800xf32, #tpu.memory_space<vmem>>, %arg2: memref<64x256xbf16, #tpu.memory_space<vmem>>, %arg3: memref<1x256xf32, #tpu.memory_space<vmem>>, %arg4: memref<12800x128xf32, #tpu.memory_space<vmem>>) attributes {dimension_semantics = [#tpu.dimension_semantics<arbitrary>], iteration_bounds = array<i64: 8>, scalar_prefetch = 0 : i64, scratch_operands = 0 : i64, tpu.core_type = #tpu.core_type<tc>, window_params = [{transform_indices = @transform_0, window_bounds = array<i64: 64, 12800>}, {pipeline_mode = #tpu.pipeline_mode<synchronous>, transform_indices = @transform_1, window_bounds = array<i64: 64, 256>}, {pipeline_mode = #tpu.pipeline_mode<synchronous>, transform_indices = @transform_2, window_bounds = array<i64: 1, 256>}, {transform_indices = @transform_3, window_bounds = array<i64: 12800, 128>}]} {
    %get3A = arith.constant 0 : index
    %get3A_0 = arith.constant 0 : index
    %get3A_1 = vector.load %arg1[%get3A, %get3A_0] : memref<64x12800xf32, #tpu.memory_space<vmem>>, vector<64x12800xf32>
    %convert_element_type3A = arith.truncf %get3A_1 : vector<64x12800xf32> to vector<64x12800xbf16>
    %get3A_2 = arith.constant 0 : index
    %get3A_3 = arith.constant 0 : index
    %get3A_4 = vector.load %arg2[%get3A_2, %get3A_3] : memref<64x256xbf16, #tpu.memory_space<vmem>>, vector<64x256xbf16>
    %dot_general3A = arith.constant dense<0.000000e+00> : vector<12800x256xf32>
    %dot_general3A_5 = tpu.matmul %convert_element_type3A, %get3A_4, %dot_general3A {dimension_numbers = #tpu.dot_dimension_numbers<[0], [0], [1], [1], [0, 1, 1, 1], [], []>, transpose_lhs_hint = false} : vector<64x12800xbf16>, vector<64x256xbf16>, vector<12800x256xf32> -> vector<12800x256xf32>
    %get3A_6 = arith.constant 0 : index
    %get3A_7 = arith.constant 0 : index
    %get3A_8 = vector.load %arg3[%get3A_6, %get3A_7] : memref<1x256xf32, #tpu.memory_space<vmem>>, vector<1x256xf32>
    %add3A = vector.broadcast %get3A_8 : vector<1x256xf32> to vector<12800x256xf32>
    %add3A_9 = arith.addf %dot_general3A_5, %add3A : vector<12800x256xf32>
    %convert_element_type3A_10 = arith.truncf %add3A_9 : vector<12800x256xf32> to vector<12800x256xbf16>
    %bitcast_convert_type3A = tpu.bitcast %convert_element_type3A_10 : vector<12800x256xbf16> -> vector<12800x256xi16>
    %slice3A = vector.extract_strided_slice %bitcast_convert_type3A {offsets = [0, 0], sizes = [12800, 128], strides = [1, 1]} : vector<12800x256xi16> to vector<12800x128xi16>
    %convert_element_type3A_11 = arith.extui %slice3A : vector<12800x128xi16> to vector<12800x128xi32>
    %slice3A_12 = vector.extract_strided_slice %bitcast_convert_type3A {offsets = [0, 128], sizes = [12800, 128], strides = [1, 1]} : vector<12800x256xi16> to vector<12800x128xi16>
    %convert_element_type3A_13 = arith.extui %slice3A_12 : vector<12800x128xi16> to vector<12800x128xi32>
    %shift_left3A = arith.constant 16 : i32
    %shift_left3A_14 = vector.broadcast %shift_left3A : i32 to vector<12800x128xi32>
    %shift_left3A_15 = arith.shli %convert_element_type3A_13, %shift_left3A_14 : vector<12800x128xi32>
    %or3A = arith.ori %convert_element_type3A_11, %shift_left3A_15 : vector<12800x128xi32>
    %bitcast_convert_type3A_16 = tpu.bitcast %or3A : vector<12800x128xi32> -> vector<12800x128xf32>
    %swap3A = arith.constant 0 : index
    %swap3A_17 = arith.constant 0 : index
    %swap3A_18 = vector.load %arg4[%swap3A, %swap3A_17] : memref<12800x128xf32, #tpu.memory_space<vmem>>, vector<12800x128xf32>
    tpu.vector_store %arg4[%swap3A, %swap3A_17], %bitcast_convert_type3A_16 {strides = array<i32>} : memref<12800x128xf32, #tpu.memory_space<vmem>>, vector<12800x128xf32>,
    return
  }
  func.func @transform_0(%arg0: i32) -> (i32, i32) {
    %c0_i32 = arith.constant 0 : i32
    %c0_i32_0 = arith.constant 0 : i32
    return %c0_i32, %arg0 : i32, i32
  }
  func.func @transform_1(%arg0: i32) -> (i32, i32) {
    %c0_i32 = arith.constant 0 : i32
    %c0_i32_0 = arith.constant 0 : i32
    %c0_i32_1 = arith.constant 0 : i32
    return %c0_i32, %c0_i32_0 : i32, i32
  }
  func.func @transform_2(%arg0: i32) -> (i32, i32) {
    %c0_i32 = arith.constant 0 : i32
    %c0_i32_0 = arith.constant 0 : i32
    %c0_i32_1 = arith.constant 0 : i32
    return %c0_i32, %c0_i32_0 : i32, i32
  }
  func.func @transform_3(%arg0: i32) -> (i32, i32) {
    %c0_i32 = arith.constant 0 : i32
    %c0_i32_0 = arith.constant 0 : i32
    return %arg0, %c0_i32 : i32, i32
  }
}

module attributes {stable_mosaic.version = 14 : i64} {
  func.func @_user_tower_body(%arg0: i32, %arg1: memref<2048x128xf32, #tpu.memory_space<vmem>>, %arg2: memref<2048x128xf32, #tpu.memory_space<vmem>>, %arg3: memref<128x256xf32, #tpu.memory_space<vmem>>, %arg4: memref<256x128xf32, #tpu.memory_space<vmem>>, %arg5: memref<1x128xf32, #tpu.memory_space<vmem>>, %arg6: memref<2048x128xf32, #tpu.memory_space<vmem>>) attributes {dimension_semantics = [#tpu.dimension_semantics<arbitrary>], iteration_bounds = array<i64: 2>, scalar_prefetch = 0 : i64, scratch_operands = 0 : i64, tpu.core_type = #tpu.core_type<tc>, window_params = [{transform_indices = @transform_0, window_bounds = array<i64: 2048, 128>}, {transform_indices = @transform_1, window_bounds = array<i64: 2048, 128>}, {pipeline_mode = #tpu.pipeline_mode<synchronous>, transform_indices = @transform_2, window_bounds = array<i64: 128, 256>}, {pipeline_mode = #tpu.pipeline_mode<synchronous>, transform_indices = @transform_3, window_bounds = array<i64: 256, 128>}, {pipeline_mode = #tpu.pipeline_mode<synchronous>, transform_indices = @transform_4, window_bounds = array<i64: 1, 128>}, {transform_indices = @transform_5, window_bounds = array<i64: 2048, 128>}]} {
    %get3A = arith.constant 0 : index
    %get3A_0 = arith.constant 0 : index
    %get3A_1 = vector.load %arg1[%get3A, %get3A_0] : memref<2048x128xf32, #tpu.memory_space<vmem>>, vector<2048x128xf32>
    %bitcast_convert_type3A = tpu.bitcast %get3A_1 : vector<2048x128xf32> -> vector<2048x128xi32>
    %and3A = arith.constant 65535 : i32
    %and3A_2 = vector.broadcast %and3A : i32 to vector<2048x128xi32>
    %and3A_3 = arith.andi %bitcast_convert_type3A, %and3A_2 : vector<2048x128xi32>
    %shift_left3A = arith.constant 16 : i32
    %shift_left3A_4 = vector.broadcast %shift_left3A : i32 to vector<2048x128xi32>
    %shift_left3A_5 = arith.shli %and3A_3, %shift_left3A_4 : vector<2048x128xi32>
    %bitcast_convert_type3A_6 = tpu.bitcast %shift_left3A_5 : vector<2048x128xi32> -> vector<2048x128xf32>
    %and3A_7 = arith.constant -65536 : i32
    %and3A_8 = vector.broadcast %and3A_7 : i32 to vector<2048x128xi32>
    %and3A_9 = arith.andi %bitcast_convert_type3A, %and3A_8 : vector<2048x128xi32>
    %bitcast_convert_type3A_10 = tpu.bitcast %and3A_9 : vector<2048x128xi32> -> vector<2048x128xf32>
    %get3A_11 = arith.constant 0 : index
    %get3A_12 = arith.constant 0 : index
    %get3A_13 = vector.load %arg2[%get3A_11, %get3A_12] : memref<2048x128xf32, #tpu.memory_space<vmem>>, vector<2048x128xf32>
    %get3A_14 = arith.constant 0 : index
    %get3A_15 = arith.constant 0 : index
    %get3A_16 = vector.load %arg3[%get3A_14, %get3A_15] : memref<128x256xf32, #tpu.memory_space<vmem>>, vector<128x256xf32>
    %dot_general3A = arith.constant dense<0.000000e+00> : vector<2048x256xf32>
    %dot_general3A_17 = tpu.matmul %get3A_13, %get3A_16, %dot_general3A {dimension_numbers = #tpu.dot_dimension_numbers<[1], [0], [0], [1], [0, 0, 1, 1], [], []>, transpose_lhs_hint = false} : vector<2048x128xf32>, vector<128x256xf32>, vector<2048x256xf32> -> vector<2048x256xf32>
    %slice3A = vector.extract_strided_slice %dot_general3A_17 {offsets = [0, 0], sizes = [2048, 128], strides = [1, 1]} : vector<2048x256xf32> to vector<2048x128xf32>
    %add3A = arith.addf %bitcast_convert_type3A_6, %slice3A : vector<2048x128xf32>
    %max3A = arith.constant 0.000000e+00 : f32
    %max3A_18 = vector.broadcast %max3A : f32 to vector<2048x128xf32>
    %max3A_19 = arith.maximumf %add3A, %max3A_18 : vector<2048x128xf32>
    %convert_element_type3A = arith.truncf %max3A_19 : vector<2048x128xf32> to vector<2048x128xbf16>
    %slice3A_20 = vector.extract_strided_slice %dot_general3A_17 {offsets = [0, 128], sizes = [2048, 128], strides = [1, 1]} : vector<2048x256xf32> to vector<2048x128xf32>
    %add3A_21 = arith.addf %bitcast_convert_type3A_10, %slice3A_20 : vector<2048x128xf32>
    %max3A_22 = arith.constant 0.000000e+00 : f32
    %max3A_23 = vector.broadcast %max3A_22 : f32 to vector<2048x128xf32>
    %max3A_24 = arith.maximumf %add3A_21, %max3A_23 : vector<2048x128xf32>
    %convert_element_type3A_25 = arith.truncf %max3A_24 : vector<2048x128xf32> to vector<2048x128xbf16>
    %get3A_26 = arith.constant 0 : index
    %get3A_27 = arith.constant 0 : index
    %get3A_28 = vector.load %arg4[%get3A_26, %get3A_27] : memref<256x128xf32, #tpu.memory_space<vmem>>, vector<128x128xf32>
    %dot_general3A_29 = arith.constant dense<0.000000e+00> : vector<2048x128xf32>
    %dot_general3A_30 = tpu.matmul %convert_element_type3A, %get3A_28, %dot_general3A_29 {dimension_numbers = #tpu.dot_dimension_numbers<[1], [0], [0], [1], [0, 0, 1, 1], [], []>, transpose_lhs_hint = false} : vector<2048x128xbf16>, vector<128x128xf32>, vector<2048x128xf32> -> vector<2048x128xf32>
    %get3A_31 = arith.constant 128 : index
    %get3A_32 = arith.constant 0 : index
    %get3A_33 = vector.load %arg4[%get3A_31, %get3A_32] : memref<256x128xf32, #tpu.memory_space<vmem>>, vector<128x128xf32>
    %dot_general3A_34 = arith.constant dense<0.000000e+00> : vector<2048x128xf32>
    %dot_general3A_35 = tpu.matmul %convert_element_type3A_25, %get3A_33, %dot_general3A_34 {dimension_numbers = #tpu.dot_dimension_numbers<[1], [0], [0], [1], [0, 0, 1, 1], [], []>, transpose_lhs_hint = false} : vector<2048x128xbf16>, vector<128x128xf32>, vector<2048x128xf32> -> vector<2048x128xf32>
    %add3A_36 = arith.addf %dot_general3A_30, %dot_general3A_35 : vector<2048x128xf32>
    %get3A_37 = arith.constant 0 : index
    %get3A_38 = arith.constant 0 : index
    %get3A_39 = vector.load %arg5[%get3A_37, %get3A_38] : memref<1x128xf32, #tpu.memory_space<vmem>>, vector<1x128xf32>
    %add3A_40 = vector.broadcast %get3A_39 : vector<1x128xf32> to vector<2048x128xf32>
    %add3A_41 = arith.addf %add3A_36, %add3A_40 : vector<2048x128xf32>
    %mul3A = arith.mulf %add3A_41, %add3A_41 : vector<2048x128xf32>
    %reduce_sum3A = arith.constant dense<0.000000e+00> : vector<2048xf32>
    %reduce_sum3A_42 = vector.multi_reduction <add>, %mul3A, %reduce_sum3A [1] : vector<2048x128xf32> to vector<2048xf32>
    %broadcast_in_dim3A = vector.shape_cast %reduce_sum3A_42 : vector<2048xf32> to vector<2048x1xf32>
    %sqrt3A = math.sqrt %broadcast_in_dim3A : vector<2048x1xf32>
    %max3A_43 = arith.constant 9.99999996E-13 : f32
    %max3A_44 = vector.broadcast %max3A_43 : f32 to vector<2048x1xf32>
    %max3A_45 = arith.maximumf %sqrt3A, %max3A_44 : vector<2048x1xf32>
    %div3A = vector.broadcast %max3A_45 : vector<2048x1xf32> to vector<2048x128xf32>
    %div3A_46 = arith.divf %add3A_41, %div3A : vector<2048x128xf32>
    %swap3A = arith.constant 0 : index
    %swap3A_47 = arith.constant 0 : index
    %swap3A_48 = vector.load %arg6[%swap3A, %swap3A_47] : memref<2048x128xf32, #tpu.memory_space<vmem>>, vector<2048x128xf32>
    tpu.vector_store %arg6[%swap3A, %swap3A_47], %div3A_46 {strides = array<i32>} : memref<2048x128xf32, #tpu.memory_space<vmem>>, vector<2048x128xf32>,
    return
  }
  func.func @transform_0(%arg0: i32) -> (i32, i32) {
    %c0_i32 = arith.constant 0 : i32
    %c0_i32_0 = arith.constant 0 : i32
    return %arg0, %c0_i32 : i32, i32
  }
  func.func @transform_1(%arg0: i32) -> (i32, i32) {
    %c0_i32 = arith.constant 0 : i32
    %c0_i32_0 = arith.constant 0 : i32
    return %arg0, %c0_i32 : i32, i32
  }
  func.func @transform_2(%arg0: i32) -> (i32, i32) {
    %c0_i32 = arith.constant 0 : i32
    %c0_i32_0 = arith.constant 0 : i32
    %c0_i32_1 = arith.constant 0 : i32
    return %c0_i32, %c0_i32_0 : i32, i32
  }
  func.func @transform_3(%arg0: i32) -> (i32, i32) {
    %c0_i32 = arith.constant 0 : i32
    %c0_i32_0 = arith.constant 0 : i32
    %c0_i32_1 = arith.constant 0 : i32
    return %c0_i32, %c0_i32_0 : i32, i32
  }
  func.func @transform_4(%arg0: i32) -> (i32, i32) {
    %c0_i32 = arith.constant 0 : i32
    %c0_i32_0 = arith.constant 0 : i32
    %c0_i32_1 = arith.constant 0 : i32
    return %c0_i32, %c0_i32_0 : i32, i32
  }
  func.func @transform_5(%arg0: i32) -> (i32, i32) {
    %c0_i32 = arith.constant 0 : i32
    %c0_i32_0 = arith.constant 0 : i32
    return %arg0, %c0_i32 : i32, i32
  }
}

</mosaic_0001>

<sc_bundles>
// kernel: kernel.10.cloned.1.call-start
scs
__scs_entry_jumppad:
0x0: {  	(pc) =	sbr.rel $0x88, $3  }
0x1: {  	(tag) =	ssettag $0x0;
	lr =	simm.s32 $0x1  }
0x2: {  	[smem:$0x3F94] =	sst lr;
	_ =	strace $0xD0000000  }
0x3: {  	_ = 	snop  }
0x4: {  	_ = 	snop  }
0x5: {  	_ = 	snop  }
0x6: {  	_ = 	snop  }
0x7: {  	_ = 	snop  }
__scs_overlays_trampoline_lowered:
0x8: {  	[smem:$0x3FA3] =	sst s0  }
0x9: {  	[smem:$0x3FA4] =	sst s1  }
0xa: {  	[smem:$0x3FA5] =	sst s2  }
0xb: {  	[smem:$0x3FA6] =	sst s3  }
0xc: {  	[smem:$0x3FA7] =	sst s4  }
0xd: {  	[smem:$0x3FA8] =	sst s5  }
0xe: {  	[smem:$0x3FA9] =	sst s6  }
0xf: {  	[smem:$0x3FAA] =	sst s7  }
0x10: {  	[smem:$0x3FAB] =	sst s8  }
0x11: {  	[smem:$0x3FAC] =	sst s9;
	s0 =	simm.s32 @!p0 $0x0  }
0x12: {  	s1 =	sld [smem:$0x3F92];
	s0 =	simm.s32 @p0 $0x1  }
0x13: {  	[smem:$0x3FAD] =	sst s0;
	s0 =	simm.s32 @!p1 $0x0  }
0x14: {  	s2 =	sld [smem:$0x3F91];
	s0 =	simm.s32 @p1 $0x1  }
0x15: {  	[smem:$0x3FAE] =	sst s0;
	s0 =	simm.s32 @!p2 $0x0  }
0x16: {  	s3 =	sld [smem:$0x3FDB];
	s0 =	simm.s32 @p2 $0x1  }
0x17: {  	s4 =	simm.s32 $0x1BF5;
	[smem:$0x3FB0] =	sst s0  }
0x18: {  	s0 =	sld [smem:$0x3F93];
	_ =	swait.ge [sflag:s4], $0x0  }
0x19: {  	s7 =	sld [smem:$0x3F94]  }
0x1a: {  	s8 =	sadd.s32 $0xFFFFE003, lr  }
0x1b: {  	s9 =	sadd.s32 $0xFFFFFEF7, lr;
	s5 =	simm.s32 $0xFFFFFFFF;
	p2 =	slt.u32 s8, $0xFFFFF086  }
0x1c: {  	p1 =	slt.u32 s9, $0xF7A;
	s5 =	simm.s32 @!p2 $0x0  }
0x1d: {  	s5 =	simm.s32 @p1 $0x1;
	p0 =	seq.s32 s7, s2  }
0x1e: {  	s7 =	smul.u32 @!p0 $0xF7A, s2;
	p2 =	seq.s32 @!p0 s5, $0x0  }
0x1f: {  	s9 =	smul.u32 $0xF7A, s1;
	s8 =	simm.s32 @!p0 $0x1BF5;
	p2 =	por !p2, p0  }
0x20: {  	[sflag:s8] =	ssyncset.s32 @!p0 $0xFFFFF086;
	s6 =	sadd.s32 @!p0 s3, s7;
	s7 =	simm.s32 @!p0 $0x108  }
0x21: {  	s3 =	sadd.s32 s3, s9;
	s6 =	sadd.s32 @!p0 $0x88, s6;
	s7 =	simm.s32 @p2 $0x1082  }
0x22: {  	[simem:s7], [sflag:s8] =	dma.local @!p0 [hbm:s6], $0xF7A  }
0x23: {  	s9 =	sor.u32 $0xD0000000, s2;
	s6 =	simm.s32 $0x108;
	_ =	swait.ge @!p0 [sflag:s8], $0x0  }
0x24: {  	s3 =	sadd.s32 $0x88, s3;
	s6 =	simm.s32 @!p1 $0x1082;
	[sflag:s4] =	ssyncset.s32 $0xFFFFF086  }
0x25: {  	[simem:s6], [sflag:s4] =	dma.local [hbm:s3], $0xF7A  }
0x26: {  	[smem:$0x3F94] =	sst s1;
	(tag) =	ssettag s2;
	_ =	strace s9  }
0x27: {  	s1 =	sld [smem:$0x3FA4]  }
0x28: {  	s2 =	sld [smem:$0x3FA5]  }
0x29: {  	s4 =	sld [smem:$0x3FA7]  }
0x2a: {  	p0 =	seq.s32 s5, $0x0;
	s5 =	sld [smem:$0x3FA8]  }
0x2b: {  	s6 =	sld [smem:$0x3FA9]  }
0x2c: {  	s7 =	sld [smem:$0x3FAA]  }
0x2d: {  	s3 =	simm.s32 $0x108;
	s8 =	sld [smem:$0x3FAB]  }
0x2e: {  	s3 =	simm.s32 @!p0 $0x1082;
	s9 =	sld [smem:$0x3FAC]  }
0x2f: {  	lr =	sadd.s32 s0, s3;
	s0 =	sld [smem:$0x3FA3]  }
0x30: {  	s3 =	sld [smem:$0x3FA6]  }
0x31: {  	[smem:$0x3FAF] =	sst s10  }
0x32: {  	s10 =	sld [smem:$0x3FAD];
	_ =	sdelay $0x3  }
0x33: {  	p0 =	seq.s32 s10, $0x1;
	s10 =	sld [smem:$0x3FAF];
	_ =	sdelay $0x3  }
0x34: {  	[smem:$0x3FAF] =	sst s10  }
0x35: {  	s10 =	sld [smem:$0x3FAE];
	_ =	sdelay $0x3  }
0x36: {  	p1 =	seq.s32 s10, $0x1;
	s10 =	sld [smem:$0x3FAF];
	_ =	sdelay $0x3  }
0x37: {  	[smem:$0x3FAF] =	sst s10  }
0x38: {  	s10 =	sld [smem:$0x3FB0]  }
0x39: {  	_ = 	snop;
	(pc) =	sbr.ind lr, $3  }
0x3a: {  	_ = 	snop  }
0x3b: {  	_ = 	snop  }
0x3c: {  	p2 =	seq.s32 s10, $0x1;
	s10 =	sld [smem:$0x3FAF]  }
0x3d: {  	_ =	shalt  }
0x3e: {  	_ =	shalt  }
0x3f: {  	_ =	shalt  }
0x40: {  	_ =	shalt  }
0x41: {  	_ =	shalt  }
0x42: {  	_ =	shalt  }
0x43: {  	_ =	shalt  }
0x44: {  	_ =	shalt  }
0x45: {  	_ =	shalt  }
0x46: {  	_ =	shalt  }
0x47: {  	_ =	shalt  }
0x48: {  	_ =	shalt  }
0x49: {  	_ =	shalt  }
0x4a: {  	_ =	shalt  }
0x4b: {  	_ =	shalt  }
0x4c: {  	_ =	shalt  }
0x4d: {  	_ =	shalt  }
0x4e: {  	_ =	shalt  }
0x4f: {  	_ =	shalt  }
0x50: {  	_ =	shalt  }
0x51: {  	_ =	shalt  }
0x52: {  	_ =	shalt  }
0x53: {  	_ =	shalt  }
0x54: {  	_ =	shalt  }
0x55: {  	_ =	shalt  }
0x56: {  	_ =	shalt  }
0x57: {  	_ =	shalt  }
0x58: {  	_ =	shalt  }
0x59: {  	_ =	shalt  }
0x5a: {  	_ =	shalt  }
0x5b: {  	_ =	shalt  }
0x5c: {  	_ =	shalt  }
0x5d: {  	_ =	shalt  }
0x5e: {  	_ =	shalt  }
0x5f: {  	_ =	shalt  }
0x60: {  	_ =	shalt  }
0x61: {  	_ =	shalt  }
0x62: {  	_ =	shalt  }
0x63: {  	_ =	shalt  }
0x64: {  	_ =	shalt  }
0x65: {  	_ =	shalt  }
0x66: {  	_ =	shalt  }
0x67: {  	_ =	shalt  }
0x68: {  	_ =	shalt  }
0x69: {  	_ =	shalt  }
0x6a: {  	_ =	shalt  }
0x6b: {  	_ =	shalt  }
0x6c: {  	_ =	shalt  }
0x6d: {  	_ =	shalt  }
0x6e: {  	_ =	shalt  }
0x6f: {  	_ =	shalt  }
0x70: {  	_ =	shalt  }
0x71: {  	_ =	shalt  }
0x72: {  	_ =	shalt  }
0x73: {  	_ =	shalt  }
0x74: {  	_ =	shalt  }
0x75: {  	_ =	shalt  }
0x76: {  	_ =	shalt  }
0x77: {  	_ =	shalt  }
0x78: {  	_ =	shalt  }
0x79: {  	_ =	shalt  }
0x7a: {  	_ =	shalt  }
0x7b: {  	_ =	shalt  }
0x7c: {  	_ =	shalt  }
0x7d: {  	_ =	shalt  }
0x7e: {  	_ =	shalt  }
0x7f: {  	_ =	shalt  }
0x80: {  	_ =	shalt  }
0x81: {  	_ =	shalt  }
0x82: {  	_ =	shalt  }
0x83: {  	_ =	shalt  }
0x84: {  	_ =	shalt  }
0x85: {  	_ =	shalt  }
0x86: {  	_ =	shalt  }
0x87: {  	_ =	shalt  }
.Lfunc_end0:
.L_simem_size_0:
called_computation.1_lowered:
.L_overlay_start_0:
0x88: {  	s2 =	sld [smem:$0x3FD9]  }
0x89: {  	s3 =	sld [smem:$0x3FFE];
	_ =	sdelay $0x1  }
0x8a: {  	s1 =	srdreg.scid  }
0x8b: {  	s0 =	sand.u32 $0x1, s1  }
0x8c: {  	s17 =	sshll.u32 s0, $0xA;
	s2 =	sadd.s32 s3, s2  }
0x8d: {  	s2 =	sadd.s32 s2, s17  }
0x8e: {  	[smem:$0x3FBB] =	sst s2  }
0x8f: {  	_ = 	snop  }
0x90: {  	s18 =	sld [smem:$0x3FC6]  }
0x91: {  	s4 =	sld [smem:$0x3FD0];
	(tm) =	ssettm $0x1  }
0x92: {  	s19 =	sld [smem:$0x3FFB];
	_ =	sdelay $0x3  }
0x93: {  	_ =	strace s19  }
0x94: {  	s2 =	sld [smem:$0x3FFC];
	_ =	sdelay $0x3  }
0x95: {  	_ =	strace s2  }
0x96: {  	s2 =	sld [smem:$0x3FFD];
	_ =	sdelay $0x3  }
0x97: {  	_ =	strace s2  }
0x98: {  	_ =	strace $0x8FFFFFFF  }
0x99: {  	s20 =	sld [smem:$0x3FDB];
	_ =	sdelay $0x1  }
0x9a: {  	s5 =	simm.s32 $_scs_section_size  }
0x9b: {  	s6 =	simm.s32 $_size__tile_overlayer_lowered;
	s7 =	simm.s32 $_tile_overlayer_lowered  }
0x9c: {  	s8 =	simm.s32 $0x1BFF;
	s21 =	sshll.u32 s7, $0x1;
	s5 =	sadd.s32 s5, s20  }
0x9d: {  	s22 =	simm.s32 $0x0;
	s6 =	sshll.u32 s6, $0x1;
	s7 =	sadd.s32 s21, s5  }
0x9e: {  	[timem:s22], [sflag:s8] =	dma.local [hbm:s7], s6  }
0x9f: {  	_ =	swait.ge [sflag:s8], s6  }
0xa0: {  	s6 =	ssub.s32 $0x0, s6;
	[sflag:s8] =	ssyncset.done $0x0  }
0xa1: {  	[sflag:s8] =	ssyncadd.s32 s6;
	_ =	sdelay $0x1  }
0xa2: {  	s23 =	simm.s32 $0x1B8B  }
0xa3: {  	_ =	swait.ge [sflag:s23], $0x1  }
0xa4: {  	[sflag:s23] =	ssyncset.done $0x0  }
0xa5: {  	[sflag:s23] =	ssyncadd.s32 $0xFFFFFFFF  }
0xa6: {  	s6 =	sld [smem:$0x0]  }
0xa7: {  	s7 =	sand.u32 $0xFFFFFFFE, s1  }
0xa8: {  	p0 =	sne.s32 s1, s7  }
0xa9: {  	s7 =	sshll.u32 @p0 s7, $0xE  }
0xaa: {  	s7 =	sadd.s32 @p0 $0x11B8D, s7;
	s8 =	sshll.u32 @p0 s6, $0x11  }
0xab: {  	s7 =	sor.u32 @p0 s8, s7  }
0xac: {  	[sflag:s7] =	ssyncadd.remote.s32 @p0 $0x1;
	_ =	sdelay $0x1  }
0xad: {  	s7 =	simm.s32 @p0 $0x1B8D  }
0xae: {  	_ =	swait.eq @p0 [sflag:s7], $0x1  }
0xaf: {  	[sflag:s7] =	ssyncadd.s32 @p0 $0xFFFFFFFF  }
0xb0: {  	s8 =	sshll.u32 @!p0 s1, $0xE  }
0xb1: {  	s8 =	sor.u32 @!p0 $0x4000, s8;
	s7 =	simm.s32 @!p0 $0x1B8D  }
0xb2: {  	s6 =	sshll.u32 @!p0 s6, $0x11;
	s8 =	sadd.s32 @!p0 $0x11B8D, s8;
	_ =	swait.eq @!p0 [sflag:s7], $0x1  }
0xb3: {  	s6 =	sor.u32 @!p0 s6, s8;
	[sflag:s7] =	ssyncadd.s32 @!p0 $0xFFFFFFFF  }
0xb4: {  	s25 =	simm.s32 $0x1B8E;
	s24 =	sld [smem:$0x3FFE];
	[sflag:s6] =	ssyncadd.remote.s32 @!p0 $0x1  }
0xb5: {  	s26 =	simm.s32 $execute0_lowered;
	[smem:$0x3FD2] =	sst s25  }
0xb6: {  	s7 =	sshll.u32 s26, $0x1;
	_ =	strace $0x80000049;
	[dreg:$0x1] =	wrdreg $0xFFFFFFFF  }
0xb7: {  	s28 =	simm.s32 $_size_execute0_lowered;
	s5 =	sadd.s32 s5, s7;
	[dreg:$0x0] =	wrdreg $0x0  }
0xb8: {  	s7 =	sshll.u32 s28, $0x1;
	[dreg:$0x2] =	wrdreg s5  }
0xb9: {  	[dreg:$0x3] =	wrdreg s7  }
0xba: {  	[dreg:$0x4] =	wrdreg $0xC0  }
0xbb: {  	_ =	task [dreg:s22], $0x5FFFF  }
0xbc: {  	[dreg:$0x1] =	wrdreg $0xFFFFFFFF  }
0xbd: {  	[dreg:$0x0] =	wrdreg $0x60  }
0xbe: {  	[dreg:$0x2] =	wrdreg s24  }
0xbf: {  	[dreg:$0x3] =	wrdreg s18  }
0xc0: {  	[dreg:$0x4] =	wrdreg s4  }
0xc1: {  	[dreg:$0x5] =	wrdreg $0xA  }
0xc2: {  	_ =	task.clear_ibuf [dreg:s22], $0x6FFFF;
	_ =	strace $0x90000049  }
0xc3: {  	s29 =	simm.s32 $0xA;
	_ =	strace $0x8000004B  }
0xc4: {  	_ =	swait.ge [sflag:s29], $0x1  }
0xc5: {  	[sflag:s29] =	ssyncadd.s32 $0xFFFFFFFF  }
0xc6: {  	_ =	strace $0x9000004B  }
0xc7: {  	_ =	sfence  }
0xc8: {  	s30 =	sld [smem:$0x0];
	_ =	sdelay $0x2  }
0xc9: {  	s31 =	sshll.u32 s1, $0xD;
	s1 =	sshrl.u32 s1, $0x2  }
0xca: {  	s4 =	sand.u32 $0x4000, s31;
	s1 =	sadd.s32 s1, s30  }
0xcb: {  	s0 =	sor.u32 s4, s0;
	s1 =	sshll.u32 s1, $0x11  }
0xcc: {  	s0 =	sor.u32 s1, s0  }
0xcd: {  	s0 =	sadd.s32 $0x8F2B, s0  }
0xce: {  	[sflag:s0] =	ssyncadd.remote.s32 $0x1  }
0xcf: {  	_ =	sfence.sel $0xFFFF  }
0xd0: {  	[dreg:$0x0] =	wrdreg $0xFFFFFFFF;
	(pc) =	sbr.abs _section_cstart, $3  }
0xd1: {  	[dreg:$0x1] =	wrdreg $0xFFFFFFFF  }
0xd2: {  	_ =	task.clear_ibuf [dreg:s22], $0x2FFFF;
	_ =	strace $0x9FFFFFFF  }
0xd3: {  	(tm) =	ssettm $0x7FFFFFFF  }
tec
execute0_lowered:
.L_overlay_start_1:
0x0: {  	(tag) =	ssettag $0x1  }
0x1: {  	s5 =	rddreg [dreg:$0x0]  }
0x2: {  	s1 =	srdreg.scid;
	s3 =	rddreg [dreg:$0x1]  }
0x3: {  	s0 =	stileid.u32;
	s8 =	rddreg [dreg:$0x2];
	s6 =	sand.u32 $0x1, s1  }
0x4: {  	s2 =	simm.s32 $0x0;
	s4 =	sshll.u32 s0, $0x8;
	s7 =	sshll.u32 s6, $0x7  }
0x5: {  	[smem:$0x7FF] =	sst s2;
	s9 =	sor.u32 s7, s4  }
0x6: {  	s1 =	rddreg [dreg:$0x3];
	_ =	strace $0x8000004A;
	s4 =	sshrl.u32 s9, $0x3  }
0x7: {  	s10 =	ssub.s32 $0x2, s6;
	s4 =	sadd.s32 s3, s4;
	s3 =	simm.s32 $0x2  }
0x8: {  	[tilespmem:s2], [sflag:$0x2] =	stream.linear.gather [hbm4b:s4+s2], $0x80, $0x38;
	[tilespmem:$0x4080] =	vst v63  }
0x9: {  	s5 =	sadd.s32 $0x1B1200, s5;
	s11 =	sshrl.u32 s10, $0x1;
	_ =	swait.ge [sflag:s3], $0x80  }
0xa: {  	s6 =	simm.s32 $0x80;
	s10 =	ssub.s32 s10, s11;
	[sflag:s3] =	ssyncset.done $0x0  }
0xb: {  	s7 =	simm.s32 $0x1;
	s31 =	smax.u32 s10, $0x1;
	[sflag:s3] =	ssyncadd.s32 $0xFFFFFF80  }
0xc: {  	[tilespmem:s6], [sflag:$0x1] =	stream.indirect.gather [hbm4b:s5+s6], $0x80, s2, s6, $0xb8;
	[tilespmem:$0x4080] =	vst v63  }
0xd: {  	p0 =	sne.s32 s31, $0x1;
	_ =	swait.ge [sflag:s7], $0x4000  }
.Ltmp0:
0xe: {  	s9 =	sshll.u32 s9, $0x4;
	[sflag:s7] =	ssyncset.done $0x0;
	(pc) =	sbr.rel @!p0 .LBB2_2-.Ltmp0, $4  }
0xf: {  	s8 =	sadd.s32 s8, s9;
	[sflag:s7] =	ssyncadd.s32 $0xFFFFC000  }
0x10: {  	[hbm4b:s8+s2] =	stream.linear.scatter [tilespmem:s6], [sflag:$0x2], $0x4000, $0x38;
	[tilespmem:$0x4080] =	vst v63  }
0x11: {  	_ =	swait.ge [sflag:s3], $0x4000  }
0x12: {  	s9 =	sadd.s32 $0xFFFFFFFF, s31;
	[sflag:s3] =	ssyncset.done $0x0  }
.LBB2_1:
0x13: {  	p0 =	sne.s32 s9, $0x1;
	s9 =	sadd.s32 $0xFFFFFFFF, s9;
	[sflag:s3] =	ssyncadd.s32 $0xFFFFC000  }
0x14: {  	[tilespmem:s2], [sflag:$0x2] =	stream.linear.gather [hbm4b:s4+s2], $0x80, $0x38;
	[tilespmem:$0x4080] =	vst v63  }
0x15: {  	_ =	swait.ge [sflag:s3], $0x80  }
0x16: {  	[sflag:s3] =	ssyncset.done $0x0  }
0x17: {  	[sflag:s3] =	ssyncadd.s32 $0xFFFFFF80  }
0x18: {  	[tilespmem:s6], [sflag:$0x1] =	stream.indirect.gather [hbm4b:s5+s6], $0x80, s2, s6, $0xb8;
	[tilespmem:$0x4080] =	vst v63  }
0x19: {  	_ =	swait.ge [sflag:s7], $0x4000  }
.Ltmp1:
0x1a: {  	[sflag:s7] =	ssyncset.done $0x0;
	(pc) =	sbr.rel @p0 .LBB2_1-.Ltmp1, $4  }
0x1b: {  	[sflag:s7] =	ssyncadd.s32 $0xFFFFC000  }
0x1c: {  	[hbm4b:s8+s2] =	stream.linear.scatter [tilespmem:s6], [sflag:$0x2], $0x4000, $0x38;
	[tilespmem:$0x4080] =	vst v63  }
0x1d: {  	_ =	swait.ge [sflag:s3], $0x4000  }
0x1e: {  	[sflag:s3] =	ssyncset.done $0x0  }
.LBB2_2:
0x1f: {  	[sflag:s3] =	ssyncadd.s32 $0xFFFFC000  }
0x20: {  	_ =	sfence.sel $0x180000  }
0x21: {  	[bflag:$0x0] =	sbarrier.arrive $0xFFFF  }
0x22: {  	p0 =	sne.s32 s0, $0x0;
	_ =	strace $0x9000004A  }
0x23: {  	s0 =	sadd.s32 @!p0 $0x100000, s1;
	[bflag:$0x2] =	sbarrier.arrive $0xFFFF  }
0x24: {  	[sflag:s0] =	ssyncadd.tile.s32 @!p0 $0x1;
	_ =	shalt  }
.Lfunc_end2:
_tile_overlayer_lowered:
.L_overlay_start_2:
0x25: {  	(tag) =	ssettag $0x2  }
0x26: {  	s0 =	rddreg [dreg:$0x0];
	s2 =	stileid.u32  }
0x27: {  	s1 =	rddreg [dreg:$0x1];
	p0 =	sne.s32 s2, $0x0  }
0x28: {  	s3 =	rddreg [dreg:$0x2];
	[bflag:$0x3] =	sbarrier.arrive $0xFFFF;
	s2 =	simm.s32 @!p0 $0x1C02  }
0x29: {  	[timem:s3], [sflag:s2] =	dma.local @!p0 [hbm:s0], s1  }
0x2a: {  	s0 =	simm.s32 @!p0 $0x2  }
0x2b: {  	_ =	swait.ge @!p0 [sflag:s0], s1  }
0x2c: {  	s1 =	ssub.s32 @!p0 $0x0, s1;
	[sflag:s0] =	ssyncset.done @!p0 $0x0  }
0x2d: {  	[sflag:s0] =	ssyncadd.s32 @!p0 s1  }
0x2e: {  	[bflag:$0x3] =	sbarrier.arrive $0xFFFF  }
0x2f: {  	_ =	shalt  }

// kernel: kernel.7.cloned.1.call-start
scs
__scs_entry_jumppad:
0x0: {  	(pc) =	sbr.rel $0x88, $3  }
0x1: {  	(tag) =	ssettag $0x0;
	lr =	simm.s32 $0x1  }
0x2: {  	[smem:$0x3F94] =	sst lr;
	_ =	strace $0xD0000000  }
0x3: {  	_ = 	snop  }
0x4: {  	_ = 	snop  }
0x5: {  	_ = 	snop  }
0x6: {  	_ = 	snop  }
0x7: {  	_ = 	snop  }
__scs_overlays_trampoline_lowered:
0x8: {  	[smem:$0x3FA3] =	sst s0  }
0x9: {  	[smem:$0x3FA4] =	sst s1  }
0xa: {  	[smem:$0x3FA5] =	sst s2  }
0xb: {  	[smem:$0x3FA6] =	sst s3  }
0xc: {  	[smem:$0x3FA7] =	sst s4  }
0xd: {  	[smem:$0x3FA8] =	sst s5  }
0xe: {  	[smem:$0x3FA9] =	sst s6  }
0xf: {  	[smem:$0x3FAA] =	sst s7  }
0x10: {  	[smem:$0x3FAB] =	sst s8  }
0x11: {  	[smem:$0x3FAC] =	sst s9;
	s0 =	simm.s32 @!p0 $0x0  }
0x12: {  	s1 =	sld [smem:$0x3F92];
	s0 =	simm.s32 @p0 $0x1  }
0x13: {  	[smem:$0x3FAD] =	sst s0;
	s0 =	simm.s32 @!p1 $0x0  }
0x14: {  	s2 =	sld [smem:$0x3F91];
	s0 =	simm.s32 @p1 $0x1  }
0x15: {  	[smem:$0x3FAE] =	sst s0;
	s0 =	simm.s32 @!p2 $0x0  }
0x16: {  	s3 =	sld [smem:$0x3FDB];
	s0 =	simm.s32 @p2 $0x1  }
0x17: {  	s4 =	simm.s32 $0x1BF5;
	[smem:$0x3FB0] =	sst s0  }
0x18: {  	s0 =	sld [smem:$0x3F93];
	_ =	swait.ge [sflag:s4], $0x0  }
0x19: {  	s7 =	sld [smem:$0x3F94]  }
0x1a: {  	s8 =	sadd.s32 $0xFFFFE003, lr  }
0x1b: {  	s9 =	sadd.s32 $0xFFFFFEF7, lr;
	s5 =	simm.s32 $0xFFFFFFFF;
	p2 =	slt.u32 s8, $0xFFFFF086  }
0x1c: {  	p1 =	slt.u32 s9, $0xF7A;
	s5 =	simm.s32 @!p2 $0x0  }
0x1d: {  	s5 =	simm.s32 @p1 $0x1;
	p0 =	seq.s32 s7, s2  }
0x1e: {  	s7 =	smul.u32 @!p0 $0xF7A, s2;
	p2 =	seq.s32 @!p0 s5, $0x0  }
0x1f: {  	s9 =	smul.u32 $0xF7A, s1;
	s8 =	simm.s32 @!p0 $0x1BF5;
	p2 =	por !p2, p0  }
0x20: {  	[sflag:s8] =	ssyncset.s32 @!p0 $0xFFFFF086;
	s6 =	sadd.s32 @!p0 s3, s7;
	s7 =	simm.s32 @!p0 $0x108  }
0x21: {  	s3 =	sadd.s32 s3, s9;
	s6 =	sadd.s32 @!p0 $0x88, s6;
	s7 =	simm.s32 @p2 $0x1082  }
0x22: {  	[simem:s7], [sflag:s8] =	dma.local @!p0 [hbm:s6], $0xF7A  }
0x23: {  	s9 =	sor.u32 $0xD0000000, s2;
	s6 =	simm.s32 $0x108;
	_ =	swait.ge @!p0 [sflag:s8], $0x0  }
0x24: {  	s3 =	sadd.s32 $0x88, s3;
	s6 =	simm.s32 @!p1 $0x1082;
	[sflag:s4] =	ssyncset.s32 $0xFFFFF086  }
0x25: {  	[simem:s6], [sflag:s4] =	dma.local [hbm:s3], $0xF7A  }
0x26: {  	[smem:$0x3F94] =	sst s1;
	(tag) =	ssettag s2;
	_ =	strace s9  }
0x27: {  	s1 =	sld [smem:$0x3FA4]  }
0x28: {  	s2 =	sld [smem:$0x3FA5]  }
0x29: {  	s4 =	sld [smem:$0x3FA7]  }
0x2a: {  	p0 =	seq.s32 s5, $0x0;
	s5 =	sld [smem:$0x3FA8]  }
0x2b: {  	s6 =	sld [smem:$0x3FA9]  }
0x2c: {  	s7 =	sld [smem:$0x3FAA]  }
0x2d: {  	s3 =	simm.s32 $0x108;
	s8 =	sld [smem:$0x3FAB]  }
0x2e: {  	s3 =	simm.s32 @!p0 $0x1082;
	s9 =	sld [smem:$0x3FAC]  }
0x2f: {  	lr =	sadd.s32 s0, s3;
	s0 =	sld [smem:$0x3FA3]  }
0x30: {  	s3 =	sld [smem:$0x3FA6]  }
0x31: {  	[smem:$0x3FAF] =	sst s10  }
0x32: {  	s10 =	sld [smem:$0x3FAD];
	_ =	sdelay $0x3  }
0x33: {  	p0 =	seq.s32 s10, $0x1;
	s10 =	sld [smem:$0x3FAF];
	_ =	sdelay $0x3  }
0x34: {  	[smem:$0x3FAF] =	sst s10  }
0x35: {  	s10 =	sld [smem:$0x3FAE];
	_ =	sdelay $0x3  }
0x36: {  	p1 =	seq.s32 s10, $0x1;
	s10 =	sld [smem:$0x3FAF];
	_ =	sdelay $0x3  }
0x37: {  	[smem:$0x3FAF] =	sst s10  }
0x38: {  	s10 =	sld [smem:$0x3FB0]  }
0x39: {  	_ = 	snop;
	(pc) =	sbr.ind lr, $3  }
0x3a: {  	_ = 	snop  }
0x3b: {  	_ = 	snop  }
0x3c: {  	p2 =	seq.s32 s10, $0x1;
	s10 =	sld [smem:$0x3FAF]  }
0x3d: {  	_ =	shalt  }
0x3e: {  	_ =	shalt  }
0x3f: {  	_ =	shalt  }
0x40: {  	_ =	shalt  }
0x41: {  	_ =	shalt  }
0x42: {  	_ =	shalt  }
0x43: {  	_ =	shalt  }
0x44: {  	_ =	shalt  }
0x45: {  	_ =	shalt  }
0x46: {  	_ =	shalt  }
0x47: {  	_ =	shalt  }
0x48: {  	_ =	shalt  }
0x49: {  	_ =	shalt  }
0x4a: {  	_ =	shalt  }
0x4b: {  	_ =	shalt  }
0x4c: {  	_ =	shalt  }
0x4d: {  	_ =	shalt  }
0x4e: {  	_ =	shalt  }
0x4f: {  	_ =	shalt  }
0x50: {  	_ =	shalt  }
0x51: {  	_ =	shalt  }
0x52: {  	_ =	shalt  }
0x53: {  	_ =	shalt  }
0x54: {  	_ =	shalt  }
0x55: {  	_ =	shalt  }
0x56: {  	_ =	shalt  }
0x57: {  	_ =	shalt  }
0x58: {  	_ =	shalt  }
0x59: {  	_ =	shalt  }
0x5a: {  	_ =	shalt  }
0x5b: {  	_ =	shalt  }
0x5c: {  	_ =	shalt  }
0x5d: {  	_ =	shalt  }
0x5e: {  	_ =	shalt  }
0x5f: {  	_ =	shalt  }
0x60: {  	_ =	shalt  }
0x61: {  	_ =	shalt  }
0x62: {  	_ =	shalt  }
0x63: {  	_ =	shalt  }
0x64: {  	_ =	shalt  }
0x65: {  	_ =	shalt  }
0x66: {  	_ =	shalt  }
0x67: {  	_ =	shalt  }
0x68: {  	_ =	shalt  }
0x69: {  	_ =	shalt  }
0x6a: {  	_ =	shalt  }
0x6b: {  	_ =	shalt  }
0x6c: {  	_ =	shalt  }
0x6d: {  	_ =	shalt  }
0x6e: {  	_ =	shalt  }
0x6f: {  	_ =	shalt  }
0x70: {  	_ =	shalt  }
0x71: {  	_ =	shalt  }
0x72: {  	_ =	shalt  }
0x73: {  	_ =	shalt  }
0x74: {  	_ =	shalt  }
0x75: {  	_ =	shalt  }
0x76: {  	_ =	shalt  }
0x77: {  	_ =	shalt  }
0x78: {  	_ =	shalt  }
0x79: {  	_ =	shalt  }
0x7a: {  	_ =	shalt  }
0x7b: {  	_ =	shalt  }
0x7c: {  	_ =	shalt  }
0x7d: {  	_ =	shalt  }
0x7e: {  	_ =	shalt  }
0x7f: {  	_ =	shalt  }
0x80: {  	_ =	shalt  }
0x81: {  	_ =	shalt  }
0x82: {  	_ =	shalt  }
0x83: {  	_ =	shalt  }
0x84: {  	_ =	shalt  }
0x85: {  	_ =	shalt  }
0x86: {  	_ =	shalt  }
0x87: {  	_ =	shalt  }
.Lfunc_end0:
.L_simem_size_0:
called_computation_lowered:
.L_overlay_start_0:
0x88: {  	s2 =	sld [smem:$0x3FD9]  }
0x89: {  	s3 =	sld [smem:$0x3FFE];
	_ =	sdelay $0x1  }
0x8a: {  	s1 =	srdreg.scid  }
0x8b: {  	s0 =	sand.u32 $0x1, s1  }
0x8c: {  	s16 =	sshll.u32 s0, $0xA;
	s2 =	sadd.s32 s3, s2  }
0x8d: {  	s2 =	sadd.s32 s2, s16  }
0x8e: {  	[smem:$0x3FBB] =	sst s2  }
0x8f: {  	_ = 	snop  }
0x90: {  	(tm) =	ssettm $0x1  }
0x91: {  	s17 =	sld [smem:$0x3FFB];
	_ =	sdelay $0x3  }
0x92: {  	_ =	strace s17  }
0x93: {  	s2 =	sld [smem:$0x3FFC];
	_ =	sdelay $0x3  }
0x94: {  	_ =	strace s2  }
0x95: {  	s2 =	sld [smem:$0x3FFD];
	_ =	sdelay $0x3  }
0x96: {  	_ =	strace s2  }
0x97: {  	_ =	strace $0x8FFFFFFF  }
0x98: {  	s18 =	sld [smem:$0x3FDB];
	_ =	sdelay $0x1  }
0x99: {  	s19 =	simm.s32 $_scs_section_size  }
0x9a: {  	s4 =	simm.s32 $_size__tile_overlayer_lowered;
	s5 =	simm.s32 $_tile_overlayer_lowered  }
0x9b: {  	s22 =	simm.s32 $0x1BFF;
	s21 =	sshll.u32 s5, $0x1;
	s2 =	sadd.s32 s19, s18  }
0x9c: {  	s6 =	simm.s32 $0x0;
	s20 =	sshll.u32 s4, $0x1;
	s4 =	sadd.s32 s21, s2  }
0x9d: {  	[timem:s6], [sflag:s22] =	dma.local [hbm:s4], s20  }
0x9e: {  	_ =	swait.ge [sflag:s22], s20  }
0x9f: {  	s3 =	ssub.s32 $0x0, s20;
	[sflag:s22] =	ssyncset.done $0x0  }
0xa0: {  	[sflag:s22] =	ssyncadd.s32 s3;
	_ =	sdelay $0x1  }
0xa1: {  	s23 =	simm.s32 $0x1B8B  }
0xa2: {  	_ =	swait.ge [sflag:s23], $0x1  }
0xa3: {  	[sflag:s23] =	ssyncset.done $0x0  }
0xa4: {  	s25 =	simm.s32 $0x1B8E;
	s24 =	sld [smem:$0x3FFE];
	[sflag:s23] =	ssyncadd.s32 $0xFFFFFFFF  }
0xa5: {  	s26 =	simm.s32 $execute0_lowered;
	[smem:$0x3FD2] =	sst s25  }
0xa6: {  	s4 =	sshll.u32 s26, $0x1;
	_ =	strace $0x80000046;
	[dreg:$0x1] =	wrdreg $0xFFFFFFFF  }
0xa7: {  	s28 =	simm.s32 $_size_execute0_lowered;
	s2 =	sadd.s32 s2, s4;
	[dreg:$0x0] =	wrdreg $0x0  }
0xa8: {  	s4 =	sshll.u32 s28, $0x1;
	[dreg:$0x2] =	wrdreg s2  }
0xa9: {  	[dreg:$0x3] =	wrdreg s4  }
0xaa: {  	[dreg:$0x4] =	wrdreg $0xC0  }
0xab: {  	_ =	task [dreg:s6], $0x5FFFF  }
0xac: {  	[dreg:$0x1] =	wrdreg $0xFFFFFFFF  }
0xad: {  	[dreg:$0x0] =	wrdreg $0x60  }
0xae: {  	[dreg:$0x2] =	wrdreg s24  }
0xaf: {  	[dreg:$0x3] =	wrdreg $0x9  }
0xb0: {  	_ =	task.clear_ibuf [dreg:s6], $0x4FFFF;
	_ =	strace $0x90000046  }
0xb1: {  	s29 =	simm.s32 $0x9;
	_ =	strace $0x80000048  }
0xb2: {  	_ =	swait.ge [sflag:s29], $0x1  }
0xb3: {  	[sflag:s29] =	ssyncadd.s32 $0xFFFFFFFF  }
0xb4: {  	_ =	strace $0x90000048  }
0xb5: {  	_ =	sfence  }
0xb6: {  	s30 =	sld [smem:$0x0];
	_ =	sdelay $0x2  }
0xb7: {  	s31 =	sshll.u32 s1, $0xD;
	s1 =	sshrl.u32 s1, $0x2  }
0xb8: {  	s3 =	sand.u32 $0x4000, s31;
	s1 =	sadd.s32 s1, s30  }
0xb9: {  	s0 =	sor.u32 s3, s0;
	s1 =	sshll.u32 s1, $0x11  }
0xba: {  	s0 =	sor.u32 s1, s0  }
0xbb: {  	s0 =	sadd.s32 $0x8F2B, s0  }
0xbc: {  	[sflag:s0] =	ssyncadd.remote.s32 $0x1  }
0xbd: {  	_ =	sfence.sel $0xFFFF  }
0xbe: {  	[dreg:$0x0] =	wrdreg $0xFFFFFFFF;
	(pc) =	sbr.abs _section_cstart, $3  }
0xbf: {  	[dreg:$0x1] =	wrdreg $0xFFFFFFFF  }
0xc0: {  	_ =	task.clear_ibuf [dreg:s6], $0x2FFFF;
	_ =	strace $0x9FFFFFFF  }
0xc1: {  	(tm) =	ssettm $0x7FFFFFFF  }
tec
execute0_lowered:
.L_overlay_start_1:
0x0: {  	(tag) =	ssettag $0x1  }
0x1: {  	s0 =	srdreg.scid  }
0x2: {  	s2 =	stileid.u32;
	s1 =	rddreg [dreg:$0x0]  }
0x3: {  	s8 =	simm.s32 $0x9;
	s9 =	simm.s32 $0x80;
	s11 =	simm.s32 $0x48  }
0x4: {  	s13 =	simm.s32 $0x530;
	s14 =	simm.s32 $0x1B000;
	s15 =	simm.s32 $0x578  }
0x5: {  	s16 =	simm.s32 $0x1C200;
	s17 =	simm.s32 $0x5F8;
	s18 =	simm.s32 $0x1E200  }
0x6: {  	s19 =	simm.s32 $0x1;
	s20 =	simm.s32 $0x1F400;
	s21 =	simm.s32 $0x2  }
0x7: {  	s22 =	simm.s32 $0x3;
	s23 =	simm.s32 $0x4;
	s24 =	simm.s32 $0x5  }
0x8: {  	s25 =	simm.s32 $0x6;
	s26 =	simm.s32 $0x7;
	s28 =	simm.s32 $0x8  }
0x9: {  	s29 =	simm.s32 $0x0;
	s0 =	sand.u32 $0x1, s0;
	s3 =	sshll.u32 s2, $0x1  }
.Ltmp0:
0xa: {  	s2 =	simm.s32 $0x0;
	s5 =	sor.u32 s0, s3;
	(pc) =	sbr.rel .LBB2_1-.Ltmp0, $4  }
0xb: {  	[smem:$0x7FF] =	sst s2;
	s0 =	ssub.s32 $0x2, s0;
	s4 =	smul.u32 $0xC80, s5  }
0xc: {  	s3 =	sadd.s32 $0x1A800, s1;
	_ =	strace $0x80000047;
	s7 =	sshrl.u32 s0, $0x1  }
0xd: {  	s5 =	sshll.u32 s5, $0x7;
	s0 =	ssub.s32 s0, s7;
	s6 =	sadd.s32 s4, s1  }
0xe: {  	s4 =	sadd.s32 $0x1A1200, s1;
	s7 =	smax.u32 s0, $0x1;
	s6 =	sadd.s32 $0x1800, s6  }
.LBB2_20:
0xf: {  	s29 =	sadd.s32 $0x1, s29  }
0x10: {  	p0 =	sne.s32 s29, s7  }
.Ltmp1:
0x11: {  	_ = 	snop;
	(pc) =	sbr.rel @!p0 .LBB2_21-.Ltmp1, $1  }
0x12: {  	_ =	sdelay $0x3  }
.LBB2_1:
0x13: {  	[tilespmem:s2], [sflag:$0x9] =	stream.linear.gather [hbm4b:s6+s2], $0x6400, $0x38;
	[tilespmem:$0x1F480] =	vst v63  }
0x14: {  	_ =	swait.ge [sflag:s8], $0x6400  }
0x15: {  	[sflag:s8] =	ssyncset.done $0x0  }
0x16: {  	s0 =	simm.s32 $0x6400;
	[sflag:s8] =	ssyncadd.s32 $0xFFFF9C00  }
0x17: {  	[tilespmem:s0], [sflag:$0x1] =	stream.indirect.gather [hbm4b:s3+s9], $0x40, s2, s9, $0xb8;
	[tilespmem:$0x1F480] =	vst v63  }
0x18: {  	s12 =	simm.s32 $0x8400  }
0x19: {  	[tilespmem:s12], [sflag:$0x1] =	stream.indirect.gather [hbm4b:s3+s11], $0x40, s9, s11, $0xb8;
	[tilespmem:$0x1F480] =	vst v63  }
0x1a: {  	s31 =	simm.s32 $0xC8;
	s1 =	simm.s32 $0x9600  }
0x1b: {  	[tilespmem:s1], [sflag:$0x2] =	stream.indirect.gather [hbm4b:s3+s9], $0x40, s31, s9, $0xb8;
	[tilespmem:$0x1F480] =	vst v63  }
0x1c: {  	s10 =	simm.s32 $0xB600;
	s1 =	simm.s32 $0x148  }
0x1d: {  	[tilespmem:s10], [sflag:$0x2] =	stream.indirect.gather [hbm4b:s3+s11], $0x40, s1, s11, $0xb8;
	[tilespmem:$0x1F480] =	vst v63  }
0x1e: {  	s12 =	simm.s32 $0x190;
	s31 =	simm.s32 $0xC800  }
0x1f: {  	[tilespmem:s31], [sflag:$0x3] =	stream.indirect.gather [hbm4b:s3+s9], $0x40, s12, s9, $0xb8;
	[tilespmem:$0x1F480] =	vst v63  }
0x20: {  	s1 =	simm.s32 $0x210;
	s10 =	simm.s32 $0xE800  }
0x21: {  	[tilespmem:s10], [sflag:$0x3] =	stream.indirect.gather [hbm4b:s3+s11], $0x40, s1, s11, $0xb8;
	[tilespmem:$0x1F480] =	vst v63  }
0x22: {  	s12 =	simm.s32 $0x258;
	s31 =	simm.s32 $0xFA00  }
0x23: {  	[tilespmem:s31], [sflag:$0x4] =	stream.indirect.gather [hbm4b:s3+s9], $0x40, s12, s9, $0xb8;
	[tilespmem:$0x1F480] =	vst v63  }
0x24: {  	s1 =	simm.s32 $0x2D8;
	s10 =	simm.s32 $0x11A00  }
0x25: {  	[tilespmem:s10], [sflag:$0x4] =	stream.indirect.gather [hbm4b:s3+s11], $0x40, s1, s11, $0xb8;
	[tilespmem:$0x1F480] =	vst v63  }
0x26: {  	s12 =	simm.s32 $0x320;
	s31 =	simm.s32 $0x12C00  }
0x27: {  	[tilespmem:s31], [sflag:$0x5] =	stream.indirect.gather [hbm4b:s3+s9], $0x40, s12, s9, $0xb8;
	[tilespmem:$0x1F480] =	vst v63  }
0x28: {  	s1 =	simm.s32 $0x3A0;
	s10 =	simm.s32 $0x14C00  }
0x29: {  	[tilespmem:s10], [sflag:$0x5] =	stream.indirect.gather [hbm4b:s3+s11], $0x40, s1, s11, $0xb8;
	[tilespmem:$0x1F480] =	vst v63  }
0x2a: {  	s12 =	simm.s32 $0x3E8;
	s31 =	simm.s32 $0x15E00  }
0x2b: {  	[tilespmem:s31], [sflag:$0x6] =	stream.indirect.gather [hbm4b:s3+s9], $0x40, s12, s9, $0xb8;
	[tilespmem:$0x1F480] =	vst v63  }
0x2c: {  	s1 =	simm.s32 $0x468;
	s10 =	simm.s32 $0x17E00  }
0x2d: {  	[tilespmem:s10], [sflag:$0x6] =	stream.indirect.gather [hbm4b:s3+s11], $0x40, s1, s11, $0xb8;
	[tilespmem:$0x1F480] =	vst v63  }
0x2e: {  	s12 =	simm.s32 $0x4B0;
	s31 =	simm.s32 $0x19000  }
0x2f: {  	[tilespmem:s31], [sflag:$0x7] =	stream.indirect.gather [hbm4b:s3+s9], $0x40, s12, s9, $0xb8;
	[tilespmem:$0x1F480] =	vst v63  }
0x30: {  	_ = 	snop  }
0x31: {  	[tilespmem:s14], [sflag:$0x7] =	stream.indirect.gather [hbm4b:s3+s11], $0x40, s13, s11, $0xb8;
	[tilespmem:$0x1F480] =	vst v63  }
0x32: {  	_ = 	snop  }
0x33: {  	[tilespmem:s16], [sflag:$0x8] =	stream.indirect.gather [hbm4b:s3+s9], $0x40, s15, s9, $0xb8;
	[tilespmem:$0x1F480] =	vst v63  }
0x34: {  	s30 =	simm.s32 $0x0  }
0x35: {  	[tilespmem:s18], [sflag:$0x8] =	stream.indirect.gather [hbm4b:s3+s11], $0x40, s17, s11, $0xb8;
	[tilespmem:$0x1F480] =	vst v63  }
.LBB2_2:
0x36: {  	_ =	swait.ge [sflag:s19], $0x2000  }
0x37: {  	[sflag:s19] =	ssyncset.done $0x0  }
0x38: {  	[sflag:s19] =	ssyncadd.s32 $0xFFFFE000  }
0x39: {  	_ =	swait.ge [sflag:s19], $0x1200  }
0x3a: {  	[sflag:s19] =	ssyncset.done $0x0  }
0x3b: {  	s0 =	simm.s32 $0x6440;
	[sflag:s19] =	ssyncadd.s32 $0xFFFFEE00  }
0x3c: {  	v0 =	vld [tilespmem:s0+$0x0]  }
0x3d: {  	v4 =	vld [tilespmem:s0+$0x10]  }
0x3e: {  	v5 =	vld [tilespmem:s0+$0x20]  }
0x3f: {  	v7 =	vld [tilespmem:s0+$0xFFFFFFC0]  }
0x40: {  	v9 =	vld [tilespmem:s0+$0xFFFFFFD0];
	_ =	sdelay $0x1  }
0x41: {  	v2 =	vimm.f32 $0.0e+00;
	v11 =	vimm.f32 $0.0e+00;
	v12 =	vimm.f32 $0.0e+00  }
0x42: {  	v10 =	vld [tilespmem:s0+$0xFFFFFFE0];
	v3 =	vunpack.i.u.bf16.f32 v0;
	v14 =	vunpack.i.l.bf16.f32 v0;
	v1 =	vunpack.i.u.bf16.f32 v4  }
0x43: {  	v13 =	vunpack.i.l.bf16.f32 v4;
	v0 =	vunpack.i.u.bf16.f32 v5;
	v6 =	vunpack.i.l.bf16.f32 v5  }
0x44: {  	v8 =	vld [tilespmem:s0+$0xFFFFFFF0];
	v4 =	vunpack.i.u.bf16.f32 v7;
	v5 =	vunpack.i.l.bf16.f32 v7;
	v16 =	vunpack.i.u.bf16.f32 v9  }
0x45: {  	v18 =	vunpack.i.l.bf16.f32 v9;
	v7 =	vimm.f32 $0.0e+00;
	v17 =	vadd.f32 v5, v2  }
0x46: {  	s1 =	simm.s32 $0x0;
	v9 =	vld [tilespmem:s0+$0x30];
	s0 =	simm.s32 $0x64C0;
	v15 =	vadd.f32 v4, v2;
	v5 =	vimm.f32 $0.0e+00;
	v4 =	vimm.f32 $0.0e+00  }
.LBB2_3:
0x47: {  	v19 =	vld [tilespmem:s0+$0x0];
	v2 =	vadd.f32 v18, v2;
	v7 =	vadd.f32 v16, v7;
	v16 =	vunpack.i.u.bf16.f32 v10  }
0x48: {  	v10 =	vunpack.i.l.bf16.f32 v10;
	v18 =	vld [tilespmem:s0+$0x10];
	v17 =	vadd.f32 v14, v17;
	v15 =	vadd.f32 v3, v15  }
0x49: {  	v20 =	vld [tilespmem:s0+$0x20];
	v3 =	vunpack.i.u.bf16.f32 v8;
	v2 =	vadd.f32 v13, v2;
	v7 =	vadd.f32 v1, v7  }
0x4a: {  	v5 =	vadd.f32 v16, v5;
	v1 =	vadd.f32 v10, v11;
	v8 =	vunpack.i.l.bf16.f32 v8;
	v21 =	vld [tilespmem:s0+$0xFFFFFFC0]  }
0x4b: {  	s1 =	sadd.s32 $0x2, s1;
	v8 =	vadd.f32 v8, v12;
	v3 =	vadd.f32 v3, v4;
	v22 =	vld [tilespmem:s0+$0xFFFFFFD0];
	v4 =	vunpack.i.u.bf16.f32 v9  }
0x4c: {  	p0 =	slt.u32 s1, $0xC6;
	v5 =	vadd.f32 v0, v5;
	v11 =	vadd.f32 v6, v1;
	v0 =	vunpack.i.l.bf16.f32 v9  }
.Ltmp2:
0x4d: {  	v12 =	vadd.f32 v0, v8;
	v4 =	vadd.f32 v4, v3;
	v10 =	vld [tilespmem:s0+$0xFFFFFFE0];
	(pc) =	sbr.rel @p0 .LBB2_3-.Ltmp2, $4  }
0x4e: {  	v3 =	vunpack.i.u.bf16.f32 v19;
	v14 =	vunpack.i.l.bf16.f32 v19;
	v1 =	vunpack.i.u.bf16.f32 v18  }
0x4f: {  	v13 =	vunpack.i.l.bf16.f32 v18;
	v0 =	vunpack.i.u.bf16.f32 v20;
	v6 =	vunpack.i.l.bf16.f32 v20;
	v8 =	vld [tilespmem:s0+$0xFFFFFFF0]  }
0x50: {  	v9 =	vunpack.i.u.bf16.f32 v21;
	v18 =	vunpack.i.l.bf16.f32 v21;
	v16 =	vunpack.i.u.bf16.f32 v22  }
0x51: {  	v17 =	vadd.f32 v18, v17;
	v15 =	vadd.f32 v9, v15;
	v18 =	vunpack.i.l.bf16.f32 v22;
	v9 =	vld [tilespmem:s0+$0x30];
	s0 =	sadd.s32 $0x80, s0  }
0x52: {  	v2 =	vadd.f32 v18, v2  }
0x53: {  	v18 =	vunpack.i.l.bf16.f32 v10;
	v7 =	vadd.f32 v16, v7;
	v14 =	vadd.f32 v14, v17  }
0x54: {  	v10 =	vunpack.i.u.bf16.f32 v10;
	v11 =	vadd.f32 v18, v11;
	v2 =	vadd.f32 v13, v2  }
0x55: {  	v5 =	vadd.f32 v10, v5;
	v17 =	vunpack.i.l.bf16.f32 v8;
	v1 =	vadd.f32 v1, v7;
	[tilespmem:$0x1F400] =	vst v14  }
0x56: {  	v12 =	vadd.f32 v17, v12;
	v6 =	vadd.f32 v6, v11;
	[tilespmem:$0x1F410] =	vst v2  }
0x57: {  	v0 =	vadd.f32 v0, v5;
	v2 =	vadd.f32 v3, v15;
	v3 =	vunpack.i.u.bf16.f32 v8;
	[tilespmem:$0x1F450] =	vst v1  }
0x58: {  	v11 =	vunpack.i.l.bf16.f32 v9;
	[tilespmem:$0x1F420] =	vst v6;
	v3 =	vadd.f32 v3, v4  }
0x59: {  	s1 =	sshll.u32 s30, $0x3;
	v11 =	vadd.f32 v11, v12;
	v4 =	vunpack.i.u.bf16.f32 v9;
	[tilespmem:$0x1F460] =	vst v0  }
0x5a: {  	s0 =	sadd.s32 s5, s1;
	[tilespmem:$0x1F440] =	vst v2;
	v2 =	vadd.f32 v4, v3  }
0x5b: {  	s0 =	sshll.u32 s0, $0x4;
	[tilespmem:$0x1F430] =	vst v11  }
0x5c: {  	p0 =	seq.s32 s30, $0xF;
	s0 =	sadd.s32 s4, s0;
	[tilespmem:$0x1F470] =	vst v2  }
0x5d: {  	[hbm4b:s0+s2] =	stream.linear.scatter [tilespmem:s20], [sflag:$0x9], $0x80, $0x38;
	[tilespmem:$0x1F480] =	vst v63  }
0x5e: {  	s0 =	smul.u32 @!p0 $0x1900, s30  }
0x5f: {  	_ =	swait.ge [sflag:s8], $0x80  }
0x60: {  	s10 =	simm.s32 @!p0 $0x80;
	[sflag:s8] =	ssyncset.done $0x0;
	s31 =	sshra.s32 @!p0 s0, $0x2  }
0x61: {  	s12 =	simm.s32 @!p0 $0x6400;
	[sflag:s8] =	ssyncadd.s32 $0xFFFFFF80;
	s0 =	sadd.s32 @!p0 $0x640, s31  }
0x62: {  	[tilespmem:s12], [sflag:$0x1] =	stream.indirect.gather @!p0 [hbm4b:s3+s10], $0x40, s0, s10, $0xb8;
	[tilespmem:$0x1F480] =	vst v63  }
0x63: {  	s0 =	sadd.s32 @!p0 $0x6C0, s31;
	s10 =	simm.s32 @!p0 $0x48;
	s12 =	simm.s32 @!p0 $0x8400  }
0x64: {  	[tilespmem:s12], [sflag:$0x1] =	stream.indirect.gather @!p0 [hbm4b:s3+s10], $0x40, s0, s10, $0xb8;
	[tilespmem:$0x1F480] =	vst v63  }
0x65: {  	_ =	swait.ge [sflag:s21], $0x2000  }
0x66: {  	[sflag:s21] =	ssyncset.done $0x0  }
0x67: {  	[sflag:s21] =	ssyncadd.s32 $0xFFFFE000  }
0x68: {  	_ =	swait.ge [sflag:s21], $0x1200  }
0x69: {  	[sflag:s21] =	ssyncset.done $0x0  }
0x6a: {  	s12 =	simm.s32 $0x9670;
	[sflag:s21] =	ssyncadd.s32 $0xFFFFEE00  }
0x6b: {  	v0 =	vld [tilespmem:s12+$0xFFFFFFD0]  }
0x6c: {  	v4 =	vld [tilespmem:s12+$0xFFFFFFE0]  }
0x6d: {  	v5 =	vld [tilespmem:s12+$0xFFFFFFF0]  }
0x6e: {  	v7 =	vld [tilespmem:s12+$0xFFFFFF90]  }
0x6f: {  	v9 =	vld [tilespmem:s12+$0xFFFFFFA0];
	_ =	sdelay $0x1  }
0x70: {  	v12 =	vimm.f32 $0.0e+00;
	v11 =	vimm.f32 $0.0e+00;
	v2 =	vimm.f32 $0.0e+00  }
0x71: {  	v10 =	vld [tilespmem:s12+$0xFFFFFFB0];
	v3 =	vunpack.i.u.bf16.f32 v0;
	v14 =	vunpack.i.l.bf16.f32 v0;
	v1 =	vunpack.i.u.bf16.f32 v4  }
0x72: {  	v13 =	vunpack.i.l.bf16.f32 v4;
	v0 =	vunpack.i.u.bf16.f32 v5;
	v6 =	vunpack.i.l.bf16.f32 v5  }
0x73: {  	v8 =	vld [tilespmem:s12+$0xFFFFFFC0];
	v4 =	vunpack.i.u.bf16.f32 v7;
	v5 =	vunpack.i.l.bf16.f32 v7;
	v16 =	vunpack.i.u.bf16.f32 v9  }
0x74: {  	v18 =	vunpack.i.l.bf16.f32 v9;
	v7 =	vimm.f32 $0.0e+00;
	v17 =	vadd.f32 v5, v2  }
0x75: {  	s0 =	simm.s32 $0x0;
	s10 =	simm.s32 $0x96F0;
	v9 =	vld [tilespmem:s12+$0x0];
	v15 =	vadd.f32 v4, v2;
	v5 =	vimm.f32 $0.0e+00;
	v4 =	vimm.f32 $0.0e+00  }
.LBB2_5:
0x76: {  	v19 =	vld [tilespmem:s10+$0xFFFFFFD0];
	v2 =	vadd.f32 v18, v2;
	v7 =	vadd.f32 v16, v7;
	v16 =	vunpack.i.u.bf16.f32 v10  }
0x77: {  	v10 =	vunpack.i.l.bf16.f32 v10;
	v18 =	vld [tilespmem:s10+$0xFFFFFFE0];
	v17 =	vadd.f32 v14, v17;
	v15 =	vadd.f32 v3, v15  }
0x78: {  	v20 =	vld [tilespmem:s10+$0xFFFFFFF0];
	v3 =	vunpack.i.u.bf16.f32 v8;
	v2 =	vadd.f32 v13, v2;
	v7 =	vadd.f32 v1, v7  }
0x79: {  	v5 =	vadd.f32 v16, v5;
	v1 =	vadd.f32 v10, v11;
	v8 =	vunpack.i.l.bf16.f32 v8;
	v21 =	vld [tilespmem:s10+$0xFFFFFF90]  }
0x7a: {  	s0 =	sadd.s32 $0x2, s0;
	v8 =	vadd.f32 v8, v12;
	v3 =	vadd.f32 v3, v4;
	v22 =	vld [tilespmem:s10+$0xFFFFFFA0];
	v4 =	vunpack.i.u.bf16.f32 v9  }
0x7b: {  	p1 =	slt.u32 s0, $0xC6;
	v5 =	vadd.f32 v0, v5;
	v11 =	vadd.f32 v6, v1;
	v0 =	vunpack.i.l.bf16.f32 v9  }
.Ltmp3:
0x7c: {  	v12 =	vadd.f32 v0, v8;
	v4 =	vadd.f32 v4, v3;
	v10 =	vld [tilespmem:s10+$0xFFFFFFB0];
	(pc) =	sbr.rel @p1 .LBB2_5-.Ltmp3, $4  }
0x7d: {  	v3 =	vunpack.i.u.bf16.f32 v19;
	v14 =	vunpack.i.l.bf16.f32 v19;
	v1 =	vunpack.i.u.bf16.f32 v18  }
0x7e: {  	v13 =	vunpack.i.l.bf16.f32 v18;
	v0 =	vunpack.i.u.bf16.f32 v20;
	v6 =	vunpack.i.l.bf16.f32 v20;
	v8 =	vld [tilespmem:s10+$0xFFFFFFC0]  }
0x7f: {  	v9 =	vunpack.i.u.bf16.f32 v21;
	v18 =	vunpack.i.l.bf16.f32 v21;
	v16 =	vunpack.i.u.bf16.f32 v22  }
0x80: {  	v17 =	vadd.f32 v18, v17;
	v15 =	vadd.f32 v9, v15;
	v18 =	vunpack.i.l.bf16.f32 v22;
	v9 =	vld [tilespmem:s10+$0x0];
	s10 =	sadd.s32 $0x80, s10  }
0x81: {  	v2 =	vadd.f32 v18, v2  }
0x82: {  	v18 =	vunpack.i.l.bf16.f32 v10;
	v7 =	vadd.f32 v16, v7;
	v14 =	vadd.f32 v14, v17  }
0x83: {  	v10 =	vunpack.i.u.bf16.f32 v10;
	v11 =	vadd.f32 v18, v11;
	v2 =	vadd.f32 v13, v2  }
0x84: {  	v5 =	vadd.f32 v10, v5;
	v17 =	vunpack.i.l.bf16.f32 v8;
	v1 =	vadd.f32 v1, v7;
	[tilespmem:$0x1F400] =	vst v14  }
0x85: {  	v12 =	vadd.f32 v17, v12;
	v6 =	vadd.f32 v6, v11;
	[tilespmem:$0x1F410] =	vst v2  }
0x86: {  	v0 =	vadd.f32 v0, v5;
	v2 =	vadd.f32 v3, v15;
	v3 =	vunpack.i.u.bf16.f32 v8;
	[tilespmem:$0x1F450] =	vst v1  }
0x87: {  	s0 =	sadd.s32 s1, s5;
	v11 =	vunpack.i.l.bf16.f32 v9;
	[tilespmem:$0x1F420] =	vst v6;
	v3 =	vadd.f32 v3, v4  }
0x88: {  	s1 =	sshll.u32 s0, $0x4;
	v11 =	vadd.f32 v11, v12;
	v4 =	vunpack.i.u.bf16.f32 v9;
	[tilespmem:$0x1F460] =	vst v0  }
0x89: {  	s0 =	sadd.s32 $0x10, s1;
	[tilespmem:$0x1F440] =	vst v2;
	v2 =	vadd.f32 v4, v3  }
0x8a: {  	s0 =	sand.u32 $0x1FFFFF90, s0;
	[tilespmem:$0x1F430] =	vst v11  }
0x8b: {  	s0 =	sadd.s32 s4, s0;
	[tilespmem:$0x1F470] =	vst v2  }
0x8c: {  	[hbm4b:s0+s2] =	stream.linear.scatter [tilespmem:s20], [sflag:$0x9], $0x80, $0x38;
	[tilespmem:$0x1F480] =	vst v63  }
0x8d: {  	_ =	swait.ge [sflag:s8], $0x80  }
0x8e: {  	s10 =	simm.s32 @!p0 $0x80;
	[sflag:s8] =	ssyncset.done $0x0  }
0x8f: {  	s12 =	simm.s32 @!p0 $0x9600;
	s0 =	sadd.s32 @!p0 $0x708, s31;
	[sflag:s8] =	ssyncadd.s32 $0xFFFFFF80  }
0x90: {  	[tilespmem:s12], [sflag:$0x2] =	stream.indirect.gather @!p0 [hbm4b:s3+s10], $0x40, s0, s10, $0xb8;
	[tilespmem:$0x1F480] =	vst v63  }
0x91: {  	s0 =	sadd.s32 @!p0 $0x788, s31;
	s10 =	simm.s32 @!p0 $0x48;
	s12 =	simm.s32 @!p0 $0xB600  }
0x92: {  	[tilespmem:s12], [sflag:$0x2] =	stream.indirect.gather @!p0 [hbm4b:s3+s10], $0x40, s0, s10, $0xb8;
	[tilespmem:$0x1F480] =	vst v63  }
0x93: {  	_ =	swait.ge [sflag:s22], $0x2000  }
0x94: {  	[sflag:s22] =	ssyncset.done $0x0  }
0x95: {  	[sflag:s22] =	ssyncadd.s32 $0xFFFFE000  }
0x96: {  	_ =	swait.ge [sflag:s22], $0x1200  }
0x97: {  	[sflag:s22] =	ssyncset.done $0x0  }
0x98: {  	s12 =	simm.s32 $0xC800;
	[sflag:s22] =	ssyncadd.s32 $0xFFFFEE00  }
0x99: {  	v0 =	vld [tilespmem:s12+$0x40]  }
0x9a: {  	v4 =	vld [tilespmem:s12+$0x50]  }
0x9b: {  	v5 =	vld [tilespmem:s12+$0x60]  }
0x9c: {  	v7 =	vld [tilespmem:s12+$0x0]  }
0x9d: {  	v9 =	vld [tilespmem:s12+$0x10];
	_ =	sdelay $0x1  }
0x9e: {  	v12 =	vimm.f32 $0.0e+00;
	v11 =	vimm.f32 $0.0e+00;
	v2 =	vimm.f32 $0.0e+00  }
0x9f: {  	v10 =	vld [tilespmem:s12+$0x20];
	v3 =	vunpack.i.u.bf16.f32 v0;
	v14 =	vunpack.i.l.bf16.f32 v0;
	v1 =	vunpack.i.u.bf16.f32 v4  }
0xa0: {  	v13 =	vunpack.i.l.bf16.f32 v4;
	v0 =	vunpack.i.u.bf16.f32 v5;
	v6 =	vunpack.i.l.bf16.f32 v5  }
0xa1: {  	v8 =	vld [tilespmem:s12+$0x30];
	v4 =	vunpack.i.u.bf16.f32 v7;
	v5 =	vunpack.i.l.bf16.f32 v7;
	v16 =	vunpack.i.u.bf16.f32 v9  }
0xa2: {  	v18 =	vunpack.i.l.bf16.f32 v9;
	v7 =	vimm.f32 $0.0e+00;
	v17 =	vadd.f32 v5, v2  }
0xa3: {  	s0 =	simm.s32 $0x0;
	s10 =	simm.s32 $0xC880;
	v9 =	vld [tilespmem:s12+$0x70];
	v15 =	vadd.f32 v4, v2;
	v5 =	vimm.f32 $0.0e+00;
	v4 =	vimm.f32 $0.0e+00  }
.LBB2_7:
0xa4: {  	v19 =	vld [tilespmem:s10+$0x40];
	v2 =	vadd.f32 v18, v2;
	v7 =	vadd.f32 v16, v7;
	v16 =	vunpack.i.u.bf16.f32 v10  }
0xa5: {  	v10 =	vunpack.i.l.bf16.f32 v10;
	v18 =	vld [tilespmem:s10+$0x50];
	v17 =	vadd.f32 v14, v17;
	v15 =	vadd.f32 v3, v15  }
0xa6: {  	v20 =	vld [tilespmem:s10+$0x60];
	v3 =	vunpack.i.u.bf16.f32 v8;
	v2 =	vadd.f32 v13, v2;
	v7 =	vadd.f32 v1, v7  }
0xa7: {  	v5 =	vadd.f32 v16, v5;
	v1 =	vadd.f32 v10, v11;
	v8 =	vunpack.i.l.bf16.f32 v8;
	v21 =	vld [tilespmem:s10+$0x0]  }
0xa8: {  	s0 =	sadd.s32 $0x2, s0;
	v8 =	vadd.f32 v8, v12;
	v3 =	vadd.f32 v3, v4;
	v22 =	vld [tilespmem:s10+$0x10];
	v4 =	vunpack.i.u.bf16.f32 v9  }
0xa9: {  	p1 =	slt.u32 s0, $0xC6;
	v5 =	vadd.f32 v0, v5;
	v11 =	vadd.f32 v6, v1;
	v0 =	vunpack.i.l.bf16.f32 v9  }
.Ltmp4:
0xaa: {  	v12 =	vadd.f32 v0, v8;
	v4 =	vadd.f32 v4, v3;
	v10 =	vld [tilespmem:s10+$0x20];
	(pc) =	sbr.rel @p1 .LBB2_7-.Ltmp4, $4  }
0xab: {  	v3 =	vunpack.i.u.bf16.f32 v19;
	v14 =	vunpack.i.l.bf16.f32 v19;
	v1 =	vunpack.i.u.bf16.f32 v18  }
0xac: {  	v13 =	vunpack.i.l.bf16.f32 v18;
	v0 =	vunpack.i.u.bf16.f32 v20;
	v6 =	vunpack.i.l.bf16.f32 v20;
	v8 =	vld [tilespmem:s10+$0x30]  }
0xad: {  	v9 =	vunpack.i.u.bf16.f32 v21;
	v18 =	vunpack.i.l.bf16.f32 v21;
	v16 =	vunpack.i.u.bf16.f32 v22  }
0xae: {  	v17 =	vadd.f32 v18, v17;
	v15 =	vadd.f32 v9, v15;
	v18 =	vunpack.i.l.bf16.f32 v22;
	v9 =	vld [tilespmem:s10+$0x70];
	s10 =	sadd.s32 $0x80, s10  }
0xaf: {  	v2 =	vadd.f32 v18, v2  }
0xb0: {  	v18 =	vunpack.i.l.bf16.f32 v10;
	v7 =	vadd.f32 v16, v7;
	v14 =	vadd.f32 v14, v17  }
0xb1: {  	v10 =	vunpack.i.u.bf16.f32 v10;
	v11 =	vadd.f32 v18, v11;
	v2 =	vadd.f32 v13, v2  }
0xb2: {  	v5 =	vadd.f32 v10, v5;
	v17 =	vunpack.i.l.bf16.f32 v8;
	v1 =	vadd.f32 v1, v7;
	[tilespmem:$0x1F400] =	vst v14  }
0xb3: {  	v12 =	vadd.f32 v17, v12;
	v6 =	vadd.f32 v6, v11;
	[tilespmem:$0x1F410] =	vst v2  }
0xb4: {  	v0 =	vadd.f32 v0, v5;
	v2 =	vadd.f32 v3, v15;
	v3 =	vunpack.i.u.bf16.f32 v8;
	[tilespmem:$0x1F450] =	vst v1  }
0xb5: {  	v11 =	vunpack.i.l.bf16.f32 v9;
	[tilespmem:$0x1F420] =	vst v6;
	v3 =	vadd.f32 v3, v4  }
0xb6: {  	v11 =	vadd.f32 v11, v12;
	v4 =	vunpack.i.u.bf16.f32 v9;
	[tilespmem:$0x1F460] =	vst v0  }
0xb7: {  	s0 =	sadd.s32 $0x20, s1;
	[tilespmem:$0x1F440] =	vst v2;
	v2 =	vadd.f32 v4, v3  }
0xb8: {  	s0 =	sand.u32 $0x1FFFFFA0, s0;
	[tilespmem:$0x1F430] =	vst v11  }
0xb9: {  	s0 =	sadd.s32 s4, s0;
	[tilespmem:$0x1F470] =	vst v2  }
0xba: {  	[hbm4b:s0+s2] =	stream.linear.scatter [tilespmem:s20], [sflag:$0x9], $0x80, $0x38;
	[tilespmem:$0x1F480] =	vst v63  }
0xbb: {  	_ =	swait.ge [sflag:s8], $0x80  }
0xbc: {  	s10 =	simm.s32 @!p0 $0x80;
	[sflag:s8] =	ssyncset.done $0x0  }
0xbd: {  	s12 =	simm.s32 @!p0 $0xC800;
	s0 =	sadd.s32 @!p0 $0x7D0, s31;
	[sflag:s8] =	ssyncadd.s32 $0xFFFFFF80  }
0xbe: {  	[tilespmem:s12], [sflag:$0x3] =	stream.indirect.gather @!p0 [hbm4b:s3+s10], $0x40, s0, s10, $0xb8;
	[tilespmem:$0x1F480] =	vst v63  }
0xbf: {  	s0 =	sadd.s32 @!p0 $0x850, s31;
	s10 =	simm.s32 @!p0 $0x48;
	s12 =	simm.s32 @!p0 $0xE800  }
0xc0: {  	[tilespmem:s12], [sflag:$0x3] =	stream.indirect.gather @!p0 [hbm4b:s3+s10], $0x40, s0, s10, $0xb8;
	[tilespmem:$0x1F480] =	vst v63  }
0xc1: {  	_ =	swait.ge [sflag:s23], $0x2000  }
0xc2: {  	[sflag:s23] =	ssyncset.done $0x0  }
0xc3: {  	[sflag:s23] =	ssyncadd.s32 $0xFFFFE000  }
0xc4: {  	_ =	swait.ge [sflag:s23], $0x1200  }
0xc5: {  	[sflag:s23] =	ssyncset.done $0x0  }
0xc6: {  	s12 =	simm.s32 $0xFA00;
	[sflag:s23] =	ssyncadd.s32 $0xFFFFEE00  }
0xc7: {  	v0 =	vld [tilespmem:s12+$0x40]  }
0xc8: {  	v4 =	vld [tilespmem:s12+$0x50]  }
0xc9: {  	v5 =	vld [tilespmem:s12+$0x60]  }
0xca: {  	v7 =	vld [tilespmem:s12+$0x0]  }
0xcb: {  	v9 =	vld [tilespmem:s12+$0x10];
	_ =	sdelay $0x1  }
0xcc: {  	v12 =	vimm.f32 $0.0e+00;
	v11 =	vimm.f32 $0.0e+00;
	v2 =	vimm.f32 $0.0e+00  }
0xcd: {  	v10 =	vld [tilespmem:s12+$0x20];
	v3 =	vunpack.i.u.bf16.f32 v0;
	v14 =	vunpack.i.l.bf16.f32 v0;
	v1 =	vunpack.i.u.bf16.f32 v4  }
0xce: {  	v13 =	vunpack.i.l.bf16.f32 v4;
	v0 =	vunpack.i.u.bf16.f32 v5;
	v6 =	vunpack.i.l.bf16.f32 v5  }
0xcf: {  	v8 =	vld [tilespmem:s12+$0x30];
	v4 =	vunpack.i.u.bf16.f32 v7;
	v5 =	vunpack.i.l.bf16.f32 v7;
	v16 =	vunpack.i.u.bf16.f32 v9  }
0xd0: {  	v18 =	vunpack.i.l.bf16.f32 v9;
	v7 =	vimm.f32 $0.0e+00;
	v17 =	vadd.f32 v5, v2  }
0xd1: {  	s0 =	simm.s32 $0x0;
	s10 =	simm.s32 $0xFA80;
	v9 =	vld [tilespmem:s12+$0x70];
	v15 =	vadd.f32 v4, v2;
	v5 =	vimm.f32 $0.0e+00;
	v4 =	vimm.f32 $0.0e+00  }
.LBB2_9:
0xd2: {  	v19 =	vld [tilespmem:s10+$0x40];
	v2 =	vadd.f32 v18, v2;
	v7 =	vadd.f32 v16, v7;
	v16 =	vunpack.i.u.bf16.f32 v10  }
0xd3: {  	v10 =	vunpack.i.l.bf16.f32 v10;
	v18 =	vld [tilespmem:s10+$0x50];
	v17 =	vadd.f32 v14, v17;
	v15 =	vadd.f32 v3, v15  }
0xd4: {  	v20 =	vld [tilespmem:s10+$0x60];
	v3 =	vunpack.i.u.bf16.f32 v8;
	v2 =	vadd.f32 v13, v2;
	v7 =	vadd.f32 v1, v7  }
0xd5: {  	v5 =	vadd.f32 v16, v5;
	v1 =	vadd.f32 v10, v11;
	v8 =	vunpack.i.l.bf16.f32 v8;
	v21 =	vld [tilespmem:s10+$0x0]  }
0xd6: {  	s0 =	sadd.s32 $0x2, s0;
	v8 =	vadd.f32 v8, v12;
	v3 =	vadd.f32 v3, v4;
	v22 =	vld [tilespmem:s10+$0x10];
	v4 =	vunpack.i.u.bf16.f32 v9  }
0xd7: {  	p1 =	slt.u32 s0, $0xC6;
	v5 =	vadd.f32 v0, v5;
	v11 =	vadd.f32 v6, v1;
	v0 =	vunpack.i.l.bf16.f32 v9  }
.Ltmp5:
0xd8: {  	v12 =	vadd.f32 v0, v8;
	v4 =	vadd.f32 v4, v3;
	v10 =	vld [tilespmem:s10+$0x20];
	(pc) =	sbr.rel @p1 .LBB2_9-.Ltmp5, $4  }
0xd9: {  	v3 =	vunpack.i.u.bf16.f32 v19;
	v14 =	vunpack.i.l.bf16.f32 v19;
	v1 =	vunpack.i.u.bf16.f32 v18  }
0xda: {  	v13 =	vunpack.i.l.bf16.f32 v18;
	v0 =	vunpack.i.u.bf16.f32 v20;
	v6 =	vunpack.i.l.bf16.f32 v20;
	v8 =	vld [tilespmem:s10+$0x30]  }
0xdb: {  	v9 =	vunpack.i.u.bf16.f32 v21;
	v18 =	vunpack.i.l.bf16.f32 v21;
	v16 =	vunpack.i.u.bf16.f32 v22  }
0xdc: {  	v17 =	vadd.f32 v18, v17;
	v15 =	vadd.f32 v9, v15;
	v18 =	vunpack.i.l.bf16.f32 v22;
	v9 =	vld [tilespmem:s10+$0x70];
	s10 =	sadd.s32 $0x80, s10  }
0xdd: {  	v2 =	vadd.f32 v18, v2  }
0xde: {  	v18 =	vunpack.i.l.bf16.f32 v10;
	v7 =	vadd.f32 v16, v7;
	v14 =	vadd.f32 v14, v17  }
0xdf: {  	v10 =	vunpack.i.u.bf16.f32 v10;
	v11 =	vadd.f32 v18, v11;
	v2 =	vadd.f32 v13, v2  }
0xe0: {  	v5 =	vadd.f32 v10, v5;
	v17 =	vunpack.i.l.bf16.f32 v8;
	v1 =	vadd.f32 v1, v7;
	[tilespmem:$0x1F400] =	vst v14  }
0xe1: {  	v12 =	vadd.f32 v17, v12;
	v6 =	vadd.f32 v6, v11;
	[tilespmem:$0x1F410] =	vst v2  }
0xe2: {  	v0 =	vadd.f32 v0, v5;
	v2 =	vadd.f32 v3, v15;
	v3 =	vunpack.i.u.bf16.f32 v8;
	[tilespmem:$0x1F450] =	vst v1  }
0xe3: {  	v11 =	vunpack.i.l.bf16.f32 v9;
	[tilespmem:$0x1F420] =	vst v6;
	v3 =	vadd.f32 v3, v4  }
0xe4: {  	v11 =	vadd.f32 v11, v12;
	v4 =	vunpack.i.u.bf16.f32 v9;
	[tilespmem:$0x1F460] =	vst v0  }
0xe5: {  	s0 =	sadd.s32 $0x30, s1;
	[tilespmem:$0x1F440] =	vst v2;
	v2 =	vadd.f32 v4, v3  }
0xe6: {  	s0 =	sand.u32 $0x1FFFFFB0, s0;
	[tilespmem:$0x1F430] =	vst v11  }
0xe7: {  	s0 =	sadd.s32 s4, s0;
	[tilespmem:$0x1F470] =	vst v2  }
0xe8: {  	[hbm4b:s0+s2] =	stream.linear.scatter [tilespmem:s20], [sflag:$0x9], $0x80, $0x38;
	[tilespmem:$0x1F480] =	vst v63  }
0xe9: {  	_ =	swait.ge [sflag:s8], $0x80  }
0xea: {  	s10 =	simm.s32 @!p0 $0x80;
	[sflag:s8] =	ssyncset.done $0x0  }
0xeb: {  	s12 =	simm.s32 @!p0 $0xFA00;
	s0 =	sadd.s32 @!p0 $0x898, s31;
	[sflag:s8] =	ssyncadd.s32 $0xFFFFFF80  }
0xec: {  	[tilespmem:s12], [sflag:$0x4] =	stream.indirect.gather @!p0 [hbm4b:s3+s10], $0x40, s0, s10, $0xb8;
	[tilespmem:$0x1F480] =	vst v63  }
0xed: {  	s0 =	sadd.s32 @!p0 $0x918, s31;
	s10 =	simm.s32 @!p0 $0x48;
	s12 =	simm.s32 @!p0 $0x11A00  }
0xee: {  	[tilespmem:s12], [sflag:$0x4] =	stream.indirect.gather @!p0 [hbm4b:s3+s10], $0x40, s0, s10, $0xb8;
	[tilespmem:$0x1F480] =	vst v63  }
0xef: {  	_ =	swait.ge [sflag:s24], $0x2000  }
0xf0: {  	[sflag:s24] =	ssyncset.done $0x0  }
0xf1: {  	[sflag:s24] =	ssyncadd.s32 $0xFFFFE000  }
0xf2: {  	_ =	swait.ge [sflag:s24], $0x1200  }
0xf3: {  	[sflag:s24] =	ssyncset.done $0x0  }
0xf4: {  	s12 =	simm.s32 $0x12C00;
	[sflag:s24] =	ssyncadd.s32 $0xFFFFEE00  }
0xf5: {  	v0 =	vld [tilespmem:s12+$0x40]  }
0xf6: {  	v4 =	vld [tilespmem:s12+$0x50]  }
0xf7: {  	v5 =	vld [tilespmem:s12+$0x60]  }
0xf8: {  	v7 =	vld [tilespmem:s12+$0x0]  }
0xf9: {  	v9 =	vld [tilespmem:s12+$0x10];
	_ =	sdelay $0x1  }
0xfa: {  	v12 =	vimm.f32 $0.0e+00;
	v11 =	vimm.f32 $0.0e+00;
	v2 =	vimm.f32 $0.0e+00  }
0xfb: {  	v10 =	vld [tilespmem:s12+$0x20];
	v3 =	vunpack.i.u.bf16.f32 v0;
	v14 =	vunpack.i.l.bf16.f32 v0;
	v1 =	vunpack.i.u.bf16.f32 v4  }
0xfc: {  	v13 =	vunpack.i.l.bf16.f32 v4;
	v0 =	vunpack.i.u.bf16.f32 v5;
	v6 =	vunpack.i.l.bf16.f32 v5  }
0xfd: {  	v8 =	vld [tilespmem:s12+$0x30];
	v4 =	vunpack.i.u.bf16.f32 v7;
	v5 =	vunpack.i.l.bf16.f32 v7;
	v16 =	vunpack.i.u.bf16.f32 v9  }
0xfe: {  	v18 =	vunpack.i.l.bf16.f32 v9;
	v7 =	vimm.f32 $0.0e+00;
	v17 =	vadd.f32 v5, v2  }
0xff: {  	s0 =	simm.s32 $0x0;
	s10 =	simm.s32 $0x12C80;
	v9 =	vld [tilespmem:s12+$0x70];
	v15 =	vadd.f32 v4, v2;
	v5 =	vimm.f32 $0.0e+00;
	v4 =	vimm.f32 $0.0e+00  }
.LBB2_11:
0x100: {  	v19 =	vld [tilespmem:s10+$0x40];
	v2 =	vadd.f32 v18, v2;
	v7 =	vadd.f32 v16, v7;
	v16 =	vunpack.i.u.bf16.f32 v10  }
0x101: {  	v10 =	vunpack.i.l.bf16.f32 v10;
	v18 =	vld [tilespmem:s10+$0x50];
	v17 =	vadd.f32 v14, v17;
	v15 =	vadd.f32 v3, v15  }
0x102: {  	v20 =	vld [tilespmem:s10+$0x60];
	v3 =	vunpack.i.u.bf16.f32 v8;
	v2 =	vadd.f32 v13, v2;
	v7 =	vadd.f32 v1, v7  }
0x103: {  	v5 =	vadd.f32 v16, v5;
	v1 =	vadd.f32 v10, v11;
	v8 =	vunpack.i.l.bf16.f32 v8;
	v21 =	vld [tilespmem:s10+$0x0]  }
0x104: {  	s0 =	sadd.s32 $0x2, s0;
	v8 =	vadd.f32 v8, v12;
	v3 =	vadd.f32 v3, v4;
	v22 =	vld [tilespmem:s10+$0x10];
	v4 =	vunpack.i.u.bf16.f32 v9  }
0x105: {  	p1 =	slt.u32 s0, $0xC6;
	v5 =	vadd.f32 v0, v5;
	v11 =	vadd.f32 v6, v1;
	v0 =	vunpack.i.l.bf16.f32 v9  }
.Ltmp6:
0x106: {  	v12 =	vadd.f32 v0, v8;
	v4 =	vadd.f32 v4, v3;
	v10 =	vld [tilespmem:s10+$0x20];
	(pc) =	sbr.rel @p1 .LBB2_11-.Ltmp6, $4  }
0x107: {  	v3 =	vunpack.i.u.bf16.f32 v19;
	v14 =	vunpack.i.l.bf16.f32 v19;
	v1 =	vunpack.i.u.bf16.f32 v18  }
0x108: {  	v13 =	vunpack.i.l.bf16.f32 v18;
	v0 =	vunpack.i.u.bf16.f32 v20;
	v6 =	vunpack.i.l.bf16.f32 v20;
	v8 =	vld [tilespmem:s10+$0x30]  }
0x109: {  	v9 =	vunpack.i.u.bf16.f32 v21;
	v18 =	vunpack.i.l.bf16.f32 v21;
	v16 =	vunpack.i.u.bf16.f32 v22  }
0x10a: {  	v17 =	vadd.f32 v18, v17;
	v15 =	vadd.f32 v9, v15;
	v18 =	vunpack.i.l.bf16.f32 v22;
	v9 =	vld [tilespmem:s10+$0x70];
	s10 =	sadd.s32 $0x80, s10  }
0x10b: {  	v2 =	vadd.f32 v18, v2  }
0x10c: {  	v18 =	vunpack.i.l.bf16.f32 v10;
	v7 =	vadd.f32 v16, v7;
	v14 =	vadd.f32 v14, v17  }
0x10d: {  	v10 =	vunpack.i.u.bf16.f32 v10;
	v11 =	vadd.f32 v18, v11;
	v2 =	vadd.f32 v13, v2  }
0x10e: {  	v5 =	vadd.f32 v10, v5;
	v17 =	vunpack.i.l.bf16.f32 v8;
	v1 =	vadd.f32 v1, v7;
	[tilespmem:$0x1F400] =	vst v14  }
0x10f: {  	v12 =	vadd.f32 v17, v12;
	v6 =	vadd.f32 v6, v11;
	[tilespmem:$0x1F410] =	vst v2  }
0x110: {  	v0 =	vadd.f32 v0, v5;
	v2 =	vadd.f32 v3, v15;
	v3 =	vunpack.i.u.bf16.f32 v8;
	[tilespmem:$0x1F450] =	vst v1  }
0x111: {  	v11 =	vunpack.i.l.bf16.f32 v9;
	[tilespmem:$0x1F420] =	vst v6;
	v3 =	vadd.f32 v3, v4  }
0x112: {  	v11 =	vadd.f32 v11, v12;
	v4 =	vunpack.i.u.bf16.f32 v9;
	[tilespmem:$0x1F460] =	vst v0  }
0x113: {  	s0 =	sadd.s32 $0x40, s1;
	[tilespmem:$0x1F440] =	vst v2;
	v2 =	vadd.f32 v4, v3  }
0x114: {  	s0 =	sand.u32 $0x1FFFFFC0, s0;
	[tilespmem:$0x1F430] =	vst v11  }
0x115: {  	s0 =	sadd.s32 s4, s0;
	[tilespmem:$0x1F470] =	vst v2  }
0x116: {  	[hbm4b:s0+s2] =	stream.linear.scatter [tilespmem:s20], [sflag:$0x9], $0x80, $0x38;
	[tilespmem:$0x1F480] =	vst v63  }
0x117: {  	_ =	swait.ge [sflag:s8], $0x80  }
0x118: {  	s10 =	simm.s32 @!p0 $0x80;
	[sflag:s8] =	ssyncset.done $0x0  }
0x119: {  	s12 =	simm.s32 @!p0 $0x12C00;
	s0 =	sadd.s32 @!p0 $0x960, s31;
	[sflag:s8] =	ssyncadd.s32 $0xFFFFFF80  }
0x11a: {  	[tilespmem:s12], [sflag:$0x5] =	stream.indirect.gather @!p0 [hbm4b:s3+s10], $0x40, s0, s10, $0xb8;
	[tilespmem:$0x1F480] =	vst v63  }
0x11b: {  	s0 =	sadd.s32 @!p0 $0x9E0, s31;
	s10 =	simm.s32 @!p0 $0x48;
	s12 =	simm.s32 @!p0 $0x14C00  }
0x11c: {  	[tilespmem:s12], [sflag:$0x5] =	stream.indirect.gather @!p0 [hbm4b:s3+s10], $0x40, s0, s10, $0xb8;
	[tilespmem:$0x1F480] =	vst v63  }
0x11d: {  	_ =	swait.ge [sflag:s25], $0x2000  }
0x11e: {  	[sflag:s25] =	ssyncset.done $0x0  }
0x11f: {  	[sflag:s25] =	ssyncadd.s32 $0xFFFFE000  }
0x120: {  	_ =	swait.ge [sflag:s25], $0x1200  }
0x121: {  	[sflag:s25] =	ssyncset.done $0x0  }
0x122: {  	s12 =	simm.s32 $0x15E00;
	[sflag:s25] =	ssyncadd.s32 $0xFFFFEE00  }
0x123: {  	v0 =	vld [tilespmem:s12+$0x40]  }
0x124: {  	v4 =	vld [tilespmem:s12+$0x50]  }
0x125: {  	v5 =	vld [tilespmem:s12+$0x60]  }
0x126: {  	v7 =	vld [tilespmem:s12+$0x0]  }
0x127: {  	v9 =	vld [tilespmem:s12+$0x10];
	_ =	sdelay $0x1  }
0x128: {  	v12 =	vimm.f32 $0.0e+00;
	v11 =	vimm.f32 $0.0e+00;
	v2 =	vimm.f32 $0.0e+00  }
0x129: {  	v10 =	vld [tilespmem:s12+$0x20];
	v3 =	vunpack.i.u.bf16.f32 v0;
	v14 =	vunpack.i.l.bf16.f32 v0;
	v1 =	vunpack.i.u.bf16.f32 v4  }
0x12a: {  	v13 =	vunpack.i.l.bf16.f32 v4;
	v0 =	vunpack.i.u.bf16.f32 v5;
	v6 =	vunpack.i.l.bf16.f32 v5  }
0x12b: {  	v8 =	vld [tilespmem:s12+$0x30];
	v4 =	vunpack.i.u.bf16.f32 v7;
	v5 =	vunpack.i.l.bf16.f32 v7;
	v16 =	vunpack.i.u.bf16.f32 v9  }
0x12c: {  	v18 =	vunpack.i.l.bf16.f32 v9;
	v7 =	vimm.f32 $0.0e+00;
	v17 =	vadd.f32 v5, v2  }
0x12d: {  	s0 =	simm.s32 $0x0;
	s10 =	simm.s32 $0x15E80;
	v9 =	vld [tilespmem:s12+$0x70];
	v15 =	vadd.f32 v4, v2;
	v5 =	vimm.f32 $0.0e+00;
	v4 =	vimm.f32 $0.0e+00  }
.LBB2_13:
0x12e: {  	v19 =	vld [tilespmem:s10+$0x40];
	v2 =	vadd.f32 v18, v2;
	v7 =	vadd.f32 v16, v7;
	v16 =	vunpack.i.u.bf16.f32 v10  }
0x12f: {  	v10 =	vunpack.i.l.bf16.f32 v10;
	v18 =	vld [tilespmem:s10+$0x50];
	v17 =	vadd.f32 v14, v17;
	v15 =	vadd.f32 v3, v15  }
0x130: {  	v20 =	vld [tilespmem:s10+$0x60];
	v3 =	vunpack.i.u.bf16.f32 v8;
	v2 =	vadd.f32 v13, v2;
	v7 =	vadd.f32 v1, v7  }
0x131: {  	v5 =	vadd.f32 v16, v5;
	v1 =	vadd.f32 v10, v11;
	v8 =	vunpack.i.l.bf16.f32 v8;
	v21 =	vld [tilespmem:s10+$0x0]  }
0x132: {  	s0 =	sadd.s32 $0x2, s0;
	v8 =	vadd.f32 v8, v12;
	v3 =	vadd.f32 v3, v4;
	v22 =	vld [tilespmem:s10+$0x10];
	v4 =	vunpack.i.u.bf16.f32 v9  }
0x133: {  	p1 =	slt.u32 s0, $0xC6;
	v5 =	vadd.f32 v0, v5;
	v11 =	vadd.f32 v6, v1;
	v0 =	vunpack.i.l.bf16.f32 v9  }
.Ltmp7:
0x134: {  	v12 =	vadd.f32 v0, v8;
	v4 =	vadd.f32 v4, v3;
	v10 =	vld [tilespmem:s10+$0x20];
	(pc) =	sbr.rel @p1 .LBB2_13-.Ltmp7, $4  }
0x135: {  	v3 =	vunpack.i.u.bf16.f32 v19;
	v14 =	vunpack.i.l.bf16.f32 v19;
	v1 =	vunpack.i.u.bf16.f32 v18  }
0x136: {  	v13 =	vunpack.i.l.bf16.f32 v18;
	v0 =	vunpack.i.u.bf16.f32 v20;
	v6 =	vunpack.i.l.bf16.f32 v20;
	v8 =	vld [tilespmem:s10+$0x30]  }
0x137: {  	v9 =	vunpack.i.u.bf16.f32 v21;
	v18 =	vunpack.i.l.bf16.f32 v21;
	v16 =	vunpack.i.u.bf16.f32 v22  }
0x138: {  	v17 =	vadd.f32 v18, v17;
	v15 =	vadd.f32 v9, v15;
	v18 =	vunpack.i.l.bf16.f32 v22;
	v9 =	vld [tilespmem:s10+$0x70];
	s10 =	sadd.s32 $0x80, s10  }
0x139: {  	v2 =	vadd.f32 v18, v2  }
0x13a: {  	v18 =	vunpack.i.l.bf16.f32 v10;
	v7 =	vadd.f32 v16, v7;
	v14 =	vadd.f32 v14, v17  }
0x13b: {  	v10 =	vunpack.i.u.bf16.f32 v10;
	v11 =	vadd.f32 v18, v11;
	v2 =	vadd.f32 v13, v2  }
0x13c: {  	v5 =	vadd.f32 v10, v5;
	v17 =	vunpack.i.l.bf16.f32 v8;
	v1 =	vadd.f32 v1, v7;
	[tilespmem:$0x1F400] =	vst v14  }
0x13d: {  	v12 =	vadd.f32 v17, v12;
	v6 =	vadd.f32 v6, v11;
	[tilespmem:$0x1F410] =	vst v2  }
0x13e: {  	v0 =	vadd.f32 v0, v5;
	v2 =	vadd.f32 v3, v15;
	v3 =	vunpack.i.u.bf16.f32 v8;
	[tilespmem:$0x1F450] =	vst v1  }
0x13f: {  	v11 =	vunpack.i.l.bf16.f32 v9;
	[tilespmem:$0x1F420] =	vst v6;
	v3 =	vadd.f32 v3, v4  }
0x140: {  	v11 =	vadd.f32 v11, v12;
	v4 =	vunpack.i.u.bf16.f32 v9;
	[tilespmem:$0x1F460] =	vst v0  }
0x141: {  	s0 =	sadd.s32 $0x50, s1;
	[tilespmem:$0x1F440] =	vst v2;
	v2 =	vadd.f32 v4, v3  }
0x142: {  	s0 =	sand.u32 $0x1FFFFFD0, s0;
	[tilespmem:$0x1F430] =	vst v11  }
0x143: {  	s0 =	sadd.s32 s4, s0;
	[tilespmem:$0x1F470] =	vst v2  }
0x144: {  	[hbm4b:s0+s2] =	stream.linear.scatter [tilespmem:s20], [sflag:$0x9], $0x80, $0x38;
	[tilespmem:$0x1F480] =	vst v63  }
0x145: {  	_ =	swait.ge [sflag:s8], $0x80  }
0x146: {  	s10 =	simm.s32 @!p0 $0x80;
	[sflag:s8] =	ssyncset.done $0x0  }
0x147: {  	s12 =	simm.s32 @!p0 $0x15E00;
	s0 =	sadd.s32 @!p0 $0xA28, s31;
	[sflag:s8] =	ssyncadd.s32 $0xFFFFFF80  }
0x148: {  	[tilespmem:s12], [sflag:$0x6] =	stream.indirect.gather @!p0 [hbm4b:s3+s10], $0x40, s0, s10, $0xb8;
	[tilespmem:$0x1F480] =	vst v63  }
0x149: {  	s0 =	sadd.s32 @!p0 $0xAA8, s31;
	s10 =	simm.s32 @!p0 $0x48;
	s12 =	simm.s32 @!p0 $0x17E00  }
0x14a: {  	[tilespmem:s12], [sflag:$0x6] =	stream.indirect.gather @!p0 [hbm4b:s3+s10], $0x40, s0, s10, $0xb8;
	[tilespmem:$0x1F480] =	vst v63  }
0x14b: {  	_ =	swait.ge [sflag:s26], $0x2000  }
0x14c: {  	[sflag:s26] =	ssyncset.done $0x0  }
0x14d: {  	[sflag:s26] =	ssyncadd.s32 $0xFFFFE000  }
0x14e: {  	_ =	swait.ge [sflag:s26], $0x1200  }
0x14f: {  	[sflag:s26] =	ssyncset.done $0x0  }
0x150: {  	s12 =	simm.s32 $0x19000;
	[sflag:s26] =	ssyncadd.s32 $0xFFFFEE00  }
0x151: {  	v0 =	vld [tilespmem:s12+$0x40]  }
0x152: {  	v4 =	vld [tilespmem:s12+$0x50]  }
0x153: {  	v5 =	vld [tilespmem:s12+$0x60]  }
0x154: {  	v7 =	vld [tilespmem:s12+$0x0]  }
0x155: {  	v9 =	vld [tilespmem:s12+$0x10];
	_ =	sdelay $0x1  }
0x156: {  	v12 =	vimm.f32 $0.0e+00;
	v11 =	vimm.f32 $0.0e+00;
	v2 =	vimm.f32 $0.0e+00  }
0x157: {  	v10 =	vld [tilespmem:s12+$0x20];
	v3 =	vunpack.i.u.bf16.f32 v0;
	v14 =	vunpack.i.l.bf16.f32 v0;
	v1 =	vunpack.i.u.bf16.f32 v4  }
0x158: {  	v13 =	vunpack.i.l.bf16.f32 v4;
	v0 =	vunpack.i.u.bf16.f32 v5;
	v6 =	vunpack.i.l.bf16.f32 v5  }
0x159: {  	v8 =	vld [tilespmem:s12+$0x30];
	v4 =	vunpack.i.u.bf16.f32 v7;
	v5 =	vunpack.i.l.bf16.f32 v7;
	v16 =	vunpack.i.u.bf16.f32 v9  }
0x15a: {  	v18 =	vunpack.i.l.bf16.f32 v9;
	v7 =	vimm.f32 $0.0e+00;
	v17 =	vadd.f32 v5, v2  }
0x15b: {  	s0 =	simm.s32 $0x0;
	s10 =	simm.s32 $0x19080;
	v9 =	vld [tilespmem:s12+$0x70];
	v15 =	vadd.f32 v4, v2;
	v5 =	vimm.f32 $0.0e+00;
	v4 =	vimm.f32 $0.0e+00  }
.LBB2_15:
0x15c: {  	v19 =	vld [tilespmem:s10+$0x40];
	v2 =	vadd.f32 v18, v2;
	v7 =	vadd.f32 v16, v7;
	v16 =	vunpack.i.u.bf16.f32 v10  }
0x15d: {  	v10 =	vunpack.i.l.bf16.f32 v10;
	v18 =	vld [tilespmem:s10+$0x50];
	v17 =	vadd.f32 v14, v17;
	v15 =	vadd.f32 v3, v15  }
0x15e: {  	v20 =	vld [tilespmem:s10+$0x60];
	v3 =	vunpack.i.u.bf16.f32 v8;
	v2 =	vadd.f32 v13, v2;
	v7 =	vadd.f32 v1, v7  }
0x15f: {  	v5 =	vadd.f32 v16, v5;
	v1 =	vadd.f32 v10, v11;
	v8 =	vunpack.i.l.bf16.f32 v8;
	v21 =	vld [tilespmem:s10+$0x0]  }
0x160: {  	s0 =	sadd.s32 $0x2, s0;
	v8 =	vadd.f32 v8, v12;
	v3 =	vadd.f32 v3, v4;
	v22 =	vld [tilespmem:s10+$0x10];
	v4 =	vunpack.i.u.bf16.f32 v9  }
0x161: {  	p1 =	slt.u32 s0, $0xC6;
	v5 =	vadd.f32 v0, v5;
	v11 =	vadd.f32 v6, v1;
	v0 =	vunpack.i.l.bf16.f32 v9  }
.Ltmp8:
0x162: {  	v12 =	vadd.f32 v0, v8;
	v4 =	vadd.f32 v4, v3;
	v10 =	vld [tilespmem:s10+$0x20];
	(pc) =	sbr.rel @p1 .LBB2_15-.Ltmp8, $4  }
0x163: {  	v3 =	vunpack.i.u.bf16.f32 v19;
	v14 =	vunpack.i.l.bf16.f32 v19;
	v1 =	vunpack.i.u.bf16.f32 v18  }
0x164: {  	v13 =	vunpack.i.l.bf16.f32 v18;
	v0 =	vunpack.i.u.bf16.f32 v20;
	v6 =	vunpack.i.l.bf16.f32 v20;
	v8 =	vld [tilespmem:s10+$0x30]  }
0x165: {  	v9 =	vunpack.i.u.bf16.f32 v21;
	v18 =	vunpack.i.l.bf16.f32 v21;
	v16 =	vunpack.i.u.bf16.f32 v22  }
0x166: {  	v17 =	vadd.f32 v18, v17;
	v15 =	vadd.f32 v9, v15;
	v18 =	vunpack.i.l.bf16.f32 v22;
	v9 =	vld [tilespmem:s10+$0x70];
	s10 =	sadd.s32 $0x80, s10  }
0x167: {  	v2 =	vadd.f32 v18, v2  }
0x168: {  	v18 =	vunpack.i.l.bf16.f32 v10;
	v7 =	vadd.f32 v16, v7;
	v14 =	vadd.f32 v14, v17  }
0x169: {  	v10 =	vunpack.i.u.bf16.f32 v10;
	v11 =	vadd.f32 v18, v11;
	v2 =	vadd.f32 v13, v2  }
0x16a: {  	v5 =	vadd.f32 v10, v5;
	v17 =	vunpack.i.l.bf16.f32 v8;
	v1 =	vadd.f32 v1, v7;
	[tilespmem:$0x1F400] =	vst v14  }
0x16b: {  	v12 =	vadd.f32 v17, v12;
	v6 =	vadd.f32 v6, v11;
	[tilespmem:$0x1F410] =	vst v2  }
0x16c: {  	v0 =	vadd.f32 v0, v5;
	v2 =	vadd.f32 v3, v15;
	v3 =	vunpack.i.u.bf16.f32 v8;
	[tilespmem:$0x1F450] =	vst v1  }
0x16d: {  	v11 =	vunpack.i.l.bf16.f32 v9;
	[tilespmem:$0x1F420] =	vst v6;
	v3 =	vadd.f32 v3, v4  }
0x16e: {  	v11 =	vadd.f32 v11, v12;
	v4 =	vunpack.i.u.bf16.f32 v9;
	[tilespmem:$0x1F460] =	vst v0  }
0x16f: {  	s0 =	sadd.s32 $0x60, s1;
	[tilespmem:$0x1F440] =	vst v2;
	v2 =	vadd.f32 v4, v3  }
0x170: {  	s0 =	sand.u32 $0x1FFFFFE0, s0;
	[tilespmem:$0x1F430] =	vst v11  }
0x171: {  	s0 =	sadd.s32 s4, s0;
	[tilespmem:$0x1F470] =	vst v2  }
0x172: {  	[hbm4b:s0+s2] =	stream.linear.scatter [tilespmem:s20], [sflag:$0x9], $0x80, $0x38;
	[tilespmem:$0x1F480] =	vst v63  }
0x173: {  	_ =	swait.ge [sflag:s8], $0x80  }
0x174: {  	s10 =	simm.s32 @!p0 $0x80;
	[sflag:s8] =	ssyncset.done $0x0  }
0x175: {  	s12 =	simm.s32 @!p0 $0x19000;
	s0 =	sadd.s32 @!p0 $0xAF0, s31;
	[sflag:s8] =	ssyncadd.s32 $0xFFFFFF80  }
0x176: {  	[tilespmem:s12], [sflag:$0x7] =	stream.indirect.gather @!p0 [hbm4b:s3+s10], $0x40, s0, s10, $0xb8;
	[tilespmem:$0x1F480] =	vst v63  }
0x177: {  	s0 =	sadd.s32 @!p0 $0xB70, s31;
	s10 =	simm.s32 @!p0 $0x48;
	s12 =	simm.s32 @!p0 $0x1B000  }
0x178: {  	[tilespmem:s12], [sflag:$0x7] =	stream.indirect.gather @!p0 [hbm4b:s3+s10], $0x40, s0, s10, $0xb8;
	[tilespmem:$0x1F480] =	vst v63  }
0x179: {  	_ =	swait.ge [sflag:s28], $0x2000  }
0x17a: {  	[sflag:s28] =	ssyncset.done $0x0  }
0x17b: {  	[sflag:s28] =	ssyncadd.s32 $0xFFFFE000  }
0x17c: {  	_ =	swait.ge [sflag:s28], $0x1200  }
0x17d: {  	[sflag:s28] =	ssyncset.done $0x0  }
0x17e: {  	s31 =	simm.s32 $0x1C200;
	[sflag:s28] =	ssyncadd.s32 $0xFFFFEE00  }
0x17f: {  	v0 =	vld [tilespmem:s31+$0x40]  }
0x180: {  	v4 =	vld [tilespmem:s31+$0x50]  }
0x181: {  	v5 =	vld [tilespmem:s31+$0x60]  }
0x182: {  	v7 =	vld [tilespmem:s31+$0x0]  }
0x183: {  	v9 =	vld [tilespmem:s31+$0x10];
	_ =	sdelay $0x1  }
0x184: {  	v12 =	vimm.f32 $0.0e+00;
	v11 =	vimm.f32 $0.0e+00;
	v2 =	vimm.f32 $0.0e+00  }
0x185: {  	v10 =	vld [tilespmem:s31+$0x20];
	v3 =	vunpack.i.u.bf16.f32 v0;
	v14 =	vunpack.i.l.bf16.f32 v0;
	v1 =	vunpack.i.u.bf16.f32 v4  }
0x186: {  	v13 =	vunpack.i.l.bf16.f32 v4;
	v0 =	vunpack.i.u.bf16.f32 v5;
	v6 =	vunpack.i.l.bf16.f32 v5  }
0x187: {  	v8 =	vld [tilespmem:s31+$0x30];
	v4 =	vunpack.i.u.bf16.f32 v7;
	v5 =	vunpack.i.l.bf16.f32 v7;
	v16 =	vunpack.i.u.bf16.f32 v9  }
0x188: {  	v18 =	vunpack.i.l.bf16.f32 v9;
	v7 =	vimm.f32 $0.0e+00;
	v17 =	vadd.f32 v5, v2  }
0x189: {  	s0 =	simm.s32 $0x0;
	s10 =	simm.s32 $0x1C280;
	v9 =	vld [tilespmem:s31+$0x70];
	v15 =	vadd.f32 v4, v2;
	v5 =	vimm.f32 $0.0e+00;
	v4 =	vimm.f32 $0.0e+00  }
.LBB2_17:
0x18a: {  	v19 =	vld [tilespmem:s10+$0x40];
	v2 =	vadd.f32 v18, v2;
	v7 =	vadd.f32 v16, v7;
	v16 =	vunpack.i.u.bf16.f32 v10  }
0x18b: {  	v10 =	vunpack.i.l.bf16.f32 v10;
	v18 =	vld [tilespmem:s10+$0x50];
	v17 =	vadd.f32 v14, v17;
	v15 =	vadd.f32 v3, v15  }
0x18c: {  	v20 =	vld [tilespmem:s10+$0x60];
	v3 =	vunpack.i.u.bf16.f32 v8;
	v2 =	vadd.f32 v13, v2;
	v7 =	vadd.f32 v1, v7  }
0x18d: {  	v5 =	vadd.f32 v16, v5;
	v1 =	vadd.f32 v10, v11;
	v8 =	vunpack.i.l.bf16.f32 v8;
	v21 =	vld [tilespmem:s10+$0x0]  }
0x18e: {  	s0 =	sadd.s32 $0x2, s0;
	v8 =	vadd.f32 v8, v12;
	v3 =	vadd.f32 v3, v4;
	v22 =	vld [tilespmem:s10+$0x10];
	v4 =	vunpack.i.u.bf16.f32 v9  }
0x18f: {  	p1 =	slt.u32 s0, $0xC6;
	v5 =	vadd.f32 v0, v5;
	v11 =	vadd.f32 v6, v1;
	v0 =	vunpack.i.l.bf16.f32 v9  }
.Ltmp9:
0x190: {  	v12 =	vadd.f32 v0, v8;
	v4 =	vadd.f32 v4, v3;
	v10 =	vld [tilespmem:s10+$0x20];
	(pc) =	sbr.rel @p1 .LBB2_17-.Ltmp9, $4  }
0x191: {  	v3 =	vunpack.i.u.bf16.f32 v19;
	v14 =	vunpack.i.l.bf16.f32 v19;
	v1 =	vunpack.i.u.bf16.f32 v18  }
0x192: {  	v13 =	vunpack.i.l.bf16.f32 v18;
	v0 =	vunpack.i.u.bf16.f32 v20;
	v6 =	vunpack.i.l.bf16.f32 v20;
	v8 =	vld [tilespmem:s10+$0x30]  }
0x193: {  	v9 =	vunpack.i.u.bf16.f32 v21;
	v18 =	vunpack.i.l.bf16.f32 v21;
	v16 =	vunpack.i.u.bf16.f32 v22  }
0x194: {  	v17 =	vadd.f32 v18, v17;
	v15 =	vadd.f32 v9, v15;
	v18 =	vunpack.i.l.bf16.f32 v22;
	v9 =	vld [tilespmem:s10+$0x70];
	s10 =	sadd.s32 $0x80, s10  }
0x195: {  	_ = 	snop  }
0x196: {  	v2 =	vadd.f32 v18, v2;
	v14 =	vadd.f32 v14, v17  }
0x197: {  	v56 =	vunpack.i.l.bf16.f32 v10;
	v7 =	vadd.f32 v16, v7;
	v60 =	vadd.f32 v3, v15  }
0x198: {  	v59 =	vunpack.i.u.bf16.f32 v10;
	v11 =	vadd.f32 v56, v11;
	v2 =	vadd.f32 v13, v2;
	[tilespmem:$0x1F400] =	vst v14  }
0x199: {  	v5 =	vadd.f32 v59, v5;
	v57 =	vunpack.i.l.bf16.f32 v8;
	v1 =	vadd.f32 v1, v7;
	[tilespmem:$0x1F440] =	vst v60  }
0x19a: {  	v61 =	vunpack.i.u.bf16.f32 v8;
	v12 =	vadd.f32 v57, v12;
	v6 =	vadd.f32 v6, v11;
	[tilespmem:$0x1F410] =	vst v2  }
0x19b: {  	v3 =	vadd.f32 v61, v4;
	v0 =	vadd.f32 v0, v5;
	v58 =	vunpack.i.l.bf16.f32 v9;
	[tilespmem:$0x1F450] =	vst v1  }
0x19c: {  	v62 =	vunpack.i.u.bf16.f32 v9;
	v11 =	vadd.f32 v58, v12;
	[tilespmem:$0x1F420] =	vst v6  }
0x19d: {  	s0 =	sadd.s32 $0x70, s1;
	v63 =	vadd.f32 v62, v3;
	[tilespmem:$0x1F460] =	vst v0  }
0x19e: {  	s0 =	sand.u32 $0x1FFFFFF0, s0;
	[tilespmem:$0x1F430] =	vst v11  }
.Ltmp10:
0x19f: {  	s0 =	sadd.s32 s4, s0;
	[tilespmem:$0x1F470] =	vst v63;
	(pc) =	sbr.rel @p0 .LBB2_20-.Ltmp10, $4  }
0x1a0: {  	[hbm4b:s0+s2] =	stream.linear.scatter [tilespmem:s20], [sflag:$0x9], $0x80, $0x38;
	[tilespmem:$0x1F480] =	vst v63  }
0x1a1: {  	_ =	swait.ge [sflag:s8], $0x80  }
0x1a2: {  	[sflag:s8] =	ssyncset.done $0x0  }
0x1a3: {  	[sflag:s8] =	ssyncadd.s32 $0xFFFFFF80  }
0x1a4: {  	s0 =	smul.u32 $0x1900, s30;
	_ =	sdelay $0x1  }
.Ltmp11:
0x1a5: {  	s0 =	sshra.s32 s0, $0x2;
	(pc) =	sbr.rel .LBB2_2-.Ltmp11, $4  }
0x1a6: {  	s1 =	sadd.s32 $0xBB8, s0  }
0x1a7: {  	[tilespmem:s16], [sflag:$0x8] =	stream.indirect.gather [hbm4b:s3+s9], $0x40, s1, s9, $0xb8;
	[tilespmem:$0x1F480] =	vst v63  }
0x1a8: {  	s30 =	sadd.s32 $0x1, s30;
	s0 =	sadd.s32 $0xC38, s0  }
0x1a9: {  	[tilespmem:s18], [sflag:$0x8] =	stream.indirect.gather [hbm4b:s3+s11], $0x40, s0, s11, $0xb8;
	[tilespmem:$0x1F480] =	vst v63  }
.LBB2_21:
0x1aa: {  	_ =	sfence.sel $0x180000  }
0x1ab: {  	[bflag:$0x0] =	sbarrier.arrive $0xFFFF  }
0x1ac: {  	_ =	strace $0x90000047  }
0x1ad: {  	s0 =	stileid.u32;
	[bflag:$0x2] =	sbarrier.arrive $0xFFFF  }
0x1ae: {  	p0 =	sne.s32 s0, $0x0;
	s0 =	rddreg [dreg:$0x1]  }
0x1af: {  	s0 =	sadd.s32 @!p0 $0x100000, s0  }
0x1b0: {  	[sflag:s0] =	ssyncadd.tile.s32 @!p0 $0x1;
	_ =	shalt  }
.Lfunc_end2:
_tile_overlayer_lowered:
.L_overlay_start_2:
0x1b1: {  	(tag) =	ssettag $0x2  }
0x1b2: {  	s0 =	rddreg [dreg:$0x0];
	s2 =	stileid.u32  }
0x1b3: {  	s1 =	rddreg [dreg:$0x1];
	p0 =	sne.s32 s2, $0x0  }
0x1b4: {  	s3 =	rddreg [dreg:$0x2];
	[bflag:$0x3] =	sbarrier.arrive $0xFFFF;
	s2 =	simm.s32 @!p0 $0x1C09  }
0x1b5: {  	[timem:s3], [sflag:s2] =	dma.local @!p0 [hbm:s0], s1  }
0x1b6: {  	s0 =	simm.s32 @!p0 $0x9  }
0x1b7: {  	_ =	swait.ge @!p0 [sflag:s0], s1  }
0x1b8: {  	s1 =	ssub.s32 @!p0 $0x0, s1;
	[sflag:s0] =	ssyncset.done @!p0 $0x0  }
0x1b9: {  	[sflag:s0] =	ssyncadd.s32 @!p0 s1  }
0x1ba: {  	[bflag:$0x3] =	sbarrier.arrive $0xFFFF  }
0x1bb: {  	_ =	shalt  }

</sc_bundles>
